<compile_context>
chip_gen: v7x
topology: tpu7x:2x2x1
jax: 0.10.2.dev20260603
libtpu: 0.0.44.dev20260713+nightly
codegen_flags: <defaults>
</compile_context>

<pallas_src>
import functools

import jax
import jax.numpy as jnp
from jax import lax
from jax.experimental import pallas as pl
from jax.experimental.pallas import tpu as pltpu
from jax.experimental.pallas import tpu_sc as plsc

NC = 2
NS = 16
NW = NC * NS
LANES = 16
NBUF = 4


@jax.jit
def _sc_add(x, pe):
    seq, d = x.shape
    rows_per_w = seq // NW
    chunk = min(rows_per_w, max(1, 8192 // d))
    n_chunks = rows_per_w // chunk
    vecs_per_row = d // LANES

    mesh = plsc.VectorSubcoreMesh(core_axis_name="c", subcore_axis_name="s")

    @functools.partial(
        pl.kernel,
        out_type=jax.ShapeDtypeStruct((seq, d), jnp.float32),
        mesh=mesh,
        scratch_types=[
            pltpu.VMEM((NBUF, chunk, d), jnp.float32),
            pltpu.VMEM((NBUF, chunk, d), jnp.float32),
            pltpu.SemaphoreType.DMA((NBUF,)),
            pltpu.SemaphoreType.DMA((NBUF,)),
            pltpu.SemaphoreType.DMA((NBUF,)),
        ],
    )
    def k(x_hbm, p_hbm, o_hbm, x_v, p_v, ldx_sem, ldp_sem, st_sem):
        wid = lax.axis_index("s") * NC + lax.axis_index("c")
        base = wid * rows_per_w

        loads = {}
        stores = {}

        def start_load(c):
            b = c % NBUF
            off = base + c * chunk
            loads[c] = (
                pltpu.make_async_copy(
                    x_hbm.at[pl.ds(off, chunk), :], x_v.at[b], ldx_sem.at[b]
                ),
                pltpu.make_async_copy(
                    p_hbm.at[pl.ds(off, chunk), :], p_v.at[b], ldp_sem.at[b]
                ),
            )
            loads[c][0].start()
            loads[c][1].start()

        for c in range(min(NBUF, n_chunks)):
            start_load(c)

        for c in range(n_chunks):
            b = c % NBUF
            for dsc in loads.pop(c):
                dsc.wait()

            @plsc.parallel_loop(0, chunk, unroll=8)
            def _(r):
                for j in range(vecs_per_row):
                    s = pl.ds(j * LANES, LANES)
                    x_v[b, r, s] = x_v[b, r, s] + p_v[b, r, s]

            off = base + c * chunk
            stores[c] = pltpu.make_async_copy(
                x_v.at[b], o_hbm.at[pl.ds(off, chunk), :], st_sem.at[b]
            )
            stores[c].start()

            nxt = c + NBUF
            if nxt < n_chunks:
                stores.pop(nxt - NBUF).wait()
                start_load(nxt)

        for dsc in stores.values():
            dsc.wait()

    return k(x, pe)


def kernel(x, pe):
    return _sc_add(x, pe[: x.shape[0]])

# --- scband reference (transcript-rebuilt; emitter-appended) ---
"""Pipeline reference for scband-learnable-positional-encoding-15865609191429 (READ-ONLY COPY).

The authoritative reference and input builder live on the scoring server;
editing this copy changes nothing except your own understanding.
"""

import jax, jax.numpy as jnp
import numpy as np

SEQ = 32768
D_MODEL = 64
MAX_LEN = 32768

def setup_inputs(seed: int = 0) -> dict:
    key = jax.random.key(seed)
    kx, kpe = jax.random.split(key)
    x = jax.random.normal(kx, (SEQ, D_MODEL), dtype=jnp.float32)
    # learned positional embedding table, init normal(mean=0, std=0.02)
    pe = jax.random.normal(kpe, (MAX_LEN, D_MODEL), dtype=jnp.float32) * 0.02
    return {"x": x, "pe": pe}

def reference(x, pe):
    position = jnp.arange(x.shape[0], dtype=jnp.int32)
    out = x + jnp.take(pe, position, axis=0)
    return out

if __name__ == "__main__":
    import jax
    _d = setup_inputs()
    print(jax.jit(kernel)(*tuple(_d.values())))

</pallas_src>

<mosaic_0001>
#map = affine_map<(d0, d1) -> (0, 0)>
module attributes {stable_mosaic.version = 14 : i64} {
  func.func @k(%arg0: i32, %arg1: i32, %arg2: memref<32768x64xf32, #tpu.memory_space<hbm>>, %arg3: memref<32768x64xf32, #tpu.memory_space<hbm>>, %arg4: memref<32768x64xf32, #tpu.memory_space<hbm>>, %arg5: memref<4x128x64xf32, #tpu.memory_space<vmem>>, %arg6: memref<4x128x64xf32, #tpu.memory_space<vmem>>, %arg7: memref<4x!tpu.dma_semaphore, #tpu.memory_space<semaphore_mem>>, %arg8: memref<4x!tpu.dma_semaphore, #tpu.memory_space<semaphore_mem>>, %arg9: memref<4x!tpu.dma_semaphore, #tpu.memory_space<semaphore_mem>>) attributes {dimension_semantics = [#tpu.dimension_semantics<core_parallel>, #tpu.dimension_semantics<subcore_parallel>], iteration_bounds = array<i64: 2, 16>, scalar_prefetch = 0 : i64, scratch_operands = 5 : i64, tpu.core_type = #tpu.core_type<sc_vector_subcore>, window_params = [{transform_indices = #map}, {transform_indices = #map}, {transform_indices = #map}]} {
    %mul3A = arith.constant 2 : i32
    %mul3A_0 = arith.muli %arg1, %mul3A : i32
    %add3A = arith.addi %mul3A_0, %arg0 : i32
    %mul3A_1 = arith.constant 1024 : i32
    %mul3A_2 = arith.muli %add3A, %mul3A_1 : i32
    %add3A_3 = arith.constant 0 : i32
    %add3A_4 = arith.addi %mul3A_2, %add3A_3 : i32
    %dma_start3A = arith.constant 0 : i32
    %dma_start3A_5 = arith.constant 0 : i32
    %dma_start3A_6 = arith.constant 0 : i32
    %dma_start3A_7 = arith.constant 0 : i32
    %dma_start3A_8 = tpu.memref_slice %arg5[%dma_start3A, %dma_start3A_6, %dma_start3A_7] : memref<4x128x64xf32, #tpu.memory_space<vmem>> -> memref<1x128x64xf32, #tpu.memory_space<vmem>>
    %dma_start3A_9 = tpu.memref_squeeze %dma_start3A_8 : memref<1x128x64xf32, #tpu.memory_space<vmem>> -> memref<128x64xf32, #tpu.memory_space<vmem>>
    %dma_start3A_10 = arith.constant 0 : i32
    %dma_start3A_11 = tpu.memref_slice %arg2[%add3A_4, %dma_start3A_10] : memref<32768x64xf32, #tpu.memory_space<hbm>> -> memref<128x64xf32, #tpu.memory_space<hbm>>
    %dma_start3A_12 = tpu.memref_slice %arg7[%dma_start3A_5] : memref<4x!tpu.dma_semaphore, #tpu.memory_space<semaphore_mem>> -> memref<1x!tpu.dma_semaphore, #tpu.memory_space<semaphore_mem>>
    %dma_start3A_13 = tpu.memref_squeeze %dma_start3A_12 : memref<1x!tpu.dma_semaphore, #tpu.memory_space<semaphore_mem>> -> memref<!tpu.dma_semaphore, #tpu.memory_space<semaphore_mem>>
    %dma_start3A_14 = arith.constant 0 : i32
    %dma_start3A_15 = arith.constant 0 : i32
    %dma_start3A_16 = tpu.memref_slice %arg5[%dma_start3A, %dma_start3A_14, %dma_start3A_15] : memref<4x128x64xf32, #tpu.memory_space<vmem>> -> memref<1x128x64xf32, #tpu.memory_space<vmem>>
    %dma_start3A_17 = tpu.memref_squeeze %dma_start3A_16 : memref<1x128x64xf32, #tpu.memory_space<vmem>> -> memref<128x64xf32, #tpu.memory_space<vmem>>
    %dma_start3A_18 = arith.constant 0 : i32
    %dma_start3A_19 = tpu.memref_slice %arg2[%add3A_4, %dma_start3A_18] : memref<32768x64xf32, #tpu.memory_space<hbm>> -> memref<128x64xf32, #tpu.memory_space<hbm>>
    tpu.enqueue_dma source(%dma_start3A_19 : memref<128x64xf32, #tpu.memory_space<hbm>>) target(%dma_start3A_17 : memref<128x64xf32, #tpu.memory_space<vmem>>) target_semaphore(%dma_start3A_13 : memref<!tpu.dma_semaphore, #tpu.memory_space<semaphore_mem>>)
    %dma_start3A_20 = arith.constant 0 : i32
    %dma_start3A_21 = arith.constant 0 : i32
    %dma_start3A_22 = arith.constant 0 : i32
    %dma_start3A_23 = arith.constant 0 : i32
    %dma_start3A_24 = tpu.memref_slice %arg6[%dma_start3A_20, %dma_start3A_22, %dma_start3A_23] : memref<4x128x64xf32, #tpu.memory_space<vmem>> -> memref<1x128x64xf32, #tpu.memory_space<vmem>>
    %dma_start3A_25 = tpu.memref_squeeze %dma_start3A_24 : memref<1x128x64xf32, #tpu.memory_space<vmem>> -> memref<128x64xf32, #tpu.memory_space<vmem>>
    %dma_start3A_26 = arith.constant 0 : i32
    %dma_start3A_27 = tpu.memref_slice %arg3[%add3A_4, %dma_start3A_26] : memref<32768x64xf32, #tpu.memory_space<hbm>> -> memref<128x64xf32, #tpu.memory_space<hbm>>
    %dma_start3A_28 = tpu.memref_slice %arg8[%dma_start3A_21] : memref<4x!tpu.dma_semaphore, #tpu.memory_space<semaphore_mem>> -> memref<1x!tpu.dma_semaphore, #tpu.memory_space<semaphore_mem>>
    %dma_start3A_29 = tpu.memref_squeeze %dma_start3A_28 : memref<1x!tpu.dma_semaphore, #tpu.memory_space<semaphore_mem>> -> memref<!tpu.dma_semaphore, #tpu.memory_space<semaphore_mem>>
    %dma_start3A_30 = arith.constant 0 : i32
    %dma_start3A_31 = arith.constant 0 : i32
    %dma_start3A_32 = tpu.memref_slice %arg6[%dma_start3A_20, %dma_start3A_30, %dma_start3A_31] : memref<4x128x64xf32, #tpu.memory_space<vmem>> -> memref<1x128x64xf32, #tpu.memory_space<vmem>>
    %dma_start3A_33 = tpu.memref_squeeze %dma_start3A_32 : memref<1x128x64xf32, #tpu.memory_space<vmem>> -> memref<128x64xf32, #tpu.memory_space<vmem>>
    %dma_start3A_34 = arith.constant 0 : i32
    %dma_start3A_35 = tpu.memref_slice %arg3[%add3A_4, %dma_start3A_34] : memref<32768x64xf32, #tpu.memory_space<hbm>> -> memref<128x64xf32, #tpu.memory_space<hbm>>
    tpu.enqueue_dma source(%dma_start3A_35 : memref<128x64xf32, #tpu.memory_space<hbm>>) target(%dma_start3A_33 : memref<128x64xf32, #tpu.memory_space<vmem>>) target_semaphore(%dma_start3A_29 : memref<!tpu.dma_semaphore, #tpu.memory_space<semaphore_mem>>)
    %add3A_36 = arith.constant 128 : i32
    %add3A_37 = arith.addi %mul3A_2, %add3A_36 : i32
    %dma_start3A_38 = arith.constant 1 : i32
    %dma_start3A_39 = arith.constant 1 : i32
    %dma_start3A_40 = arith.constant 0 : i32
    %dma_start3A_41 = arith.constant 0 : i32
    %dma_start3A_42 = tpu.memref_slice %arg5[%dma_start3A_38, %dma_start3A_40, %dma_start3A_41] : memref<4x128x64xf32, #tpu.memory_space<vmem>> -> memref<1x128x64xf32, #tpu.memory_space<vmem>>
    %dma_start3A_43 = tpu.memref_squeeze %dma_start3A_42 : memref<1x128x64xf32, #tpu.memory_space<vmem>> -> memref<128x64xf32, #tpu.memory_space<vmem>>
    %dma_start3A_44 = arith.constant 0 : i32
    %dma_start3A_45 = tpu.memref_slice %arg2[%add3A_37, %dma_start3A_44] : memref<32768x64xf32, #tpu.memory_space<hbm>> -> memref<128x64xf32, #tpu.memory_space<hbm>>
    %dma_start3A_46 = tpu.memref_slice %arg7[%dma_start3A_39] : memref<4x!tpu.dma_semaphore, #tpu.memory_space<semaphore_mem>> -> memref<1x!tpu.dma_semaphore, #tpu.memory_space<semaphore_mem>>
    %dma_start3A_47 = tpu.memref_squeeze %dma_start3A_46 : memref<1x!tpu.dma_semaphore, #tpu.memory_space<semaphore_mem>> -> memref<!tpu.dma_semaphore, #tpu.memory_space<semaphore_mem>>
    %dma_start3A_48 = arith.constant 0 : i32
    %dma_start3A_49 = arith.constant 0 : i32
    %dma_start3A_50 = tpu.memref_slice %arg5[%dma_start3A_38, %dma_start3A_48, %dma_start3A_49] : memref<4x128x64xf32, #tpu.memory_space<vmem>> -> memref<1x128x64xf32, #tpu.memory_space<vmem>>
    %dma_start3A_51 = tpu.memref_squeeze %dma_start3A_50 : memref<1x128x64xf32, #tpu.memory_space<vmem>> -> memref<128x64xf32, #tpu.memory_space<vmem>>
    %dma_start3A_52 = arith.constant 0 : i32
    %dma_start3A_53 = tpu.memref_slice %arg2[%add3A_37, %dma_start3A_52] : memref<32768x64xf32, #tpu.memory_space<hbm>> -> memref<128x64xf32, #tpu.memory_space<hbm>>
    tpu.enqueue_dma source(%dma_start3A_53 : memref<128x64xf32, #tpu.memory_space<hbm>>) target(%dma_start3A_51 : memref<128x64xf32, #tpu.memory_space<vmem>>) target_semaphore(%dma_start3A_47 : memref<!tpu.dma_semaphore, #tpu.memory_space<semaphore_mem>>)
    %dma_start3A_54 = arith.constant 1 : i32
    %dma_start3A_55 = arith.constant 1 : i32
    %dma_start3A_56 = arith.constant 0 : i32
    %dma_start3A_57 = arith.constant 0 : i32
    %dma_start3A_58 = tpu.memref_slice %arg6[%dma_start3A_54, %dma_start3A_56, %dma_start3A_57] : memref<4x128x64xf32, #tpu.memory_space<vmem>> -> memref<1x128x64xf32, #tpu.memory_space<vmem>>
    %dma_start3A_59 = tpu.memref_squeeze %dma_start3A_58 : memref<1x128x64xf32, #tpu.memory_space<vmem>> -> memref<128x64xf32, #tpu.memory_space<vmem>>
    %dma_start3A_60 = arith.constant 0 : i32
    %dma_start3A_61 = tpu.memref_slice %arg3[%add3A_37, %dma_start3A_60] : memref<32768x64xf32, #tpu.memory_space<hbm>> -> memref<128x64xf32, #tpu.memory_space<hbm>>
    %dma_start3A_62 = tpu.memref_slice %arg8[%dma_start3A_55] : memref<4x!tpu.dma_semaphore, #tpu.memory_space<semaphore_mem>> -> memref<1x!tpu.dma_semaphore, #tpu.memory_space<semaphore_mem>>
    %dma_start3A_63 = tpu.memref_squeeze %dma_start3A_62 : memref<1x!tpu.dma_semaphore, #tpu.memory_space<semaphore_mem>> -> memref<!tpu.dma_semaphore, #tpu.memory_space<semaphore_mem>>
    %dma_start3A_64 = arith.constant 0 : i32
    %dma_start3A_65 = arith.constant 0 : i32
    %dma_start3A_66 = tpu.memref_slice %arg6[%dma_start3A_54, %dma_start3A_64, %dma_start3A_65] : memref<4x128x64xf32, #tpu.memory_space<vmem>> -> memref<1x128x64xf32, #tpu.memory_space<vmem>>
    %dma_start3A_67 = tpu.memref_squeeze %dma_start3A_66 : memref<1x128x64xf32, #tpu.memory_space<vmem>> -> memref<128x64xf32, #tpu.memory_space<vmem>>
    %dma_start3A_68 = arith.constant 0 : i32
    %dma_start3A_69 = tpu.memref_slice %arg3[%add3A_37, %dma_start3A_68] : memref<32768x64xf32, #tpu.memory_space<hbm>> -> memref<128x64xf32, #tpu.memory_space<hbm>>
    tpu.enqueue_dma source(%dma_start3A_69 : memref<128x64xf32, #tpu.memory_space<hbm>>) target(%dma_start3A_67 : memref<128x64xf32, #tpu.memory_space<vmem>>) target_semaphore(%dma_start3A_63 : memref<!tpu.dma_semaphore, #tpu.memory_space<semaphore_mem>>)
    %add3A_70 = arith.constant 256 : i32
    %add3A_71 = arith.addi %mul3A_2, %add3A_70 : i32
    %dma_start3A_72 = arith.constant 2 : i32
    %dma_start3A_73 = arith.constant 2 : i32
    %dma_start3A_74 = arith.constant 0 : i32
    %dma_start3A_75 = arith.constant 0 : i32
    %dma_start3A_76 = tpu.memref_slice %arg5[%dma_start3A_72, %dma_start3A_74, %dma_start3A_75] : memref<4x128x64xf32, #tpu.memory_space<vmem>> -> memref<1x128x64xf32, #tpu.memory_space<vmem>>
    %dma_start3A_77 = tpu.memref_squeeze %dma_start3A_76 : memref<1x128x64xf32, #tpu.memory_space<vmem>> -> memref<128x64xf32, #tpu.memory_space<vmem>>
    %dma_start3A_78 = arith.constant 0 : i32
    %dma_start3A_79 = tpu.memref_slice %arg2[%add3A_71, %dma_start3A_78] : memref<32768x64xf32, #tpu.memory_space<hbm>> -> memref<128x64xf32, #tpu.memory_space<hbm>>
    %dma_start3A_80 = tpu.memref_slice %arg7[%dma_start3A_73] : memref<4x!tpu.dma_semaphore, #tpu.memory_space<semaphore_mem>> -> memref<1x!tpu.dma_semaphore, #tpu.memory_space<semaphore_mem>>
    %dma_start3A_81 = tpu.memref_squeeze %dma_start3A_80 : memref<1x!tpu.dma_semaphore, #tpu.memory_space<semaphore_mem>> -> memref<!tpu.dma_semaphore, #tpu.memory_space<semaphore_mem>>
    %dma_start3A_82 = arith.constant 0 : i32
    %dma_start3A_83 = arith.constant 0 : i32
    %dma_start3A_84 = tpu.memref_slice %arg5[%dma_start3A_72, %dma_start3A_82, %dma_start3A_83] : memref<4x128x64xf32, #tpu.memory_space<vmem>> -> memref<1x128x64xf32, #tpu.memory_space<vmem>>
    %dma_start3A_85 = tpu.memref_squeeze %dma_start3A_84 : memref<1x128x64xf32, #tpu.memory_space<vmem>> -> memref<128x64xf32, #tpu.memory_space<vmem>>
    %dma_start3A_86 = arith.constant 0 : i32
    %dma_start3A_87 = tpu.memref_slice %arg2[%add3A_71, %dma_start3A_86] : memref<32768x64xf32, #tpu.memory_space<hbm>> -> memref<128x64xf32, #tpu.memory_space<hbm>>
    tpu.enqueue_dma source(%dma_start3A_87 : memref<128x64xf32, #tpu.memory_space<hbm>>) target(%dma_start3A_85 : memref<128x64xf32, #tpu.memory_space<vmem>>) target_semaphore(%dma_start3A_81 : memref<!tpu.dma_semaphore, #tpu.memory_space<semaphore_mem>>)
    %dma_start3A_88 = arith.constant 2 : i32
    %dma_start3A_89 = arith.constant 2 : i32
    %dma_start3A_90 = arith.constant 0 : i32
    %dma_start3A_91 = arith.constant 0 : i32
    %dma_start3A_92 = tpu.memref_slice %arg6[%dma_start3A_88, %dma_start3A_90, %dma_start3A_91] : memref<4x128x64xf32, #tpu.memory_space<vmem>> -> memref<1x128x64xf32, #tpu.memory_space<vmem>>
    %dma_start3A_93 = tpu.memref_squeeze %dma_start3A_92 : memref<1x128x64xf32, #tpu.memory_space<vmem>> -> memref<128x64xf32, #tpu.memory_space<vmem>>
    %dma_start3A_94 = arith.constant 0 : i32
    %dma_start3A_95 = tpu.memref_slice %arg3[%add3A_71, %dma_start3A_94] : memref<32768x64xf32, #tpu.memory_space<hbm>> -> memref<128x64xf32, #tpu.memory_space<hbm>>
    %dma_start3A_96 = tpu.memref_slice %arg8[%dma_start3A_89] : memref<4x!tpu.dma_semaphore, #tpu.memory_space<semaphore_mem>> -> memref<1x!tpu.dma_semaphore, #tpu.memory_space<semaphore_mem>>
    %dma_start3A_97 = tpu.memref_squeeze %dma_start3A_96 : memref<1x!tpu.dma_semaphore, #tpu.memory_space<semaphore_mem>> -> memref<!tpu.dma_semaphore, #tpu.memory_space<semaphore_mem>>
    %dma_start3A_98 = arith.constant 0 : i32
    %dma_start3A_99 = arith.constant 0 : i32
    %dma_start3A_100 = tpu.memref_slice %arg6[%dma_start3A_88, %dma_start3A_98, %dma_start3A_99] : memref<4x128x64xf32, #tpu.memory_space<vmem>> -> memref<1x128x64xf32, #tpu.memory_space<vmem>>
    %dma_start3A_101 = tpu.memref_squeeze %dma_start3A_100 : memref<1x128x64xf32, #tpu.memory_space<vmem>> -> memref<128x64xf32, #tpu.memory_space<vmem>>
    %dma_start3A_102 = arith.constant 0 : i32
    %dma_start3A_103 = tpu.memref_slice %arg3[%add3A_71, %dma_start3A_102] : memref<32768x64xf32, #tpu.memory_space<hbm>> -> memref<128x64xf32, #tpu.memory_space<hbm>>
    tpu.enqueue_dma source(%dma_start3A_103 : memref<128x64xf32, #tpu.memory_space<hbm>>) target(%dma_start3A_101 : memref<128x64xf32, #tpu.memory_space<vmem>>) target_semaphore(%dma_start3A_97 : memref<!tpu.dma_semaphore, #tpu.memory_space<semaphore_mem>>)
    %add3A_104 = arith.constant 384 : i32
    %add3A_105 = arith.addi %mul3A_2, %add3A_104 : i32
    %dma_start3A_106 = arith.constant 3 : i32
    %dma_start3A_107 = arith.constant 3 : i32
    %dma_start3A_108 = arith.constant 0 : i32
    %dma_start3A_109 = arith.constant 0 : i32
    %dma_start3A_110 = tpu.memref_slice %arg5[%dma_start3A_106, %dma_start3A_108, %dma_start3A_109] : memref<4x128x64xf32, #tpu.memory_space<vmem>> -> memref<1x128x64xf32, #tpu.memory_space<vmem>>
    %dma_start3A_111 = tpu.memref_squeeze %dma_start3A_110 : memref<1x128x64xf32, #tpu.memory_space<vmem>> -> memref<128x64xf32, #tpu.memory_space<vmem>>
    %dma_start3A_112 = arith.constant 0 : i32
    %dma_start3A_113 = tpu.memref_slice %arg2[%add3A_105, %dma_start3A_112] : memref<32768x64xf32, #tpu.memory_space<hbm>> -> memref<128x64xf32, #tpu.memory_space<hbm>>
    %dma_start3A_114 = tpu.memref_slice %arg7[%dma_start3A_107] : memref<4x!tpu.dma_semaphore, #tpu.memory_space<semaphore_mem>> -> memref<1x!tpu.dma_semaphore, #tpu.memory_space<semaphore_mem>>
    %dma_start3A_115 = tpu.memref_squeeze %dma_start3A_114 : memref<1x!tpu.dma_semaphore, #tpu.memory_space<semaphore_mem>> -> memref<!tpu.dma_semaphore, #tpu.memory_space<semaphore_mem>>
    %dma_start3A_116 = arith.constant 0 : i32
    %dma_start3A_117 = arith.constant 0 : i32
    %dma_start3A_118 = tpu.memref_slice %arg5[%dma_start3A_106, %dma_start3A_116, %dma_start3A_117] : memref<4x128x64xf32, #tpu.memory_space<vmem>> -> memref<1x128x64xf32, #tpu.memory_space<vmem>>
    %dma_start3A_119 = tpu.memref_squeeze %dma_start3A_118 : memref<1x128x64xf32, #tpu.memory_space<vmem>> -> memref<128x64xf32, #tpu.memory_space<vmem>>
    %dma_start3A_120 = arith.constant 0 : i32
    %dma_start3A_121 = tpu.memref_slice %arg2[%add3A_105, %dma_start3A_120] : memref<32768x64xf32, #tpu.memory_space<hbm>> -> memref<128x64xf32, #tpu.memory_space<hbm>>
    tpu.enqueue_dma source(%dma_start3A_121 : memref<128x64xf32, #tpu.memory_space<hbm>>) target(%dma_start3A_119 : memref<128x64xf32, #tpu.memory_space<vmem>>) target_semaphore(%dma_start3A_115 : memref<!tpu.dma_semaphore, #tpu.memory_space<semaphore_mem>>)
    %dma_start3A_122 = arith.constant 3 : i32
    %dma_start3A_123 = arith.constant 3 : i32
    %dma_start3A_124 = arith.constant 0 : i32
    %dma_start3A_125 = arith.constant 0 : i32
    %dma_start3A_126 = tpu.memref_slice %arg6[%dma_start3A_122, %dma_start3A_124, %dma_start3A_125] : memref<4x128x64xf32, #tpu.memory_space<vmem>> -> memref<1x128x64xf32, #tpu.memory_space<vmem>>
    %dma_start3A_127 = tpu.memref_squeeze %dma_start3A_126 : memref<1x128x64xf32, #tpu.memory_space<vmem>> -> memref<128x64xf32, #tpu.memory_space<vmem>>
    %dma_start3A_128 = arith.constant 0 : i32
    %dma_start3A_129 = tpu.memref_slice %arg3[%add3A_105, %dma_start3A_128] : memref<32768x64xf32, #tpu.memory_space<hbm>> -> memref<128x64xf32, #tpu.memory_space<hbm>>
    %dma_start3A_130 = tpu.memref_slice %arg8[%dma_start3A_123] : memref<4x!tpu.dma_semaphore, #tpu.memory_space<semaphore_mem>> -> memref<1x!tpu.dma_semaphore, #tpu.memory_space<semaphore_mem>>
    %dma_start3A_131 = tpu.memref_squeeze %dma_start3A_130 : memref<1x!tpu.dma_semaphore, #tpu.memory_space<semaphore_mem>> -> memref<!tpu.dma_semaphore, #tpu.memory_space<semaphore_mem>>
    %dma_start3A_132 = arith.constant 0 : i32
    %dma_start3A_133 = arith.constant 0 : i32
    %dma_start3A_134 = tpu.memref_slice %arg6[%dma_start3A_122, %dma_start3A_132, %dma_start3A_133] : memref<4x128x64xf32, #tpu.memory_space<vmem>> -> memref<1x128x64xf32, #tpu.memory_space<vmem>>
    %dma_start3A_135 = tpu.memref_squeeze %dma_start3A_134 : memref<1x128x64xf32, #tpu.memory_space<vmem>> -> memref<128x64xf32, #tpu.memory_space<vmem>>
    %dma_start3A_136 = arith.constant 0 : i32
    %dma_start3A_137 = tpu.memref_slice %arg3[%add3A_105, %dma_start3A_136] : memref<32768x64xf32, #tpu.memory_space<hbm>> -> memref<128x64xf32, #tpu.memory_space<hbm>>
    tpu.enqueue_dma source(%dma_start3A_137 : memref<128x64xf32, #tpu.memory_space<hbm>>) target(%dma_start3A_135 : memref<128x64xf32, #tpu.memory_space<vmem>>) target_semaphore(%dma_start3A_131 : memref<!tpu.dma_semaphore, #tpu.memory_space<semaphore_mem>>)
    %dma_wait3A = arith.constant 0 : i32
    %dma_wait3A_138 = arith.constant 0 : i32
    %dma_wait3A_139 = arith.constant 0 : i32
    %dma_wait3A_140 = arith.constant 0 : i32
    %dma_wait3A_141 = tpu.memref_slice %arg5[%dma_wait3A, %dma_wait3A_139, %dma_wait3A_140] : memref<4x128x64xf32, #tpu.memory_space<vmem>> -> memref<1x128x64xf32, #tpu.memory_space<vmem>>
    %dma_wait3A_142 = tpu.memref_squeeze %dma_wait3A_141 : memref<1x128x64xf32, #tpu.memory_space<vmem>> -> memref<128x64xf32, #tpu.memory_space<vmem>>
    %dma_wait3A_143 = arith.constant 0 : i32
    %dma_wait3A_144 = tpu.memref_slice %arg2[%add3A_4, %dma_wait3A_143] : memref<32768x64xf32, #tpu.memory_space<hbm>> -> memref<128x64xf32, #tpu.memory_space<hbm>>
    %dma_wait3A_145 = tpu.memref_slice %arg7[%dma_wait3A_138] : memref<4x!tpu.dma_semaphore, #tpu.memory_space<semaphore_mem>> -> memref<1x!tpu.dma_semaphore, #tpu.memory_space<semaphore_mem>>
    %dma_wait3A_146 = tpu.memref_squeeze %dma_wait3A_145 : memref<1x!tpu.dma_semaphore, #tpu.memory_space<semaphore_mem>> -> memref<!tpu.dma_semaphore, #tpu.memory_space<semaphore_mem>>
    %dma_wait3A_147 = arith.constant 0 : i32
    %dma_wait3A_148 = arith.constant 0 : i32
    %dma_wait3A_149 = tpu.memref_slice %arg5[%dma_wait3A, %dma_wait3A_147, %dma_wait3A_148] : memref<4x128x64xf32, #tpu.memory_space<vmem>> -> memref<1x128x64xf32, #tpu.memory_space<vmem>>
    %dma_wait3A_150 = tpu.memref_squeeze %dma_wait3A_149 : memref<1x128x64xf32, #tpu.memory_space<vmem>> -> memref<128x64xf32, #tpu.memory_space<vmem>>
    %dma_wait3A_151 = arith.constant 0 : i32
    %dma_wait3A_152 = tpu.memref_slice %arg2[%add3A_4, %dma_wait3A_151] : memref<32768x64xf32, #tpu.memory_space<hbm>> -> memref<128x64xf32, #tpu.memory_space<hbm>>
    tpu.wait_dma2 semaphore(%dma_wait3A_146 : memref<!tpu.dma_semaphore, #tpu.memory_space<semaphore_mem>>) src(%dma_wait3A_152 : memref<128x64xf32, #tpu.memory_space<hbm>>) dst(%dma_wait3A_150 : memref<128x64xf32, #tpu.memory_space<vmem>>)
    %dma_wait3A_153 = arith.constant 0 : i32
    %dma_wait3A_154 = arith.constant 0 : i32
    %dma_wait3A_155 = arith.constant 0 : i32
    %dma_wait3A_156 = arith.constant 0 : i32
    %dma_wait3A_157 = tpu.memref_slice %arg6[%dma_wait3A_153, %dma_wait3A_155, %dma_wait3A_156] : memref<4x128x64xf32, #tpu.memory_space<vmem>> -> memref<1x128x64xf32, #tpu.memory_space<vmem>>
    %dma_wait3A_158 = tpu.memref_squeeze %dma_wait3A_157 : memref<1x128x64xf32, #tpu.memory_space<vmem>> -> memref<128x64xf32, #tpu.memory_space<vmem>>
    %dma_wait3A_159 = arith.constant 0 : i32
    %dma_wait3A_160 = tpu.memref_slice %arg3[%add3A_4, %dma_wait3A_159] : memref<32768x64xf32, #tpu.memory_space<hbm>> -> memref<128x64xf32, #tpu.memory_space<hbm>>
    %dma_wait3A_161 = tpu.memref_slice %arg8[%dma_wait3A_154] : memref<4x!tpu.dma_semaphore, #tpu.memory_space<semaphore_mem>> -> memref<1x!tpu.dma_semaphore, #tpu.memory_space<semaphore_mem>>
    %dma_wait3A_162 = tpu.memref_squeeze %dma_wait3A_161 : memref<1x!tpu.dma_semaphore, #tpu.memory_space<semaphore_mem>> -> memref<!tpu.dma_semaphore, #tpu.memory_space<semaphore_mem>>
    %dma_wait3A_163 = arith.constant 0 : i32
    %dma_wait3A_164 = arith.constant 0 : i32
    %dma_wait3A_165 = tpu.memref_slice %arg6[%dma_wait3A_153, %dma_wait3A_163, %dma_wait3A_164] : memref<4x128x64xf32, #tpu.memory_space<vmem>> -> memref<1x128x64xf32, #tpu.memory_space<vmem>>
    %dma_wait3A_166 = tpu.memref_squeeze %dma_wait3A_165 : memref<1x128x64xf32, #tpu.memory_space<vmem>> -> memref<128x64xf32, #tpu.memory_space<vmem>>
    %dma_wait3A_167 = arith.constant 0 : i32
    %dma_wait3A_168 = tpu.memref_slice %arg3[%add3A_4, %dma_wait3A_167] : memref<32768x64xf32, #tpu.memory_space<hbm>> -> memref<128x64xf32, #tpu.memory_space<hbm>>
    tpu.wait_dma2 semaphore(%dma_wait3A_162 : memref<!tpu.dma_semaphore, #tpu.memory_space<semaphore_mem>>) src(%dma_wait3A_168 : memref<128x64xf32, #tpu.memory_space<hbm>>) dst(%dma_wait3A_166 : memref<128x64xf32, #tpu.memory_space<vmem>>)
    %parallel_loop3A = arith.constant 0 : i32
    %parallel_loop3A_169 = arith.constant 128 : i32
    %parallel_loop3A_170 = arith.constant 1 : i32
    scf.for %parallel_loop3A_824 = %parallel_loop3A to %parallel_loop3A_169 step %parallel_loop3A_170  : i32 {
      %parallel_loop3A_825 = arith.constant 0 : i32
      %parallel_loop3A_826 = arith.index_cast %parallel_loop3A_825 : i32 to index
      %parallel_loop3A_827 = arith.index_cast %parallel_loop3A_824 : i32 to index
      %parallel_loop3A_828 = arith.constant 0 : index
      %parallel_loop3A_829 = tpu.vector_load %arg5[%parallel_loop3A_826, %parallel_loop3A_827, %parallel_loop3A_828] {strides = array<i32>} : memref<4x128x64xf32, #tpu.memory_space<vmem>>, vector<1x1x16xf32>,
      %parallel_loop3A_830 = vector.shape_cast %parallel_loop3A_829 : vector<1x1x16xf32> to vector<16xf32>
      %parallel_loop3A_831 = arith.constant 0 : i32
      %parallel_loop3A_832 = arith.index_cast %parallel_loop3A_831 : i32 to index
      %parallel_loop3A_833 = arith.index_cast %parallel_loop3A_824 : i32 to index
      %parallel_loop3A_834 = arith.constant 0 : index
      %parallel_loop3A_835 = tpu.vector_load %arg6[%parallel_loop3A_832, %parallel_loop3A_833, %parallel_loop3A_834] {strides = array<i32>} : memref<4x128x64xf32, #tpu.memory_space<vmem>>, vector<1x1x16xf32>,
      %parallel_loop3A_836 = vector.shape_cast %parallel_loop3A_835 : vector<1x1x16xf32> to vector<16xf32>
      %parallel_loop3A_837 = arith.addf %parallel_loop3A_830, %parallel_loop3A_836 : vector<16xf32>
      %parallel_loop3A_838 = arith.constant 0 : i32
      %parallel_loop3A_839 = arith.index_cast %parallel_loop3A_838 : i32 to index
      %parallel_loop3A_840 = arith.index_cast %parallel_loop3A_824 : i32 to index
      %parallel_loop3A_841 = arith.constant 0 : index
      %parallel_loop3A_842 = tpu.vector_load %arg5[%parallel_loop3A_839, %parallel_loop3A_840, %parallel_loop3A_841] {strides = array<i32>} : memref<4x128x64xf32, #tpu.memory_space<vmem>>, vector<1x1x16xf32>,
      %parallel_loop3A_843 = vector.shape_cast %parallel_loop3A_842 : vector<1x1x16xf32> to vector<16xf32>
      %parallel_loop3A_844 = vector.shape_cast %parallel_loop3A_837 : vector<16xf32> to vector<1x1x16xf32>
      tpu.vector_store %arg5[%parallel_loop3A_839, %parallel_loop3A_840, %parallel_loop3A_841], %parallel_loop3A_844 {strides = array<i32>} : memref<4x128x64xf32, #tpu.memory_space<vmem>>, vector<1x1x16xf32>,
      %parallel_loop3A_845 = arith.constant 0 : i32
      %parallel_loop3A_846 = arith.index_cast %parallel_loop3A_845 : i32 to index
      %parallel_loop3A_847 = arith.index_cast %parallel_loop3A_824 : i32 to index
      %parallel_loop3A_848 = arith.constant 16 : index
      %parallel_loop3A_849 = tpu.vector_load %arg5[%parallel_loop3A_846, %parallel_loop3A_847, %parallel_loop3A_848] {strides = array<i32>} : memref<4x128x64xf32, #tpu.memory_space<vmem>>, vector<1x1x16xf32>,
      %parallel_loop3A_850 = vector.shape_cast %parallel_loop3A_849 : vector<1x1x16xf32> to vector<16xf32>
      %parallel_loop3A_851 = arith.constant 0 : i32
      %parallel_loop3A_852 = arith.index_cast %parallel_loop3A_851 : i32 to index
      %parallel_loop3A_853 = arith.index_cast %parallel_loop3A_824 : i32 to index
      %parallel_loop3A_854 = arith.constant 16 : index
      %parallel_loop3A_855 = tpu.vector_load %arg6[%parallel_loop3A_852, %parallel_loop3A_853, %parallel_loop3A_854] {strides = array<i32>} : memref<4x128x64xf32, #tpu.memory_space<vmem>>, vector<1x1x16xf32>,
      %parallel_loop3A_856 = vector.shape_cast %parallel_loop3A_855 : vector<1x1x16xf32> to vector<16xf32>
      %parallel_loop3A_857 = arith.addf %parallel_loop3A_850, %parallel_loop3A_856 : vector<16xf32>
      %parallel_loop3A_858 = arith.constant 0 : i32
      %parallel_loop3A_859 = arith.index_cast %parallel_loop3A_858 : i32 to index
      %parallel_loop3A_860 = arith.index_cast %parallel_loop3A_824 : i32 to index
      %parallel_loop3A_861 = arith.constant 16 : index
      %parallel_loop3A_862 = tpu.vector_load %arg5[%parallel_loop3A_859, %parallel_loop3A_860, %parallel_loop3A_861] {strides = array<i32>} : memref<4x128x64xf32, #tpu.memory_space<vmem>>, vector<1x1x16xf32>,
      %parallel_loop3A_863 = vector.shape_cast %parallel_loop3A_862 : vector<1x1x16xf32> to vector<16xf32>
      %parallel_loop3A_864 = vector.shape_cast %parallel_loop3A_857 : vector<16xf32> to vector<1x1x16xf32>
      tpu.vector_store %arg5[%parallel_loop3A_859, %parallel_loop3A_860, %parallel_loop3A_861], %parallel_loop3A_864 {strides = array<i32>} : memref<4x128x64xf32, #tpu.memory_space<vmem>>, vector<1x1x16xf32>,
      %parallel_loop3A_865 = arith.constant 0 : i32
      %parallel_loop3A_866 = arith.index_cast %parallel_loop3A_865 : i32 to index
      %parallel_loop3A_867 = arith.index_cast %parallel_loop3A_824 : i32 to index
      %parallel_loop3A_868 = arith.constant 32 : index
      %parallel_loop3A_869 = tpu.vector_load %arg5[%parallel_loop3A_866, %parallel_loop3A_867, %parallel_loop3A_868] {strides = array<i32>} : memref<4x128x64xf32, #tpu.memory_space<vmem>>, vector<1x1x16xf32>,
      %parallel_loop3A_870 = vector.shape_cast %parallel_loop3A_869 : vector<1x1x16xf32> to vector<16xf32>
      %parallel_loop3A_871 = arith.constant 0 : i32
      %parallel_loop3A_872 = arith.index_cast %parallel_loop3A_871 : i32 to index
      %parallel_loop3A_873 = arith.index_cast %parallel_loop3A_824 : i32 to index
      %parallel_loop3A_874 = arith.constant 32 : index
      %parallel_loop3A_875 = tpu.vector_load %arg6[%parallel_loop3A_872, %parallel_loop3A_873, %parallel_loop3A_874] {strides = array<i32>} : memref<4x128x64xf32, #tpu.memory_space<vmem>>, vector<1x1x16xf32>,
      %parallel_loop3A_876 = vector.shape_cast %parallel_loop3A_875 : vector<1x1x16xf32> to vector<16xf32>
      %parallel_loop3A_877 = arith.addf %parallel_loop3A_870, %parallel_loop3A_876 : vector<16xf32>
      %parallel_loop3A_878 = arith.constant 0 : i32
      %parallel_loop3A_879 = arith.index_cast %parallel_loop3A_878 : i32 to index
      %parallel_loop3A_880 = arith.index_cast %parallel_loop3A_824 : i32 to index
      %parallel_loop3A_881 = arith.constant 32 : index
      %parallel_loop3A_882 = tpu.vector_load %arg5[%parallel_loop3A_879, %parallel_loop3A_880, %parallel_loop3A_881] {strides = array<i32>} : memref<4x128x64xf32, #tpu.memory_space<vmem>>, vector<1x1x16xf32>,
      %parallel_loop3A_883 = vector.shape_cast %parallel_loop3A_882 : vector<1x1x16xf32> to vector<16xf32>
      %parallel_loop3A_884 = vector.shape_cast %parallel_loop3A_877 : vector<16xf32> to vector<1x1x16xf32>
      tpu.vector_store %arg5[%parallel_loop3A_879, %parallel_loop3A_880, %parallel_loop3A_881], %parallel_loop3A_884 {strides = array<i32>} : memref<4x128x64xf32, #tpu.memory_space<vmem>>, vector<1x1x16xf32>,
      %parallel_loop3A_885 = arith.constant 0 : i32
      %parallel_loop3A_886 = arith.index_cast %parallel_loop3A_885 : i32 to index
      %parallel_loop3A_887 = arith.index_cast %parallel_loop3A_824 : i32 to index
      %parallel_loop3A_888 = arith.constant 48 : index
      %parallel_loop3A_889 = tpu.vector_load %arg5[%parallel_loop3A_886, %parallel_loop3A_887, %parallel_loop3A_888] {strides = array<i32>} : memref<4x128x64xf32, #tpu.memory_space<vmem>>, vector<1x1x16xf32>,
      %parallel_loop3A_890 = vector.shape_cast %parallel_loop3A_889 : vector<1x1x16xf32> to vector<16xf32>
      %parallel_loop3A_891 = arith.constant 0 : i32
      %parallel_loop3A_892 = arith.index_cast %parallel_loop3A_891 : i32 to index
      %parallel_loop3A_893 = arith.index_cast %parallel_loop3A_824 : i32 to index
      %parallel_loop3A_894 = arith.constant 48 : index
      %parallel_loop3A_895 = tpu.vector_load %arg6[%parallel_loop3A_892, %parallel_loop3A_893, %parallel_loop3A_894] {strides = array<i32>} : memref<4x128x64xf32, #tpu.memory_space<vmem>>, vector<1x1x16xf32>,
      %parallel_loop3A_896 = vector.shape_cast %parallel_loop3A_895 : vector<1x1x16xf32> to vector<16xf32>
      %parallel_loop3A_897 = arith.addf %parallel_loop3A_890, %parallel_loop3A_896 : vector<16xf32>
      %parallel_loop3A_898 = arith.constant 0 : i32
      %parallel_loop3A_899 = arith.index_cast %parallel_loop3A_898 : i32 to index
      %parallel_loop3A_900 = arith.index_cast %parallel_loop3A_824 : i32 to index
      %parallel_loop3A_901 = arith.constant 48 : index
      %parallel_loop3A_902 = tpu.vector_load %arg5[%parallel_loop3A_899, %parallel_loop3A_900, %parallel_loop3A_901] {strides = array<i32>} : memref<4x128x64xf32, #tpu.memory_space<vmem>>, vector<1x1x16xf32>,
      %parallel_loop3A_903 = vector.shape_cast %parallel_loop3A_902 : vector<1x1x16xf32> to vector<16xf32>
      %parallel_loop3A_904 = vector.shape_cast %parallel_loop3A_897 : vector<16xf32> to vector<1x1x16xf32>
      tpu.vector_store %arg5[%parallel_loop3A_899, %parallel_loop3A_900, %parallel_loop3A_901], %parallel_loop3A_904 {strides = array<i32>} : memref<4x128x64xf32, #tpu.memory_space<vmem>>, vector<1x1x16xf32>,
    } {sc.loop_unroll_factor = 8 : i64, sc.parallel_access}
    %add3A_171 = arith.constant 0 : i32
    %add3A_172 = arith.addi %mul3A_2, %add3A_171 : i32
    %dma_start3A_173 = arith.constant 0 : i32
    %dma_start3A_174 = arith.constant 0 : i32
    %dma_start3A_175 = arith.constant 0 : i32
    %dma_start3A_176 = arith.constant 0 : i32
    %dma_start3A_177 = tpu.memref_slice %arg5[%dma_start3A_173, %dma_start3A_175, %dma_start3A_176] : memref<4x128x64xf32, #tpu.memory_space<vmem>> -> memref<1x128x64xf32, #tpu.memory_space<vmem>>
    %dma_start3A_178 = tpu.memref_squeeze %dma_start3A_177 : memref<1x128x64xf32, #tpu.memory_space<vmem>> -> memref<128x64xf32, #tpu.memory_space<vmem>>
    %dma_start3A_179 = arith.constant 0 : i32
    %dma_start3A_180 = tpu.memref_slice %arg4[%add3A_172, %dma_start3A_179] : memref<32768x64xf32, #tpu.memory_space<hbm>> -> memref<128x64xf32, #tpu.memory_space<hbm>>
    %dma_start3A_181 = tpu.memref_slice %arg9[%dma_start3A_174] : memref<4x!tpu.dma_semaphore, #tpu.memory_space<semaphore_mem>> -> memref<1x!tpu.dma_semaphore, #tpu.memory_space<semaphore_mem>>
    %dma_start3A_182 = tpu.memref_squeeze %dma_start3A_181 : memref<1x!tpu.dma_semaphore, #tpu.memory_space<semaphore_mem>> -> memref<!tpu.dma_semaphore, #tpu.memory_space<semaphore_mem>>
    %dma_start3A_183 = arith.constant 0 : i32
    %dma_start3A_184 = tpu.memref_slice %arg4[%add3A_172, %dma_start3A_183] : memref<32768x64xf32, #tpu.memory_space<hbm>> -> memref<128x64xf32, #tpu.memory_space<hbm>>
    %dma_start3A_185 = arith.constant 0 : i32
    %dma_start3A_186 = arith.constant 0 : i32
    %dma_start3A_187 = tpu.memref_slice %arg5[%dma_start3A_173, %dma_start3A_185, %dma_start3A_186] : memref<4x128x64xf32, #tpu.memory_space<vmem>> -> memref<1x128x64xf32, #tpu.memory_space<vmem>>
    %dma_start3A_188 = tpu.memref_squeeze %dma_start3A_187 : memref<1x128x64xf32, #tpu.memory_space<vmem>> -> memref<128x64xf32, #tpu.memory_space<vmem>>
    tpu.enqueue_dma source(%dma_start3A_188 : memref<128x64xf32, #tpu.memory_space<vmem>>) target(%dma_start3A_184 : memref<128x64xf32, #tpu.memory_space<hbm>>) target_semaphore(%dma_start3A_182 : memref<!tpu.dma_semaphore, #tpu.memory_space<semaphore_mem>>)
    %dma_wait3A_189 = arith.constant 0 : i32
    %dma_wait3A_190 = arith.constant 0 : i32
    %dma_wait3A_191 = arith.constant 0 : i32
    %dma_wait3A_192 = arith.constant 0 : i32
    %dma_wait3A_193 = tpu.memref_slice %arg5[%dma_wait3A_189, %dma_wait3A_191, %dma_wait3A_192] : memref<4x128x64xf32, #tpu.memory_space<vmem>> -> memref<1x128x64xf32, #tpu.memory_space<vmem>>
    %dma_wait3A_194 = tpu.memref_squeeze %dma_wait3A_193 : memref<1x128x64xf32, #tpu.memory_space<vmem>> -> memref<128x64xf32, #tpu.memory_space<vmem>>
    %dma_wait3A_195 = arith.constant 0 : i32
    %dma_wait3A_196 = tpu.memref_slice %arg4[%add3A_172, %dma_wait3A_195] : memref<32768x64xf32, #tpu.memory_space<hbm>> -> memref<128x64xf32, #tpu.memory_space<hbm>>
    %dma_wait3A_197 = tpu.memref_slice %arg9[%dma_wait3A_190] : memref<4x!tpu.dma_semaphore, #tpu.memory_space<semaphore_mem>> -> memref<1x!tpu.dma_semaphore, #tpu.memory_space<semaphore_mem>>
    %dma_wait3A_198 = tpu.memref_squeeze %dma_wait3A_197 : memref<1x!tpu.dma_semaphore, #tpu.memory_space<semaphore_mem>> -> memref<!tpu.dma_semaphore, #tpu.memory_space<semaphore_mem>>
    %dma_wait3A_199 = arith.constant 0 : i32
    %dma_wait3A_200 = tpu.memref_slice %arg4[%add3A_172, %dma_wait3A_199] : memref<32768x64xf32, #tpu.memory_space<hbm>> -> memref<128x64xf32, #tpu.memory_space<hbm>>
    %dma_wait3A_201 = arith.constant 0 : i32
    %dma_wait3A_202 = arith.constant 0 : i32
    %dma_wait3A_203 = tpu.memref_slice %arg5[%dma_wait3A_189, %dma_wait3A_201, %dma_wait3A_202] : memref<4x128x64xf32, #tpu.memory_space<vmem>> -> memref<1x128x64xf32, #tpu.memory_space<vmem>>
    %dma_wait3A_204 = tpu.memref_squeeze %dma_wait3A_203 : memref<1x128x64xf32, #tpu.memory_space<vmem>> -> memref<128x64xf32, #tpu.memory_space<vmem>>
    tpu.wait_dma2 semaphore(%dma_wait3A_198 : memref<!tpu.dma_semaphore, #tpu.memory_space<semaphore_mem>>) src(%dma_wait3A_204 : memref<128x64xf32, #tpu.memory_space<vmem>>) dst(%dma_wait3A_200 : memref<128x64xf32, #tpu.memory_space<hbm>>)
    %add3A_205 = arith.constant 512 : i32
    %add3A_206 = arith.addi %mul3A_2, %add3A_205 : i32
    %dma_start3A_207 = arith.constant 0 : i32
    %dma_start3A_208 = arith.constant 0 : i32
    %dma_start3A_209 = arith.constant 0 : i32
    %dma_start3A_210 = arith.constant 0 : i32
    %dma_start3A_211 = tpu.memref_slice %arg5[%dma_start3A_207, %dma_start3A_209, %dma_start3A_210] : memref<4x128x64xf32, #tpu.memory_space<vmem>> -> memref<1x128x64xf32, #tpu.memory_space<vmem>>
    %dma_start3A_212 = tpu.memref_squeeze %dma_start3A_211 : memref<1x128x64xf32, #tpu.memory_space<vmem>> -> memref<128x64xf32, #tpu.memory_space<vmem>>
    %dma_start3A_213 = arith.constant 0 : i32
    %dma_start3A_214 = tpu.memref_slice %arg2[%add3A_206, %dma_start3A_213] : memref<32768x64xf32, #tpu.memory_space<hbm>> -> memref<128x64xf32, #tpu.memory_space<hbm>>
    %dma_start3A_215 = tpu.memref_slice %arg7[%dma_start3A_208] : memref<4x!tpu.dma_semaphore, #tpu.memory_space<semaphore_mem>> -> memref<1x!tpu.dma_semaphore, #tpu.memory_space<semaphore_mem>>
    %dma_start3A_216 = tpu.memref_squeeze %dma_start3A_215 : memref<1x!tpu.dma_semaphore, #tpu.memory_space<semaphore_mem>> -> memref<!tpu.dma_semaphore, #tpu.memory_space<semaphore_mem>>
    %dma_start3A_217 = arith.constant 0 : i32
    %dma_start3A_218 = arith.constant 0 : i32
    %dma_start3A_219 = tpu.memref_slice %arg5[%dma_start3A_207, %dma_start3A_217, %dma_start3A_218] : memref<4x128x64xf32, #tpu.memory_space<vmem>> -> memref<1x128x64xf32, #tpu.memory_space<vmem>>
    %dma_start3A_220 = tpu.memref_squeeze %dma_start3A_219 : memref<1x128x64xf32, #tpu.memory_space<vmem>> -> memref<128x64xf32, #tpu.memory_space<vmem>>
    %dma_start3A_221 = arith.constant 0 : i32
    %dma_start3A_222 = tpu.memref_slice %arg2[%add3A_206, %dma_start3A_221] : memref<32768x64xf32, #tpu.memory_space<hbm>> -> memref<128x64xf32, #tpu.memory_space<hbm>>
    tpu.enqueue_dma source(%dma_start3A_222 : memref<128x64xf32, #tpu.memory_space<hbm>>) target(%dma_start3A_220 : memref<128x64xf32, #tpu.memory_space<vmem>>) target_semaphore(%dma_start3A_216 : memref<!tpu.dma_semaphore, #tpu.memory_space<semaphore_mem>>)
    %dma_start3A_223 = arith.constant 0 : i32
    %dma_start3A_224 = arith.constant 0 : i32
    %dma_start3A_225 = arith.constant 0 : i32
    %dma_start3A_226 = arith.constant 0 : i32
    %dma_start3A_227 = tpu.memref_slice %arg6[%dma_start3A_223, %dma_start3A_225, %dma_start3A_226] : memref<4x128x64xf32, #tpu.memory_space<vmem>> -> memref<1x128x64xf32, #tpu.memory_space<vmem>>
    %dma_start3A_228 = tpu.memref_squeeze %dma_start3A_227 : memref<1x128x64xf32, #tpu.memory_space<vmem>> -> memref<128x64xf32, #tpu.memory_space<vmem>>
    %dma_start3A_229 = arith.constant 0 : i32
    %dma_start3A_230 = tpu.memref_slice %arg3[%add3A_206, %dma_start3A_229] : memref<32768x64xf32, #tpu.memory_space<hbm>> -> memref<128x64xf32, #tpu.memory_space<hbm>>
    %dma_start3A_231 = tpu.memref_slice %arg8[%dma_start3A_224] : memref<4x!tpu.dma_semaphore, #tpu.memory_space<semaphore_mem>> -> memref<1x!tpu.dma_semaphore, #tpu.memory_space<semaphore_mem>>
    %dma_start3A_232 = tpu.memref_squeeze %dma_start3A_231 : memref<1x!tpu.dma_semaphore, #tpu.memory_space<semaphore_mem>> -> memref<!tpu.dma_semaphore, #tpu.memory_space<semaphore_mem>>
    %dma_start3A_233 = arith.constant 0 : i32
    %dma_start3A_234 = arith.constant 0 : i32
    %dma_start3A_235 = tpu.memref_slice %arg6[%dma_start3A_223, %dma_start3A_233, %dma_start3A_234] : memref<4x128x64xf32, #tpu.memory_space<vmem>> -> memref<1x128x64xf32, #tpu.memory_space<vmem>>
    %dma_start3A_236 = tpu.memref_squeeze %dma_start3A_235 : memref<1x128x64xf32, #tpu.memory_space<vmem>> -> memref<128x64xf32, #tpu.memory_space<vmem>>
    %dma_start3A_237 = arith.constant 0 : i32
    %dma_start3A_238 = tpu.memref_slice %arg3[%add3A_206, %dma_start3A_237] : memref<32768x64xf32, #tpu.memory_space<hbm>> -> memref<128x64xf32, #tpu.memory_space<hbm>>
    tpu.enqueue_dma source(%dma_start3A_238 : memref<128x64xf32, #tpu.memory_space<hbm>>) target(%dma_start3A_236 : memref<128x64xf32, #tpu.memory_space<vmem>>) target_semaphore(%dma_start3A_232 : memref<!tpu.dma_semaphore, #tpu.memory_space<semaphore_mem>>)
    %dma_wait3A_239 = arith.constant 1 : i32
    %dma_wait3A_240 = arith.constant 1 : i32
    %dma_wait3A_241 = arith.constant 0 : i32
    %dma_wait3A_242 = arith.constant 0 : i32
    %dma_wait3A_243 = tpu.memref_slice %arg5[%dma_wait3A_239, %dma_wait3A_241, %dma_wait3A_242] : memref<4x128x64xf32, #tpu.memory_space<vmem>> -> memref<1x128x64xf32, #tpu.memory_space<vmem>>
    %dma_wait3A_244 = tpu.memref_squeeze %dma_wait3A_243 : memref<1x128x64xf32, #tpu.memory_space<vmem>> -> memref<128x64xf32, #tpu.memory_space<vmem>>
    %dma_wait3A_245 = arith.constant 0 : i32
    %dma_wait3A_246 = tpu.memref_slice %arg2[%add3A_37, %dma_wait3A_245] : memref<32768x64xf32, #tpu.memory_space<hbm>> -> memref<128x64xf32, #tpu.memory_space<hbm>>
    %dma_wait3A_247 = tpu.memref_slice %arg7[%dma_wait3A_240] : memref<4x!tpu.dma_semaphore, #tpu.memory_space<semaphore_mem>> -> memref<1x!tpu.dma_semaphore, #tpu.memory_space<semaphore_mem>>
    %dma_wait3A_248 = tpu.memref_squeeze %dma_wait3A_247 : memref<1x!tpu.dma_semaphore, #tpu.memory_space<semaphore_mem>> -> memref<!tpu.dma_semaphore, #tpu.memory_space<semaphore_mem>>
    %dma_wait3A_249 = arith.constant 0 : i32
    %dma_wait3A_250 = arith.constant 0 : i32
    %dma_wait3A_251 = tpu.memref_slice %arg5[%dma_wait3A_239, %dma_wait3A_249, %dma_wait3A_250] : memref<4x128x64xf32, #tpu.memory_space<vmem>> -> memref<1x128x64xf32, #tpu.memory_space<vmem>>
    %dma_wait3A_252 = tpu.memref_squeeze %dma_wait3A_251 : memref<1x128x64xf32, #tpu.memory_space<vmem>> -> memref<128x64xf32, #tpu.memory_space<vmem>>
    %dma_wait3A_253 = arith.constant 0 : i32
    %dma_wait3A_254 = tpu.memref_slice %arg2[%add3A_37, %dma_wait3A_253] : memref<32768x64xf32, #tpu.memory_space<hbm>> -> memref<128x64xf32, #tpu.memory_space<hbm>>
    tpu.wait_dma2 semaphore(%dma_wait3A_248 : memref<!tpu.dma_semaphore, #tpu.memory_space<semaphore_mem>>) src(%dma_wait3A_254 : memref<128x64xf32, #tpu.memory_space<hbm>>) dst(%dma_wait3A_252 : memref<128x64xf32, #tpu.memory_space<vmem>>)
    %dma_wait3A_255 = arith.constant 1 : i32
    %dma_wait3A_256 = arith.constant 1 : i32
    %dma_wait3A_257 = arith.constant 0 : i32
    %dma_wait3A_258 = arith.constant 0 : i32
    %dma_wait3A_259 = tpu.memref_slice %arg6[%dma_wait3A_255, %dma_wait3A_257, %dma_wait3A_258] : memref<4x128x64xf32, #tpu.memory_space<vmem>> -> memref<1x128x64xf32, #tpu.memory_space<vmem>>
    %dma_wait3A_260 = tpu.memref_squeeze %dma_wait3A_259 : memref<1x128x64xf32, #tpu.memory_space<vmem>> -> memref<128x64xf32, #tpu.memory_space<vmem>>
    %dma_wait3A_261 = arith.constant 0 : i32
    %dma_wait3A_262 = tpu.memref_slice %arg3[%add3A_37, %dma_wait3A_261] : memref<32768x64xf32, #tpu.memory_space<hbm>> -> memref<128x64xf32, #tpu.memory_space<hbm>>
    %dma_wait3A_263 = tpu.memref_slice %arg8[%dma_wait3A_256] : memref<4x!tpu.dma_semaphore, #tpu.memory_space<semaphore_mem>> -> memref<1x!tpu.dma_semaphore, #tpu.memory_space<semaphore_mem>>
    %dma_wait3A_264 = tpu.memref_squeeze %dma_wait3A_263 : memref<1x!tpu.dma_semaphore, #tpu.memory_space<semaphore_mem>> -> memref<!tpu.dma_semaphore, #tpu.memory_space<semaphore_mem>>
    %dma_wait3A_265 = arith.constant 0 : i32
    %dma_wait3A_266 = arith.constant 0 : i32
    %dma_wait3A_267 = tpu.memref_slice %arg6[%dma_wait3A_255, %dma_wait3A_265, %dma_wait3A_266] : memref<4x128x64xf32, #tpu.memory_space<vmem>> -> memref<1x128x64xf32, #tpu.memory_space<vmem>>
    %dma_wait3A_268 = tpu.memref_squeeze %dma_wait3A_267 : memref<1x128x64xf32, #tpu.memory_space<vmem>> -> memref<128x64xf32, #tpu.memory_space<vmem>>
    %dma_wait3A_269 = arith.constant 0 : i32
    %dma_wait3A_270 = tpu.memref_slice %arg3[%add3A_37, %dma_wait3A_269] : memref<32768x64xf32, #tpu.memory_space<hbm>> -> memref<128x64xf32, #tpu.memory_space<hbm>>
    tpu.wait_dma2 semaphore(%dma_wait3A_264 : memref<!tpu.dma_semaphore, #tpu.memory_space<semaphore_mem>>) src(%dma_wait3A_270 : memref<128x64xf32, #tpu.memory_space<hbm>>) dst(%dma_wait3A_268 : memref<128x64xf32, #tpu.memory_space<vmem>>)
    %parallel_loop3A_271 = arith.constant 0 : i32
    %parallel_loop3A_272 = arith.constant 128 : i32
    %parallel_loop3A_273 = arith.constant 1 : i32
    scf.for %parallel_loop3A_824 = %parallel_loop3A_271 to %parallel_loop3A_272 step %parallel_loop3A_273  : i32 {
      %parallel_loop3A_825 = arith.constant 1 : i32
      %parallel_loop3A_826 = arith.index_cast %parallel_loop3A_825 : i32 to index
      %parallel_loop3A_827 = arith.index_cast %parallel_loop3A_824 : i32 to index
      %parallel_loop3A_828 = arith.constant 0 : index
      %parallel_loop3A_829 = tpu.vector_load %arg5[%parallel_loop3A_826, %parallel_loop3A_827, %parallel_loop3A_828] {strides = array<i32>} : memref<4x128x64xf32, #tpu.memory_space<vmem>>, vector<1x1x16xf32>,
      %parallel_loop3A_830 = vector.shape_cast %parallel_loop3A_829 : vector<1x1x16xf32> to vector<16xf32>
      %parallel_loop3A_831 = arith.constant 1 : i32
      %parallel_loop3A_832 = arith.index_cast %parallel_loop3A_831 : i32 to index
      %parallel_loop3A_833 = arith.index_cast %parallel_loop3A_824 : i32 to index
      %parallel_loop3A_834 = arith.constant 0 : index
      %parallel_loop3A_835 = tpu.vector_load %arg6[%parallel_loop3A_832, %parallel_loop3A_833, %parallel_loop3A_834] {strides = array<i32>} : memref<4x128x64xf32, #tpu.memory_space<vmem>>, vector<1x1x16xf32>,
      %parallel_loop3A_836 = vector.shape_cast %parallel_loop3A_835 : vector<1x1x16xf32> to vector<16xf32>
      %parallel_loop3A_837 = arith.addf %parallel_loop3A_830, %parallel_loop3A_836 : vector<16xf32>
      %parallel_loop3A_838 = arith.constant 1 : i32
      %parallel_loop3A_839 = arith.index_cast %parallel_loop3A_838 : i32 to index
      %parallel_loop3A_840 = arith.index_cast %parallel_loop3A_824 : i32 to index
      %parallel_loop3A_841 = arith.constant 0 : index
      %parallel_loop3A_842 = tpu.vector_load %arg5[%parallel_loop3A_839, %parallel_loop3A_840, %parallel_loop3A_841] {strides = array<i32>} : memref<4x128x64xf32, #tpu.memory_space<vmem>>, vector<1x1x16xf32>,
      %parallel_loop3A_843 = vector.shape_cast %parallel_loop3A_842 : vector<1x1x16xf32> to vector<16xf32>
      %parallel_loop3A_844 = vector.shape_cast %parallel_loop3A_837 : vector<16xf32> to vector<1x1x16xf32>
      tpu.vector_store %arg5[%parallel_loop3A_839, %parallel_loop3A_840, %parallel_loop3A_841], %parallel_loop3A_844 {strides = array<i32>} : memref<4x128x64xf32, #tpu.memory_space<vmem>>, vector<1x1x16xf32>,
      %parallel_loop3A_845 = arith.constant 1 : i32
      %parallel_loop3A_846 = arith.index_cast %parallel_loop3A_845 : i32 to index
      %parallel_loop3A_847 = arith.index_cast %parallel_loop3A_824 : i32 to index
      %parallel_loop3A_848 = arith.constant 16 : index
      %parallel_loop3A_849 = tpu.vector_load %arg5[%parallel_loop3A_846, %parallel_loop3A_847, %parallel_loop3A_848] {strides = array<i32>} : memref<4x128x64xf32, #tpu.memory_space<vmem>>, vector<1x1x16xf32>,
      %parallel_loop3A_850 = vector.shape_cast %parallel_loop3A_849 : vector<1x1x16xf32> to vector<16xf32>
      %parallel_loop3A_851 = arith.constant 1 : i32
      %parallel_loop3A_852 = arith.index_cast %parallel_loop3A_851 : i32 to index
      %parallel_loop3A_853 = arith.index_cast %parallel_loop3A_824 : i32 to index
      %parallel_loop3A_854 = arith.constant 16 : index
      %parallel_loop3A_855 = tpu.vector_load %arg6[%parallel_loop3A_852, %parallel_loop3A_853, %parallel_loop3A_854] {strides = array<i32>} : memref<4x128x64xf32, #tpu.memory_space<vmem>>, vector<1x1x16xf32>,
      %parallel_loop3A_856 = vector.shape_cast %parallel_loop3A_855 : vector<1x1x16xf32> to vector<16xf32>
      %parallel_loop3A_857 = arith.addf %parallel_loop3A_850, %parallel_loop3A_856 : vector<16xf32>
      %parallel_loop3A_858 = arith.constant 1 : i32
      %parallel_loop3A_859 = arith.index_cast %parallel_loop3A_858 : i32 to index
      %parallel_loop3A_860 = arith.index_cast %parallel_loop3A_824 : i32 to index
      %parallel_loop3A_861 = arith.constant 16 : index
      %parallel_loop3A_862 = tpu.vector_load %arg5[%parallel_loop3A_859, %parallel_loop3A_860, %parallel_loop3A_861] {strides = array<i32>} : memref<4x128x64xf32, #tpu.memory_space<vmem>>, vector<1x1x16xf32>,
      %parallel_loop3A_863 = vector.shape_cast %parallel_loop3A_862 : vector<1x1x16xf32> to vector<16xf32>
      %parallel_loop3A_864 = vector.shape_cast %parallel_loop3A_857 : vector<16xf32> to vector<1x1x16xf32>
      tpu.vector_store %arg5[%parallel_loop3A_859, %parallel_loop3A_860, %parallel_loop3A_861], %parallel_loop3A_864 {strides = array<i32>} : memref<4x128x64xf32, #tpu.memory_space<vmem>>, vector<1x1x16xf32>,
      %parallel_loop3A_865 = arith.constant 1 : i32
      %parallel_loop3A_866 = arith.index_cast %parallel_loop3A_865 : i32 to index
      %parallel_loop3A_867 = arith.index_cast %parallel_loop3A_824 : i32 to index
      %parallel_loop3A_868 = arith.constant 32 : index
      %parallel_loop3A_869 = tpu.vector_load %arg5[%parallel_loop3A_866, %parallel_loop3A_867, %parallel_loop3A_868] {strides = array<i32>} : memref<4x128x64xf32, #tpu.memory_space<vmem>>, vector<1x1x16xf32>,
      %parallel_loop3A_870 = vector.shape_cast %parallel_loop3A_869 : vector<1x1x16xf32> to vector<16xf32>
      %parallel_loop3A_871 = arith.constant 1 : i32
      %parallel_loop3A_872 = arith.index_cast %parallel_loop3A_871 : i32 to index
      %parallel_loop3A_873 = arith.index_cast %parallel_loop3A_824 : i32 to index
      %parallel_loop3A_874 = arith.constant 32 : index
      %parallel_loop3A_875 = tpu.vector_load %arg6[%parallel_loop3A_872, %parallel_loop3A_873, %parallel_loop3A_874] {strides = array<i32>} : memref<4x128x64xf32, #tpu.memory_space<vmem>>, vector<1x1x16xf32>,
      %parallel_loop3A_876 = vector.shape_cast %parallel_loop3A_875 : vector<1x1x16xf32> to vector<16xf32>
      %parallel_loop3A_877 = arith.addf %parallel_loop3A_870, %parallel_loop3A_876 : vector<16xf32>
      %parallel_loop3A_878 = arith.constant 1 : i32
      %parallel_loop3A_879 = arith.index_cast %parallel_loop3A_878 : i32 to index
      %parallel_loop3A_880 = arith.index_cast %parallel_loop3A_824 : i32 to index
      %parallel_loop3A_881 = arith.constant 32 : index
      %parallel_loop3A_882 = tpu.vector_load %arg5[%parallel_loop3A_879, %parallel_loop3A_880, %parallel_loop3A_881] {strides = array<i32>} : memref<4x128x64xf32, #tpu.memory_space<vmem>>, vector<1x1x16xf32>,
      %parallel_loop3A_883 = vector.shape_cast %parallel_loop3A_882 : vector<1x1x16xf32> to vector<16xf32>
      %parallel_loop3A_884 = vector.shape_cast %parallel_loop3A_877 : vector<16xf32> to vector<1x1x16xf32>
      tpu.vector_store %arg5[%parallel_loop3A_879, %parallel_loop3A_880, %parallel_loop3A_881], %parallel_loop3A_884 {strides = array<i32>} : memref<4x128x64xf32, #tpu.memory_space<vmem>>, vector<1x1x16xf32>,
      %parallel_loop3A_885 = arith.constant 1 : i32
      %parallel_loop3A_886 = arith.index_cast %parallel_loop3A_885 : i32 to index
      %parallel_loop3A_887 = arith.index_cast %parallel_loop3A_824 : i32 to index
      %parallel_loop3A_888 = arith.constant 48 : index
      %parallel_loop3A_889 = tpu.vector_load %arg5[%parallel_loop3A_886, %parallel_loop3A_887, %parallel_loop3A_888] {strides = array<i32>} : memref<4x128x64xf32, #tpu.memory_space<vmem>>, vector<1x1x16xf32>,
      %parallel_loop3A_890 = vector.shape_cast %parallel_loop3A_889 : vector<1x1x16xf32> to vector<16xf32>
      %parallel_loop3A_891 = arith.constant 1 : i32
      %parallel_loop3A_892 = arith.index_cast %parallel_loop3A_891 : i32 to index
      %parallel_loop3A_893 = arith.index_cast %parallel_loop3A_824 : i32 to index
      %parallel_loop3A_894 = arith.constant 48 : index
      %parallel_loop3A_895 = tpu.vector_load %arg6[%parallel_loop3A_892, %parallel_loop3A_893, %parallel_loop3A_894] {strides = array<i32>} : memref<4x128x64xf32, #tpu.memory_space<vmem>>, vector<1x1x16xf32>,
      %parallel_loop3A_896 = vector.shape_cast %parallel_loop3A_895 : vector<1x1x16xf32> to vector<16xf32>
      %parallel_loop3A_897 = arith.addf %parallel_loop3A_890, %parallel_loop3A_896 : vector<16xf32>
      %parallel_loop3A_898 = arith.constant 1 : i32
      %parallel_loop3A_899 = arith.index_cast %parallel_loop3A_898 : i32 to index
      %parallel_loop3A_900 = arith.index_cast %parallel_loop3A_824 : i32 to index
      %parallel_loop3A_901 = arith.constant 48 : index
      %parallel_loop3A_902 = tpu.vector_load %arg5[%parallel_loop3A_899, %parallel_loop3A_900, %parallel_loop3A_901] {strides = array<i32>} : memref<4x128x64xf32, #tpu.memory_space<vmem>>, vector<1x1x16xf32>,
      %parallel_loop3A_903 = vector.shape_cast %parallel_loop3A_902 : vector<1x1x16xf32> to vector<16xf32>
      %parallel_loop3A_904 = vector.shape_cast %parallel_loop3A_897 : vector<16xf32> to vector<1x1x16xf32>
      tpu.vector_store %arg5[%parallel_loop3A_899, %parallel_loop3A_900, %parallel_loop3A_901], %parallel_loop3A_904 {strides = array<i32>} : memref<4x128x64xf32, #tpu.memory_space<vmem>>, vector<1x1x16xf32>,
    } {sc.loop_unroll_factor = 8 : i64, sc.parallel_access}
    %add3A_274 = arith.constant 128 : i32
    %add3A_275 = arith.addi %mul3A_2, %add3A_274 : i32
    %dma_start3A_276 = arith.constant 1 : i32
    %dma_start3A_277 = arith.constant 1 : i32
    %dma_start3A_278 = arith.constant 0 : i32
    %dma_start3A_279 = arith.constant 0 : i32
    %dma_start3A_280 = tpu.memref_slice %arg5[%dma_start3A_276, %dma_start3A_278, %dma_start3A_279] : memref<4x128x64xf32, #tpu.memory_space<vmem>> -> memref<1x128x64xf32, #tpu.memory_space<vmem>>
    %dma_start3A_281 = tpu.memref_squeeze %dma_start3A_280 : memref<1x128x64xf32, #tpu.memory_space<vmem>> -> memref<128x64xf32, #tpu.memory_space<vmem>>
    %dma_start3A_282 = arith.constant 0 : i32
    %dma_start3A_283 = tpu.memref_slice %arg4[%add3A_275, %dma_start3A_282] : memref<32768x64xf32, #tpu.memory_space<hbm>> -> memref<128x64xf32, #tpu.memory_space<hbm>>
    %dma_start3A_284 = tpu.memref_slice %arg9[%dma_start3A_277] : memref<4x!tpu.dma_semaphore, #tpu.memory_space<semaphore_mem>> -> memref<1x!tpu.dma_semaphore, #tpu.memory_space<semaphore_mem>>
    %dma_start3A_285 = tpu.memref_squeeze %dma_start3A_284 : memref<1x!tpu.dma_semaphore, #tpu.memory_space<semaphore_mem>> -> memref<!tpu.dma_semaphore, #tpu.memory_space<semaphore_mem>>
    %dma_start3A_286 = arith.constant 0 : i32
    %dma_start3A_287 = tpu.memref_slice %arg4[%add3A_275, %dma_start3A_286] : memref<32768x64xf32, #tpu.memory_space<hbm>> -> memref<128x64xf32, #tpu.memory_space<hbm>>
    %dma_start3A_288 = arith.constant 0 : i32
    %dma_start3A_289 = arith.constant 0 : i32
    %dma_start3A_290 = tpu.memref_slice %arg5[%dma_start3A_276, %dma_start3A_288, %dma_start3A_289] : memref<4x128x64xf32, #tpu.memory_space<vmem>> -> memref<1x128x64xf32, #tpu.memory_space<vmem>>
    %dma_start3A_291 = tpu.memref_squeeze %dma_start3A_290 : memref<1x128x64xf32, #tpu.memory_space<vmem>> -> memref<128x64xf32, #tpu.memory_space<vmem>>
    tpu.enqueue_dma source(%dma_start3A_291 : memref<128x64xf32, #tpu.memory_space<vmem>>) target(%dma_start3A_287 : memref<128x64xf32, #tpu.memory_space<hbm>>) target_semaphore(%dma_start3A_285 : memref<!tpu.dma_semaphore, #tpu.memory_space<semaphore_mem>>)
    %dma_wait3A_292 = arith.constant 1 : i32
    %dma_wait3A_293 = arith.constant 1 : i32
    %dma_wait3A_294 = arith.constant 0 : i32
    %dma_wait3A_295 = arith.constant 0 : i32
    %dma_wait3A_296 = tpu.memref_slice %arg5[%dma_wait3A_292, %dma_wait3A_294, %dma_wait3A_295] : memref<4x128x64xf32, #tpu.memory_space<vmem>> -> memref<1x128x64xf32, #tpu.memory_space<vmem>>
    %dma_wait3A_297 = tpu.memref_squeeze %dma_wait3A_296 : memref<1x128x64xf32, #tpu.memory_space<vmem>> -> memref<128x64xf32, #tpu.memory_space<vmem>>
    %dma_wait3A_298 = arith.constant 0 : i32
    %dma_wait3A_299 = tpu.memref_slice %arg4[%add3A_275, %dma_wait3A_298] : memref<32768x64xf32, #tpu.memory_space<hbm>> -> memref<128x64xf32, #tpu.memory_space<hbm>>
    %dma_wait3A_300 = tpu.memref_slice %arg9[%dma_wait3A_293] : memref<4x!tpu.dma_semaphore, #tpu.memory_space<semaphore_mem>> -> memref<1x!tpu.dma_semaphore, #tpu.memory_space<semaphore_mem>>
    %dma_wait3A_301 = tpu.memref_squeeze %dma_wait3A_300 : memref<1x!tpu.dma_semaphore, #tpu.memory_space<semaphore_mem>> -> memref<!tpu.dma_semaphore, #tpu.memory_space<semaphore_mem>>
    %dma_wait3A_302 = arith.constant 0 : i32
    %dma_wait3A_303 = tpu.memref_slice %arg4[%add3A_275, %dma_wait3A_302] : memref<32768x64xf32, #tpu.memory_space<hbm>> -> memref<128x64xf32, #tpu.memory_space<hbm>>
    %dma_wait3A_304 = arith.constant 0 : i32
    %dma_wait3A_305 = arith.constant 0 : i32
    %dma_wait3A_306 = tpu.memref_slice %arg5[%dma_wait3A_292, %dma_wait3A_304, %dma_wait3A_305] : memref<4x128x64xf32, #tpu.memory_space<vmem>> -> memref<1x128x64xf32, #tpu.memory_space<vmem>>
    %dma_wait3A_307 = tpu.memref_squeeze %dma_wait3A_306 : memref<1x128x64xf32, #tpu.memory_space<vmem>> -> memref<128x64xf32, #tpu.memory_space<vmem>>
    tpu.wait_dma2 semaphore(%dma_wait3A_301 : memref<!tpu.dma_semaphore, #tpu.memory_space<semaphore_mem>>) src(%dma_wait3A_307 : memref<128x64xf32, #tpu.memory_space<vmem>>) dst(%dma_wait3A_303 : memref<128x64xf32, #tpu.memory_space<hbm>>)
    %add3A_308 = arith.constant 640 : i32
    %add3A_309 = arith.addi %mul3A_2, %add3A_308 : i32
    %dma_start3A_310 = arith.constant 1 : i32
    %dma_start3A_311 = arith.constant 1 : i32
    %dma_start3A_312 = arith.constant 0 : i32
    %dma_start3A_313 = arith.constant 0 : i32
    %dma_start3A_314 = tpu.memref_slice %arg5[%dma_start3A_310, %dma_start3A_312, %dma_start3A_313] : memref<4x128x64xf32, #tpu.memory_space<vmem>> -> memref<1x128x64xf32, #tpu.memory_space<vmem>>
    %dma_start3A_315 = tpu.memref_squeeze %dma_start3A_314 : memref<1x128x64xf32, #tpu.memory_space<vmem>> -> memref<128x64xf32, #tpu.memory_space<vmem>>
    %dma_start3A_316 = arith.constant 0 : i32
    %dma_start3A_317 = tpu.memref_slice %arg2[%add3A_309, %dma_start3A_316] : memref<32768x64xf32, #tpu.memory_space<hbm>> -> memref<128x64xf32, #tpu.memory_space<hbm>>
    %dma_start3A_318 = tpu.memref_slice %arg7[%dma_start3A_311] : memref<4x!tpu.dma_semaphore, #tpu.memory_space<semaphore_mem>> -> memref<1x!tpu.dma_semaphore, #tpu.memory_space<semaphore_mem>>
    %dma_start3A_319 = tpu.memref_squeeze %dma_start3A_318 : memref<1x!tpu.dma_semaphore, #tpu.memory_space<semaphore_mem>> -> memref<!tpu.dma_semaphore, #tpu.memory_space<semaphore_mem>>
    %dma_start3A_320 = arith.constant 0 : i32
    %dma_start3A_321 = arith.constant 0 : i32
    %dma_start3A_322 = tpu.memref_slice %arg5[%dma_start3A_310, %dma_start3A_320, %dma_start3A_321] : memref<4x128x64xf32, #tpu.memory_space<vmem>> -> memref<1x128x64xf32, #tpu.memory_space<vmem>>
    %dma_start3A_323 = tpu.memref_squeeze %dma_start3A_322 : memref<1x128x64xf32, #tpu.memory_space<vmem>> -> memref<128x64xf32, #tpu.memory_space<vmem>>
    %dma_start3A_324 = arith.constant 0 : i32
    %dma_start3A_325 = tpu.memref_slice %arg2[%add3A_309, %dma_start3A_324] : memref<32768x64xf32, #tpu.memory_space<hbm>> -> memref<128x64xf32, #tpu.memory_space<hbm>>
    tpu.enqueue_dma source(%dma_start3A_325 : memref<128x64xf32, #tpu.memory_space<hbm>>) target(%dma_start3A_323 : memref<128x64xf32, #tpu.memory_space<vmem>>) target_semaphore(%dma_start3A_319 : memref<!tpu.dma_semaphore, #tpu.memory_space<semaphore_mem>>)
    %dma_start3A_326 = arith.constant 1 : i32
    %dma_start3A_327 = arith.constant 1 : i32
    %dma_start3A_328 = arith.constant 0 : i32
    %dma_start3A_329 = arith.constant 0 : i32
    %dma_start3A_330 = tpu.memref_slice %arg6[%dma_start3A_326, %dma_start3A_328, %dma_start3A_329] : memref<4x128x64xf32, #tpu.memory_space<vmem>> -> memref<1x128x64xf32, #tpu.memory_space<vmem>>
    %dma_start3A_331 = tpu.memref_squeeze %dma_start3A_330 : memref<1x128x64xf32, #tpu.memory_space<vmem>> -> memref<128x64xf32, #tpu.memory_space<vmem>>
    %dma_start3A_332 = arith.constant 0 : i32
    %dma_start3A_333 = tpu.memref_slice %arg3[%add3A_309, %dma_start3A_332] : memref<32768x64xf32, #tpu.memory_space<hbm>> -> memref<128x64xf32, #tpu.memory_space<hbm>>
    %dma_start3A_334 = tpu.memref_slice %arg8[%dma_start3A_327] : memref<4x!tpu.dma_semaphore, #tpu.memory_space<semaphore_mem>> -> memref<1x!tpu.dma_semaphore, #tpu.memory_space<semaphore_mem>>
    %dma_start3A_335 = tpu.memref_squeeze %dma_start3A_334 : memref<1x!tpu.dma_semaphore, #tpu.memory_space<semaphore_mem>> -> memref<!tpu.dma_semaphore, #tpu.memory_space<semaphore_mem>>
    %dma_start3A_336 = arith.constant 0 : i32
    %dma_start3A_337 = arith.constant 0 : i32
    %dma_start3A_338 = tpu.memref_slice %arg6[%dma_start3A_326, %dma_start3A_336, %dma_start3A_337] : memref<4x128x64xf32, #tpu.memory_space<vmem>> -> memref<1x128x64xf32, #tpu.memory_space<vmem>>
    %dma_start3A_339 = tpu.memref_squeeze %dma_start3A_338 : memref<1x128x64xf32, #tpu.memory_space<vmem>> -> memref<128x64xf32, #tpu.memory_space<vmem>>
    %dma_start3A_340 = arith.constant 0 : i32
    %dma_start3A_341 = tpu.memref_slice %arg3[%add3A_309, %dma_start3A_340] : memref<32768x64xf32, #tpu.memory_space<hbm>> -> memref<128x64xf32, #tpu.memory_space<hbm>>
    tpu.enqueue_dma source(%dma_start3A_341 : memref<128x64xf32, #tpu.memory_space<hbm>>) target(%dma_start3A_339 : memref<128x64xf32, #tpu.memory_space<vmem>>) target_semaphore(%dma_start3A_335 : memref<!tpu.dma_semaphore, #tpu.memory_space<semaphore_mem>>)
    %dma_wait3A_342 = arith.constant 2 : i32
    %dma_wait3A_343 = arith.constant 2 : i32
    %dma_wait3A_344 = arith.constant 0 : i32
    %dma_wait3A_345 = arith.constant 0 : i32
    %dma_wait3A_346 = tpu.memref_slice %arg5[%dma_wait3A_342, %dma_wait3A_344, %dma_wait3A_345] : memref<4x128x64xf32, #tpu.memory_space<vmem>> -> memref<1x128x64xf32, #tpu.memory_space<vmem>>
    %dma_wait3A_347 = tpu.memref_squeeze %dma_wait3A_346 : memref<1x128x64xf32, #tpu.memory_space<vmem>> -> memref<128x64xf32, #tpu.memory_space<vmem>>
    %dma_wait3A_348 = arith.constant 0 : i32
    %dma_wait3A_349 = tpu.memref_slice %arg2[%add3A_71, %dma_wait3A_348] : memref<32768x64xf32, #tpu.memory_space<hbm>> -> memref<128x64xf32, #tpu.memory_space<hbm>>
    %dma_wait3A_350 = tpu.memref_slice %arg7[%dma_wait3A_343] : memref<4x!tpu.dma_semaphore, #tpu.memory_space<semaphore_mem>> -> memref<1x!tpu.dma_semaphore, #tpu.memory_space<semaphore_mem>>
    %dma_wait3A_351 = tpu.memref_squeeze %dma_wait3A_350 : memref<1x!tpu.dma_semaphore, #tpu.memory_space<semaphore_mem>> -> memref<!tpu.dma_semaphore, #tpu.memory_space<semaphore_mem>>
    %dma_wait3A_352 = arith.constant 0 : i32
    %dma_wait3A_353 = arith.constant 0 : i32
    %dma_wait3A_354 = tpu.memref_slice %arg5[%dma_wait3A_342, %dma_wait3A_352, %dma_wait3A_353] : memref<4x128x64xf32, #tpu.memory_space<vmem>> -> memref<1x128x64xf32, #tpu.memory_space<vmem>>
    %dma_wait3A_355 = tpu.memref_squeeze %dma_wait3A_354 : memref<1x128x64xf32, #tpu.memory_space<vmem>> -> memref<128x64xf32, #tpu.memory_space<vmem>>
    %dma_wait3A_356 = arith.constant 0 : i32
    %dma_wait3A_357 = tpu.memref_slice %arg2[%add3A_71, %dma_wait3A_356] : memref<32768x64xf32, #tpu.memory_space<hbm>> -> memref<128x64xf32, #tpu.memory_space<hbm>>
    tpu.wait_dma2 semaphore(%dma_wait3A_351 : memref<!tpu.dma_semaphore, #tpu.memory_space<semaphore_mem>>) src(%dma_wait3A_357 : memref<128x64xf32, #tpu.memory_space<hbm>>) dst(%dma_wait3A_355 : memref<128x64xf32, #tpu.memory_space<vmem>>)
    %dma_wait3A_358 = arith.constant 2 : i32
    %dma_wait3A_359 = arith.constant 2 : i32
    %dma_wait3A_360 = arith.constant 0 : i32
    %dma_wait3A_361 = arith.constant 0 : i32
    %dma_wait3A_362 = tpu.memref_slice %arg6[%dma_wait3A_358, %dma_wait3A_360, %dma_wait3A_361] : memref<4x128x64xf32, #tpu.memory_space<vmem>> -> memref<1x128x64xf32, #tpu.memory_space<vmem>>
    %dma_wait3A_363 = tpu.memref_squeeze %dma_wait3A_362 : memref<1x128x64xf32, #tpu.memory_space<vmem>> -> memref<128x64xf32, #tpu.memory_space<vmem>>
    %dma_wait3A_364 = arith.constant 0 : i32
    %dma_wait3A_365 = tpu.memref_slice %arg3[%add3A_71, %dma_wait3A_364] : memref<32768x64xf32, #tpu.memory_space<hbm>> -> memref<128x64xf32, #tpu.memory_space<hbm>>
    %dma_wait3A_366 = tpu.memref_slice %arg8[%dma_wait3A_359] : memref<4x!tpu.dma_semaphore, #tpu.memory_space<semaphore_mem>> -> memref<1x!tpu.dma_semaphore, #tpu.memory_space<semaphore_mem>>
    %dma_wait3A_367 = tpu.memref_squeeze %dma_wait3A_366 : memref<1x!tpu.dma_semaphore, #tpu.memory_space<semaphore_mem>> -> memref<!tpu.dma_semaphore, #tpu.memory_space<semaphore_mem>>
    %dma_wait3A_368 = arith.constant 0 : i32
    %dma_wait3A_369 = arith.constant 0 : i32
    %dma_wait3A_370 = tpu.memref_slice %arg6[%dma_wait3A_358, %dma_wait3A_368, %dma_wait3A_369] : memref<4x128x64xf32, #tpu.memory_space<vmem>> -> memref<1x128x64xf32, #tpu.memory_space<vmem>>
    %dma_wait3A_371 = tpu.memref_squeeze %dma_wait3A_370 : memref<1x128x64xf32, #tpu.memory_space<vmem>> -> memref<128x64xf32, #tpu.memory_space<vmem>>
    %dma_wait3A_372 = arith.constant 0 : i32
    %dma_wait3A_373 = tpu.memref_slice %arg3[%add3A_71, %dma_wait3A_372] : memref<32768x64xf32, #tpu.memory_space<hbm>> -> memref<128x64xf32, #tpu.memory_space<hbm>>
    tpu.wait_dma2 semaphore(%dma_wait3A_367 : memref<!tpu.dma_semaphore, #tpu.memory_space<semaphore_mem>>) src(%dma_wait3A_373 : memref<128x64xf32, #tpu.memory_space<hbm>>) dst(%dma_wait3A_371 : memref<128x64xf32, #tpu.memory_space<vmem>>)
    %parallel_loop3A_374 = arith.constant 0 : i32
    %parallel_loop3A_375 = arith.constant 128 : i32
    %parallel_loop3A_376 = arith.constant 1 : i32
    scf.for %parallel_loop3A_824 = %parallel_loop3A_374 to %parallel_loop3A_375 step %parallel_loop3A_376  : i32 {
      %parallel_loop3A_825 = arith.constant 2 : i32
      %parallel_loop3A_826 = arith.index_cast %parallel_loop3A_825 : i32 to index
      %parallel_loop3A_827 = arith.index_cast %parallel_loop3A_824 : i32 to index
      %parallel_loop3A_828 = arith.constant 0 : index
      %parallel_loop3A_829 = tpu.vector_load %arg5[%parallel_loop3A_826, %parallel_loop3A_827, %parallel_loop3A_828] {strides = array<i32>} : memref<4x128x64xf32, #tpu.memory_space<vmem>>, vector<1x1x16xf32>,
      %parallel_loop3A_830 = vector.shape_cast %parallel_loop3A_829 : vector<1x1x16xf32> to vector<16xf32>
      %parallel_loop3A_831 = arith.constant 2 : i32
      %parallel_loop3A_832 = arith.index_cast %parallel_loop3A_831 : i32 to index
      %parallel_loop3A_833 = arith.index_cast %parallel_loop3A_824 : i32 to index
      %parallel_loop3A_834 = arith.constant 0 : index
      %parallel_loop3A_835 = tpu.vector_load %arg6[%parallel_loop3A_832, %parallel_loop3A_833, %parallel_loop3A_834] {strides = array<i32>} : memref<4x128x64xf32, #tpu.memory_space<vmem>>, vector<1x1x16xf32>,
      %parallel_loop3A_836 = vector.shape_cast %parallel_loop3A_835 : vector<1x1x16xf32> to vector<16xf32>
      %parallel_loop3A_837 = arith.addf %parallel_loop3A_830, %parallel_loop3A_836 : vector<16xf32>
      %parallel_loop3A_838 = arith.constant 2 : i32
      %parallel_loop3A_839 = arith.index_cast %parallel_loop3A_838 : i32 to index
      %parallel_loop3A_840 = arith.index_cast %parallel_loop3A_824 : i32 to index
      %parallel_loop3A_841 = arith.constant 0 : index
      %parallel_loop3A_842 = tpu.vector_load %arg5[%parallel_loop3A_839, %parallel_loop3A_840, %parallel_loop3A_841] {strides = array<i32>} : memref<4x128x64xf32, #tpu.memory_space<vmem>>, vector<1x1x16xf32>,
      %parallel_loop3A_843 = vector.shape_cast %parallel_loop3A_842 : vector<1x1x16xf32> to vector<16xf32>
      %parallel_loop3A_844 = vector.shape_cast %parallel_loop3A_837 : vector<16xf32> to vector<1x1x16xf32>
      tpu.vector_store %arg5[%parallel_loop3A_839, %parallel_loop3A_840, %parallel_loop3A_841], %parallel_loop3A_844 {strides = array<i32>} : memref<4x128x64xf32, #tpu.memory_space<vmem>>, vector<1x1x16xf32>,
      %parallel_loop3A_845 = arith.constant 2 : i32
      %parallel_loop3A_846 = arith.index_cast %parallel_loop3A_845 : i32 to index
      %parallel_loop3A_847 = arith.index_cast %parallel_loop3A_824 : i32 to index
      %parallel_loop3A_848 = arith.constant 16 : index
      %parallel_loop3A_849 = tpu.vector_load %arg5[%parallel_loop3A_846, %parallel_loop3A_847, %parallel_loop3A_848] {strides = array<i32>} : memref<4x128x64xf32, #tpu.memory_space<vmem>>, vector<1x1x16xf32>,
      %parallel_loop3A_850 = vector.shape_cast %parallel_loop3A_849 : vector<1x1x16xf32> to vector<16xf32>
      %parallel_loop3A_851 = arith.constant 2 : i32
      %parallel_loop3A_852 = arith.index_cast %parallel_loop3A_851 : i32 to index
      %parallel_loop3A_853 = arith.index_cast %parallel_loop3A_824 : i32 to index
      %parallel_loop3A_854 = arith.constant 16 : index
      %parallel_loop3A_855 = tpu.vector_load %arg6[%parallel_loop3A_852, %parallel_loop3A_853, %parallel_loop3A_854] {strides = array<i32>} : memref<4x128x64xf32, #tpu.memory_space<vmem>>, vector<1x1x16xf32>,
      %parallel_loop3A_856 = vector.shape_cast %parallel_loop3A_855 : vector<1x1x16xf32> to vector<16xf32>
      %parallel_loop3A_857 = arith.addf %parallel_loop3A_850, %parallel_loop3A_856 : vector<16xf32>
      %parallel_loop3A_858 = arith.constant 2 : i32
      %parallel_loop3A_859 = arith.index_cast %parallel_loop3A_858 : i32 to index
      %parallel_loop3A_860 = arith.index_cast %parallel_loop3A_824 : i32 to index
      %parallel_loop3A_861 = arith.constant 16 : index
      %parallel_loop3A_862 = tpu.vector_load %arg5[%parallel_loop3A_859, %parallel_loop3A_860, %parallel_loop3A_861] {strides = array<i32>} : memref<4x128x64xf32, #tpu.memory_space<vmem>>, vector<1x1x16xf32>,
      %parallel_loop3A_863 = vector.shape_cast %parallel_loop3A_862 : vector<1x1x16xf32> to vector<16xf32>
      %parallel_loop3A_864 = vector.shape_cast %parallel_loop3A_857 : vector<16xf32> to vector<1x1x16xf32>
      tpu.vector_store %arg5[%parallel_loop3A_859, %parallel_loop3A_860, %parallel_loop3A_861], %parallel_loop3A_864 {strides = array<i32>} : memref<4x128x64xf32, #tpu.memory_space<vmem>>, vector<1x1x16xf32>,
      %parallel_loop3A_865 = arith.constant 2 : i32
      %parallel_loop3A_866 = arith.index_cast %parallel_loop3A_865 : i32 to index
      %parallel_loop3A_867 = arith.index_cast %parallel_loop3A_824 : i32 to index
      %parallel_loop3A_868 = arith.constant 32 : index
      %parallel_loop3A_869 = tpu.vector_load %arg5[%parallel_loop3A_866, %parallel_loop3A_867, %parallel_loop3A_868] {strides = array<i32>} : memref<4x128x64xf32, #tpu.memory_space<vmem>>, vector<1x1x16xf32>,
      %parallel_loop3A_870 = vector.shape_cast %parallel_loop3A_869 : vector<1x1x16xf32> to vector<16xf32>
      %parallel_loop3A_871 = arith.constant 2 : i32
      %parallel_loop3A_872 = arith.index_cast %parallel_loop3A_871 : i32 to index
      %parallel_loop3A_873 = arith.index_cast %parallel_loop3A_824 : i32 to index
      %parallel_loop3A_874 = arith.constant 32 : index
      %parallel_loop3A_875 = tpu.vector_load %arg6[%parallel_loop3A_872, %parallel_loop3A_873, %parallel_loop3A_874] {strides = array<i32>} : memref<4x128x64xf32, #tpu.memory_space<vmem>>, vector<1x1x16xf32>,
      %parallel_loop3A_876 = vector.shape_cast %parallel_loop3A_875 : vector<1x1x16xf32> to vector<16xf32>
      %parallel_loop3A_877 = arith.addf %parallel_loop3A_870, %parallel_loop3A_876 : vector<16xf32>
      %parallel_loop3A_878 = arith.constant 2 : i32
      %parallel_loop3A_879 = arith.index_cast %parallel_loop3A_878 : i32 to index
      %parallel_loop3A_880 = arith.index_cast %parallel_loop3A_824 : i32 to index
      %parallel_loop3A_881 = arith.constant 32 : index
      %parallel_loop3A_882 = tpu.vector_load %arg5[%parallel_loop3A_879, %parallel_loop3A_880, %parallel_loop3A_881] {strides = array<i32>} : memref<4x128x64xf32, #tpu.memory_space<vmem>>, vector<1x1x16xf32>,
      %parallel_loop3A_883 = vector.shape_cast %parallel_loop3A_882 : vector<1x1x16xf32> to vector<16xf32>
      %parallel_loop3A_884 = vector.shape_cast %parallel_loop3A_877 : vector<16xf32> to vector<1x1x16xf32>
      tpu.vector_store %arg5[%parallel_loop3A_879, %parallel_loop3A_880, %parallel_loop3A_881], %parallel_loop3A_884 {strides = array<i32>} : memref<4x128x64xf32, #tpu.memory_space<vmem>>, vector<1x1x16xf32>,
      %parallel_loop3A_885 = arith.constant 2 : i32
      %parallel_loop3A_886 = arith.index_cast %parallel_loop3A_885 : i32 to index
      %parallel_loop3A_887 = arith.index_cast %parallel_loop3A_824 : i32 to index
      %parallel_loop3A_888 = arith.constant 48 : index
      %parallel_loop3A_889 = tpu.vector_load %arg5[%parallel_loop3A_886, %parallel_loop3A_887, %parallel_loop3A_888] {strides = array<i32>} : memref<4x128x64xf32, #tpu.memory_space<vmem>>, vector<1x1x16xf32>,
      %parallel_loop3A_890 = vector.shape_cast %parallel_loop3A_889 : vector<1x1x16xf32> to vector<16xf32>
      %parallel_loop3A_891 = arith.constant 2 : i32
      %parallel_loop3A_892 = arith.index_cast %parallel_loop3A_891 : i32 to index
      %parallel_loop3A_893 = arith.index_cast %parallel_loop3A_824 : i32 to index
      %parallel_loop3A_894 = arith.constant 48 : index
      %parallel_loop3A_895 = tpu.vector_load %arg6[%parallel_loop3A_892, %parallel_loop3A_893, %parallel_loop3A_894] {strides = array<i32>} : memref<4x128x64xf32, #tpu.memory_space<vmem>>, vector<1x1x16xf32>,
      %parallel_loop3A_896 = vector.shape_cast %parallel_loop3A_895 : vector<1x1x16xf32> to vector<16xf32>
      %parallel_loop3A_897 = arith.addf %parallel_loop3A_890, %parallel_loop3A_896 : vector<16xf32>
      %parallel_loop3A_898 = arith.constant 2 : i32
      %parallel_loop3A_899 = arith.index_cast %parallel_loop3A_898 : i32 to index
      %parallel_loop3A_900 = arith.index_cast %parallel_loop3A_824 : i32 to index
      %parallel_loop3A_901 = arith.constant 48 : index
      %parallel_loop3A_902 = tpu.vector_load %arg5[%parallel_loop3A_899, %parallel_loop3A_900, %parallel_loop3A_901] {strides = array<i32>} : memref<4x128x64xf32, #tpu.memory_space<vmem>>, vector<1x1x16xf32>,
      %parallel_loop3A_903 = vector.shape_cast %parallel_loop3A_902 : vector<1x1x16xf32> to vector<16xf32>
      %parallel_loop3A_904 = vector.shape_cast %parallel_loop3A_897 : vector<16xf32> to vector<1x1x16xf32>
      tpu.vector_store %arg5[%parallel_loop3A_899, %parallel_loop3A_900, %parallel_loop3A_901], %parallel_loop3A_904 {strides = array<i32>} : memref<4x128x64xf32, #tpu.memory_space<vmem>>, vector<1x1x16xf32>,
    } {sc.loop_unroll_factor = 8 : i64, sc.parallel_access}
    %add3A_377 = arith.constant 256 : i32
    %add3A_378 = arith.addi %mul3A_2, %add3A_377 : i32
    %dma_start3A_379 = arith.constant 2 : i32
    %dma_start3A_380 = arith.constant 2 : i32
    %dma_start3A_381 = arith.constant 0 : i32
    %dma_start3A_382 = arith.constant 0 : i32
    %dma_start3A_383 = tpu.memref_slice %arg5[%dma_start3A_379, %dma_start3A_381, %dma_start3A_382] : memref<4x128x64xf32, #tpu.memory_space<vmem>> -> memref<1x128x64xf32, #tpu.memory_space<vmem>>
    %dma_start3A_384 = tpu.memref_squeeze %dma_start3A_383 : memref<1x128x64xf32, #tpu.memory_space<vmem>> -> memref<128x64xf32, #tpu.memory_space<vmem>>
    %dma_start3A_385 = arith.constant 0 : i32
    %dma_start3A_386 = tpu.memref_slice %arg4[%add3A_378, %dma_start3A_385] : memref<32768x64xf32, #tpu.memory_space<hbm>> -> memref<128x64xf32, #tpu.memory_space<hbm>>
    %dma_start3A_387 = tpu.memref_slice %arg9[%dma_start3A_380] : memref<4x!tpu.dma_semaphore, #tpu.memory_space<semaphore_mem>> -> memref<1x!tpu.dma_semaphore, #tpu.memory_space<semaphore_mem>>
    %dma_start3A_388 = tpu.memref_squeeze %dma_start3A_387 : memref<1x!tpu.dma_semaphore, #tpu.memory_space<semaphore_mem>> -> memref<!tpu.dma_semaphore, #tpu.memory_space<semaphore_mem>>
    %dma_start3A_389 = arith.constant 0 : i32
    %dma_start3A_390 = tpu.memref_slice %arg4[%add3A_378, %dma_start3A_389] : memref<32768x64xf32, #tpu.memory_space<hbm>> -> memref<128x64xf32, #tpu.memory_space<hbm>>
    %dma_start3A_391 = arith.constant 0 : i32
    %dma_start3A_392 = arith.constant 0 : i32
    %dma_start3A_393 = tpu.memref_slice %arg5[%dma_start3A_379, %dma_start3A_391, %dma_start3A_392] : memref<4x128x64xf32, #tpu.memory_space<vmem>> -> memref<1x128x64xf32, #tpu.memory_space<vmem>>
    %dma_start3A_394 = tpu.memref_squeeze %dma_start3A_393 : memref<1x128x64xf32, #tpu.memory_space<vmem>> -> memref<128x64xf32, #tpu.memory_space<vmem>>
    tpu.enqueue_dma source(%dma_start3A_394 : memref<128x64xf32, #tpu.memory_space<vmem>>) target(%dma_start3A_390 : memref<128x64xf32, #tpu.memory_space<hbm>>) target_semaphore(%dma_start3A_388 : memref<!tpu.dma_semaphore, #tpu.memory_space<semaphore_mem>>)
    %dma_wait3A_395 = arith.constant 2 : i32
    %dma_wait3A_396 = arith.constant 2 : i32
    %dma_wait3A_397 = arith.constant 0 : i32
    %dma_wait3A_398 = arith.constant 0 : i32
    %dma_wait3A_399 = tpu.memref_slice %arg5[%dma_wait3A_395, %dma_wait3A_397, %dma_wait3A_398] : memref<4x128x64xf32, #tpu.memory_space<vmem>> -> memref<1x128x64xf32, #tpu.memory_space<vmem>>
    %dma_wait3A_400 = tpu.memref_squeeze %dma_wait3A_399 : memref<1x128x64xf32, #tpu.memory_space<vmem>> -> memref<128x64xf32, #tpu.memory_space<vmem>>
    %dma_wait3A_401 = arith.constant 0 : i32
    %dma_wait3A_402 = tpu.memref_slice %arg4[%add3A_378, %dma_wait3A_401] : memref<32768x64xf32, #tpu.memory_space<hbm>> -> memref<128x64xf32, #tpu.memory_space<hbm>>
    %dma_wait3A_403 = tpu.memref_slice %arg9[%dma_wait3A_396] : memref<4x!tpu.dma_semaphore, #tpu.memory_space<semaphore_mem>> -> memref<1x!tpu.dma_semaphore, #tpu.memory_space<semaphore_mem>>
    %dma_wait3A_404 = tpu.memref_squeeze %dma_wait3A_403 : memref<1x!tpu.dma_semaphore, #tpu.memory_space<semaphore_mem>> -> memref<!tpu.dma_semaphore, #tpu.memory_space<semaphore_mem>>
    %dma_wait3A_405 = arith.constant 0 : i32
    %dma_wait3A_406 = tpu.memref_slice %arg4[%add3A_378, %dma_wait3A_405] : memref<32768x64xf32, #tpu.memory_space<hbm>> -> memref<128x64xf32, #tpu.memory_space<hbm>>
    %dma_wait3A_407 = arith.constant 0 : i32
    %dma_wait3A_408 = arith.constant 0 : i32
    %dma_wait3A_409 = tpu.memref_slice %arg5[%dma_wait3A_395, %dma_wait3A_407, %dma_wait3A_408] : memref<4x128x64xf32, #tpu.memory_space<vmem>> -> memref<1x128x64xf32, #tpu.memory_space<vmem>>
    %dma_wait3A_410 = tpu.memref_squeeze %dma_wait3A_409 : memref<1x128x64xf32, #tpu.memory_space<vmem>> -> memref<128x64xf32, #tpu.memory_space<vmem>>
    tpu.wait_dma2 semaphore(%dma_wait3A_404 : memref<!tpu.dma_semaphore, #tpu.memory_space<semaphore_mem>>) src(%dma_wait3A_410 : memref<128x64xf32, #tpu.memory_space<vmem>>) dst(%dma_wait3A_406 : memref<128x64xf32, #tpu.memory_space<hbm>>)
    %add3A_411 = arith.constant 768 : i32
    %add3A_412 = arith.addi %mul3A_2, %add3A_411 : i32
    %dma_start3A_413 = arith.constant 2 : i32
    %dma_start3A_414 = arith.constant 2 : i32
    %dma_start3A_415 = arith.constant 0 : i32
    %dma_start3A_416 = arith.constant 0 : i32
    %dma_start3A_417 = tpu.memref_slice %arg5[%dma_start3A_413, %dma_start3A_415, %dma_start3A_416] : memref<4x128x64xf32, #tpu.memory_space<vmem>> -> memref<1x128x64xf32, #tpu.memory_space<vmem>>
    %dma_start3A_418 = tpu.memref_squeeze %dma_start3A_417 : memref<1x128x64xf32, #tpu.memory_space<vmem>> -> memref<128x64xf32, #tpu.memory_space<vmem>>
    %dma_start3A_419 = arith.constant 0 : i32
    %dma_start3A_420 = tpu.memref_slice %arg2[%add3A_412, %dma_start3A_419] : memref<32768x64xf32, #tpu.memory_space<hbm>> -> memref<128x64xf32, #tpu.memory_space<hbm>>
    %dma_start3A_421 = tpu.memref_slice %arg7[%dma_start3A_414] : memref<4x!tpu.dma_semaphore, #tpu.memory_space<semaphore_mem>> -> memref<1x!tpu.dma_semaphore, #tpu.memory_space<semaphore_mem>>
    %dma_start3A_422 = tpu.memref_squeeze %dma_start3A_421 : memref<1x!tpu.dma_semaphore, #tpu.memory_space<semaphore_mem>> -> memref<!tpu.dma_semaphore, #tpu.memory_space<semaphore_mem>>
    %dma_start3A_423 = arith.constant 0 : i32
    %dma_start3A_424 = arith.constant 0 : i32
    %dma_start3A_425 = tpu.memref_slice %arg5[%dma_start3A_413, %dma_start3A_423, %dma_start3A_424] : memref<4x128x64xf32, #tpu.memory_space<vmem>> -> memref<1x128x64xf32, #tpu.memory_space<vmem>>
    %dma_start3A_426 = tpu.memref_squeeze %dma_start3A_425 : memref<1x128x64xf32, #tpu.memory_space<vmem>> -> memref<128x64xf32, #tpu.memory_space<vmem>>
    %dma_start3A_427 = arith.constant 0 : i32
    %dma_start3A_428 = tpu.memref_slice %arg2[%add3A_412, %dma_start3A_427] : memref<32768x64xf32, #tpu.memory_space<hbm>> -> memref<128x64xf32, #tpu.memory_space<hbm>>
    tpu.enqueue_dma source(%dma_start3A_428 : memref<128x64xf32, #tpu.memory_space<hbm>>) target(%dma_start3A_426 : memref<128x64xf32, #tpu.memory_space<vmem>>) target_semaphore(%dma_start3A_422 : memref<!tpu.dma_semaphore, #tpu.memory_space<semaphore_mem>>)
    %dma_start3A_429 = arith.constant 2 : i32
    %dma_start3A_430 = arith.constant 2 : i32
    %dma_start3A_431 = arith.constant 0 : i32
    %dma_start3A_432 = arith.constant 0 : i32
    %dma_start3A_433 = tpu.memref_slice %arg6[%dma_start3A_429, %dma_start3A_431, %dma_start3A_432] : memref<4x128x64xf32, #tpu.memory_space<vmem>> -> memref<1x128x64xf32, #tpu.memory_space<vmem>>
    %dma_start3A_434 = tpu.memref_squeeze %dma_start3A_433 : memref<1x128x64xf32, #tpu.memory_space<vmem>> -> memref<128x64xf32, #tpu.memory_space<vmem>>
    %dma_start3A_435 = arith.constant 0 : i32
    %dma_start3A_436 = tpu.memref_slice %arg3[%add3A_412, %dma_start3A_435] : memref<32768x64xf32, #tpu.memory_space<hbm>> -> memref<128x64xf32, #tpu.memory_space<hbm>>
    %dma_start3A_437 = tpu.memref_slice %arg8[%dma_start3A_430] : memref<4x!tpu.dma_semaphore, #tpu.memory_space<semaphore_mem>> -> memref<1x!tpu.dma_semaphore, #tpu.memory_space<semaphore_mem>>
    %dma_start3A_438 = tpu.memref_squeeze %dma_start3A_437 : memref<1x!tpu.dma_semaphore, #tpu.memory_space<semaphore_mem>> -> memref<!tpu.dma_semaphore, #tpu.memory_space<semaphore_mem>>
    %dma_start3A_439 = arith.constant 0 : i32
    %dma_start3A_440 = arith.constant 0 : i32
    %dma_start3A_441 = tpu.memref_slice %arg6[%dma_start3A_429, %dma_start3A_439, %dma_start3A_440] : memref<4x128x64xf32, #tpu.memory_space<vmem>> -> memref<1x128x64xf32, #tpu.memory_space<vmem>>
    %dma_start3A_442 = tpu.memref_squeeze %dma_start3A_441 : memref<1x128x64xf32, #tpu.memory_space<vmem>> -> memref<128x64xf32, #tpu.memory_space<vmem>>
    %dma_start3A_443 = arith.constant 0 : i32
    %dma_start3A_444 = tpu.memref_slice %arg3[%add3A_412, %dma_start3A_443] : memref<32768x64xf32, #tpu.memory_space<hbm>> -> memref<128x64xf32, #tpu.memory_space<hbm>>
    tpu.enqueue_dma source(%dma_start3A_444 : memref<128x64xf32, #tpu.memory_space<hbm>>) target(%dma_start3A_442 : memref<128x64xf32, #tpu.memory_space<vmem>>) target_semaphore(%dma_start3A_438 : memref<!tpu.dma_semaphore, #tpu.memory_space<semaphore_mem>>)
    %dma_wait3A_445 = arith.constant 3 : i32
    %dma_wait3A_446 = arith.constant 3 : i32
    %dma_wait3A_447 = arith.constant 0 : i32
    %dma_wait3A_448 = arith.constant 0 : i32
    %dma_wait3A_449 = tpu.memref_slice %arg5[%dma_wait3A_445, %dma_wait3A_447, %dma_wait3A_448] : memref<4x128x64xf32, #tpu.memory_space<vmem>> -> memref<1x128x64xf32, #tpu.memory_space<vmem>>
    %dma_wait3A_450 = tpu.memref_squeeze %dma_wait3A_449 : memref<1x128x64xf32, #tpu.memory_space<vmem>> -> memref<128x64xf32, #tpu.memory_space<vmem>>
    %dma_wait3A_451 = arith.constant 0 : i32
    %dma_wait3A_452 = tpu.memref_slice %arg2[%add3A_105, %dma_wait3A_451] : memref<32768x64xf32, #tpu.memory_space<hbm>> -> memref<128x64xf32, #tpu.memory_space<hbm>>
    %dma_wait3A_453 = tpu.memref_slice %arg7[%dma_wait3A_446] : memref<4x!tpu.dma_semaphore, #tpu.memory_space<semaphore_mem>> -> memref<1x!tpu.dma_semaphore, #tpu.memory_space<semaphore_mem>>
    %dma_wait3A_454 = tpu.memref_squeeze %dma_wait3A_453 : memref<1x!tpu.dma_semaphore, #tpu.memory_space<semaphore_mem>> -> memref<!tpu.dma_semaphore, #tpu.memory_space<semaphore_mem>>
    %dma_wait3A_455 = arith.constant 0 : i32
    %dma_wait3A_456 = arith.constant 0 : i32
    %dma_wait3A_457 = tpu.memref_slice %arg5[%dma_wait3A_445, %dma_wait3A_455, %dma_wait3A_456] : memref<4x128x64xf32, #tpu.memory_space<vmem>> -> memref<1x128x64xf32, #tpu.memory_space<vmem>>
    %dma_wait3A_458 = tpu.memref_squeeze %dma_wait3A_457 : memref<1x128x64xf32, #tpu.memory_space<vmem>> -> memref<128x64xf32, #tpu.memory_space<vmem>>
    %dma_wait3A_459 = arith.constant 0 : i32
    %dma_wait3A_460 = tpu.memref_slice %arg2[%add3A_105, %dma_wait3A_459] : memref<32768x64xf32, #tpu.memory_space<hbm>> -> memref<128x64xf32, #tpu.memory_space<hbm>>
    tpu.wait_dma2 semaphore(%dma_wait3A_454 : memref<!tpu.dma_semaphore, #tpu.memory_space<semaphore_mem>>) src(%dma_wait3A_460 : memref<128x64xf32, #tpu.memory_space<hbm>>) dst(%dma_wait3A_458 : memref<128x64xf32, #tpu.memory_space<vmem>>)
    %dma_wait3A_461 = arith.constant 3 : i32
    %dma_wait3A_462 = arith.constant 3 : i32
    %dma_wait3A_463 = arith.constant 0 : i32
    %dma_wait3A_464 = arith.constant 0 : i32
    %dma_wait3A_465 = tpu.memref_slice %arg6[%dma_wait3A_461, %dma_wait3A_463, %dma_wait3A_464] : memref<4x128x64xf32, #tpu.memory_space<vmem>> -> memref<1x128x64xf32, #tpu.memory_space<vmem>>
    %dma_wait3A_466 = tpu.memref_squeeze %dma_wait3A_465 : memref<1x128x64xf32, #tpu.memory_space<vmem>> -> memref<128x64xf32, #tpu.memory_space<vmem>>
    %dma_wait3A_467 = arith.constant 0 : i32
    %dma_wait3A_468 = tpu.memref_slice %arg3[%add3A_105, %dma_wait3A_467] : memref<32768x64xf32, #tpu.memory_space<hbm>> -> memref<128x64xf32, #tpu.memory_space<hbm>>
    %dma_wait3A_469 = tpu.memref_slice %arg8[%dma_wait3A_462] : memref<4x!tpu.dma_semaphore, #tpu.memory_space<semaphore_mem>> -> memref<1x!tpu.dma_semaphore, #tpu.memory_space<semaphore_mem>>
    %dma_wait3A_470 = tpu.memref_squeeze %dma_wait3A_469 : memref<1x!tpu.dma_semaphore, #tpu.memory_space<semaphore_mem>> -> memref<!tpu.dma_semaphore, #tpu.memory_space<semaphore_mem>>
    %dma_wait3A_471 = arith.constant 0 : i32
    %dma_wait3A_472 = arith.constant 0 : i32
    %dma_wait3A_473 = tpu.memref_slice %arg6[%dma_wait3A_461, %dma_wait3A_471, %dma_wait3A_472] : memref<4x128x64xf32, #tpu.memory_space<vmem>> -> memref<1x128x64xf32, #tpu.memory_space<vmem>>
    %dma_wait3A_474 = tpu.memref_squeeze %dma_wait3A_473 : memref<1x128x64xf32, #tpu.memory_space<vmem>> -> memref<128x64xf32, #tpu.memory_space<vmem>>
    %dma_wait3A_475 = arith.constant 0 : i32
    %dma_wait3A_476 = tpu.memref_slice %arg3[%add3A_105, %dma_wait3A_475] : memref<32768x64xf32, #tpu.memory_space<hbm>> -> memref<128x64xf32, #tpu.memory_space<hbm>>
    tpu.wait_dma2 semaphore(%dma_wait3A_470 : memref<!tpu.dma_semaphore, #tpu.memory_space<semaphore_mem>>) src(%dma_wait3A_476 : memref<128x64xf32, #tpu.memory_space<hbm>>) dst(%dma_wait3A_474 : memref<128x64xf32, #tpu.memory_space<vmem>>)
    %parallel_loop3A_477 = arith.constant 0 : i32
    %parallel_loop3A_478 = arith.constant 128 : i32
    %parallel_loop3A_479 = arith.constant 1 : i32
    scf.for %parallel_loop3A_824 = %parallel_loop3A_477 to %parallel_loop3A_478 step %parallel_loop3A_479  : i32 {
      %parallel_loop3A_825 = arith.constant 3 : i32
      %parallel_loop3A_826 = arith.index_cast %parallel_loop3A_825 : i32 to index
      %parallel_loop3A_827 = arith.index_cast %parallel_loop3A_824 : i32 to index
      %parallel_loop3A_828 = arith.constant 0 : index
      %parallel_loop3A_829 = tpu.vector_load %arg5[%parallel_loop3A_826, %parallel_loop3A_827, %parallel_loop3A_828] {strides = array<i32>} : memref<4x128x64xf32, #tpu.memory_space<vmem>>, vector<1x1x16xf32>,
      %parallel_loop3A_830 = vector.shape_cast %parallel_loop3A_829 : vector<1x1x16xf32> to vector<16xf32>
      %parallel_loop3A_831 = arith.constant 3 : i32
      %parallel_loop3A_832 = arith.index_cast %parallel_loop3A_831 : i32 to index
      %parallel_loop3A_833 = arith.index_cast %parallel_loop3A_824 : i32 to index
      %parallel_loop3A_834 = arith.constant 0 : index
      %parallel_loop3A_835 = tpu.vector_load %arg6[%parallel_loop3A_832, %parallel_loop3A_833, %parallel_loop3A_834] {strides = array<i32>} : memref<4x128x64xf32, #tpu.memory_space<vmem>>, vector<1x1x16xf32>,
      %parallel_loop3A_836 = vector.shape_cast %parallel_loop3A_835 : vector<1x1x16xf32> to vector<16xf32>
      %parallel_loop3A_837 = arith.addf %parallel_loop3A_830, %parallel_loop3A_836 : vector<16xf32>
      %parallel_loop3A_838 = arith.constant 3 : i32
      %parallel_loop3A_839 = arith.index_cast %parallel_loop3A_838 : i32 to index
      %parallel_loop3A_840 = arith.index_cast %parallel_loop3A_824 : i32 to index
      %parallel_loop3A_841 = arith.constant 0 : index
      %parallel_loop3A_842 = tpu.vector_load %arg5[%parallel_loop3A_839, %parallel_loop3A_840, %parallel_loop3A_841] {strides = array<i32>} : memref<4x128x64xf32, #tpu.memory_space<vmem>>, vector<1x1x16xf32>,
      %parallel_loop3A_843 = vector.shape_cast %parallel_loop3A_842 : vector<1x1x16xf32> to vector<16xf32>
      %parallel_loop3A_844 = vector.shape_cast %parallel_loop3A_837 : vector<16xf32> to vector<1x1x16xf32>
      tpu.vector_store %arg5[%parallel_loop3A_839, %parallel_loop3A_840, %parallel_loop3A_841], %parallel_loop3A_844 {strides = array<i32>} : memref<4x128x64xf32, #tpu.memory_space<vmem>>, vector<1x1x16xf32>,
      %parallel_loop3A_845 = arith.constant 3 : i32
      %parallel_loop3A_846 = arith.index_cast %parallel_loop3A_845 : i32 to index
      %parallel_loop3A_847 = arith.index_cast %parallel_loop3A_824 : i32 to index
      %parallel_loop3A_848 = arith.constant 16 : index
      %parallel_loop3A_849 = tpu.vector_load %arg5[%parallel_loop3A_846, %parallel_loop3A_847, %parallel_loop3A_848] {strides = array<i32>} : memref<4x128x64xf32, #tpu.memory_space<vmem>>, vector<1x1x16xf32>,
      %parallel_loop3A_850 = vector.shape_cast %parallel_loop3A_849 : vector<1x1x16xf32> to vector<16xf32>
      %parallel_loop3A_851 = arith.constant 3 : i32
      %parallel_loop3A_852 = arith.index_cast %parallel_loop3A_851 : i32 to index
      %parallel_loop3A_853 = arith.index_cast %parallel_loop3A_824 : i32 to index
      %parallel_loop3A_854 = arith.constant 16 : index
      %parallel_loop3A_855 = tpu.vector_load %arg6[%parallel_loop3A_852, %parallel_loop3A_853, %parallel_loop3A_854] {strides = array<i32>} : memref<4x128x64xf32, #tpu.memory_space<vmem>>, vector<1x1x16xf32>,
      %parallel_loop3A_856 = vector.shape_cast %parallel_loop3A_855 : vector<1x1x16xf32> to vector<16xf32>
      %parallel_loop3A_857 = arith.addf %parallel_loop3A_850, %parallel_loop3A_856 : vector<16xf32>
      %parallel_loop3A_858 = arith.constant 3 : i32
      %parallel_loop3A_859 = arith.index_cast %parallel_loop3A_858 : i32 to index
      %parallel_loop3A_860 = arith.index_cast %parallel_loop3A_824 : i32 to index
      %parallel_loop3A_861 = arith.constant 16 : index
      %parallel_loop3A_862 = tpu.vector_load %arg5[%parallel_loop3A_859, %parallel_loop3A_860, %parallel_loop3A_861] {strides = array<i32>} : memref<4x128x64xf32, #tpu.memory_space<vmem>>, vector<1x1x16xf32>,
      %parallel_loop3A_863 = vector.shape_cast %parallel_loop3A_862 : vector<1x1x16xf32> to vector<16xf32>
      %parallel_loop3A_864 = vector.shape_cast %parallel_loop3A_857 : vector<16xf32> to vector<1x1x16xf32>
      tpu.vector_store %arg5[%parallel_loop3A_859, %parallel_loop3A_860, %parallel_loop3A_861], %parallel_loop3A_864 {strides = array<i32>} : memref<4x128x64xf32, #tpu.memory_space<vmem>>, vector<1x1x16xf32>,
      %parallel_loop3A_865 = arith.constant 3 : i32
      %parallel_loop3A_866 = arith.index_cast %parallel_loop3A_865 : i32 to index
      %parallel_loop3A_867 = arith.index_cast %parallel_loop3A_824 : i32 to index
      %parallel_loop3A_868 = arith.constant 32 : index
      %parallel_loop3A_869 = tpu.vector_load %arg5[%parallel_loop3A_866, %parallel_loop3A_867, %parallel_loop3A_868] {strides = array<i32>} : memref<4x128x64xf32, #tpu.memory_space<vmem>>, vector<1x1x16xf32>,
      %parallel_loop3A_870 = vector.shape_cast %parallel_loop3A_869 : vector<1x1x16xf32> to vector<16xf32>
      %parallel_loop3A_871 = arith.constant 3 : i32
      %parallel_loop3A_872 = arith.index_cast %parallel_loop3A_871 : i32 to index
      %parallel_loop3A_873 = arith.index_cast %parallel_loop3A_824 : i32 to index
      %parallel_loop3A_874 = arith.constant 32 : index
      %parallel_loop3A_875 = tpu.vector_load %arg6[%parallel_loop3A_872, %parallel_loop3A_873, %parallel_loop3A_874] {strides = array<i32>} : memref<4x128x64xf32, #tpu.memory_space<vmem>>, vector<1x1x16xf32>,
      %parallel_loop3A_876 = vector.shape_cast %parallel_loop3A_875 : vector<1x1x16xf32> to vector<16xf32>
      %parallel_loop3A_877 = arith.addf %parallel_loop3A_870, %parallel_loop3A_876 : vector<16xf32>
      %parallel_loop3A_878 = arith.constant 3 : i32
      %parallel_loop3A_879 = arith.index_cast %parallel_loop3A_878 : i32 to index
      %parallel_loop3A_880 = arith.index_cast %parallel_loop3A_824 : i32 to index
      %parallel_loop3A_881 = arith.constant 32 : index
      %parallel_loop3A_882 = tpu.vector_load %arg5[%parallel_loop3A_879, %parallel_loop3A_880, %parallel_loop3A_881] {strides = array<i32>} : memref<4x128x64xf32, #tpu.memory_space<vmem>>, vector<1x1x16xf32>,
      %parallel_loop3A_883 = vector.shape_cast %parallel_loop3A_882 : vector<1x1x16xf32> to vector<16xf32>
      %parallel_loop3A_884 = vector.shape_cast %parallel_loop3A_877 : vector<16xf32> to vector<1x1x16xf32>
      tpu.vector_store %arg5[%parallel_loop3A_879, %parallel_loop3A_880, %parallel_loop3A_881], %parallel_loop3A_884 {strides = array<i32>} : memref<4x128x64xf32, #tpu.memory_space<vmem>>, vector<1x1x16xf32>,
      %parallel_loop3A_885 = arith.constant 3 : i32
      %parallel_loop3A_886 = arith.index_cast %parallel_loop3A_885 : i32 to index
      %parallel_loop3A_887 = arith.index_cast %parallel_loop3A_824 : i32 to index
      %parallel_loop3A_888 = arith.constant 48 : index
      %parallel_loop3A_889 = tpu.vector_load %arg5[%parallel_loop3A_886, %parallel_loop3A_887, %parallel_loop3A_888] {strides = array<i32>} : memref<4x128x64xf32, #tpu.memory_space<vmem>>, vector<1x1x16xf32>,
      %parallel_loop3A_890 = vector.shape_cast %parallel_loop3A_889 : vector<1x1x16xf32> to vector<16xf32>
      %parallel_loop3A_891 = arith.constant 3 : i32
      %parallel_loop3A_892 = arith.index_cast %parallel_loop3A_891 : i32 to index
      %parallel_loop3A_893 = arith.index_cast %parallel_loop3A_824 : i32 to index
      %parallel_loop3A_894 = arith.constant 48 : index
      %parallel_loop3A_895 = tpu.vector_load %arg6[%parallel_loop3A_892, %parallel_loop3A_893, %parallel_loop3A_894] {strides = array<i32>} : memref<4x128x64xf32, #tpu.memory_space<vmem>>, vector<1x1x16xf32>,
      %parallel_loop3A_896 = vector.shape_cast %parallel_loop3A_895 : vector<1x1x16xf32> to vector<16xf32>
      %parallel_loop3A_897 = arith.addf %parallel_loop3A_890, %parallel_loop3A_896 : vector<16xf32>
      %parallel_loop3A_898 = arith.constant 3 : i32
      %parallel_loop3A_899 = arith.index_cast %parallel_loop3A_898 : i32 to index
      %parallel_loop3A_900 = arith.index_cast %parallel_loop3A_824 : i32 to index
      %parallel_loop3A_901 = arith.constant 48 : index
      %parallel_loop3A_902 = tpu.vector_load %arg5[%parallel_loop3A_899, %parallel_loop3A_900, %parallel_loop3A_901] {strides = array<i32>} : memref<4x128x64xf32, #tpu.memory_space<vmem>>, vector<1x1x16xf32>,
      %parallel_loop3A_903 = vector.shape_cast %parallel_loop3A_902 : vector<1x1x16xf32> to vector<16xf32>
      %parallel_loop3A_904 = vector.shape_cast %parallel_loop3A_897 : vector<16xf32> to vector<1x1x16xf32>
      tpu.vector_store %arg5[%parallel_loop3A_899, %parallel_loop3A_900, %parallel_loop3A_901], %parallel_loop3A_904 {strides = array<i32>} : memref<4x128x64xf32, #tpu.memory_space<vmem>>, vector<1x1x16xf32>,
    } {sc.loop_unroll_factor = 8 : i64, sc.parallel_access}
    %add3A_480 = arith.constant 384 : i32
    %add3A_481 = arith.addi %mul3A_2, %add3A_480 : i32
    %dma_start3A_482 = arith.constant 3 : i32
    %dma_start3A_483 = arith.constant 3 : i32
    %dma_start3A_484 = arith.constant 0 : i32
    %dma_start3A_485 = arith.constant 0 : i32
    %dma_start3A_486 = tpu.memref_slice %arg5[%dma_start3A_482, %dma_start3A_484, %dma_start3A_485] : memref<4x128x64xf32, #tpu.memory_space<vmem>> -> memref<1x128x64xf32, #tpu.memory_space<vmem>>
    %dma_start3A_487 = tpu.memref_squeeze %dma_start3A_486 : memref<1x128x64xf32, #tpu.memory_space<vmem>> -> memref<128x64xf32, #tpu.memory_space<vmem>>
    %dma_start3A_488 = arith.constant 0 : i32
    %dma_start3A_489 = tpu.memref_slice %arg4[%add3A_481, %dma_start3A_488] : memref<32768x64xf32, #tpu.memory_space<hbm>> -> memref<128x64xf32, #tpu.memory_space<hbm>>
    %dma_start3A_490 = tpu.memref_slice %arg9[%dma_start3A_483] : memref<4x!tpu.dma_semaphore, #tpu.memory_space<semaphore_mem>> -> memref<1x!tpu.dma_semaphore, #tpu.memory_space<semaphore_mem>>
    %dma_start3A_491 = tpu.memref_squeeze %dma_start3A_490 : memref<1x!tpu.dma_semaphore, #tpu.memory_space<semaphore_mem>> -> memref<!tpu.dma_semaphore, #tpu.memory_space<semaphore_mem>>
    %dma_start3A_492 = arith.constant 0 : i32
    %dma_start3A_493 = tpu.memref_slice %arg4[%add3A_481, %dma_start3A_492] : memref<32768x64xf32, #tpu.memory_space<hbm>> -> memref<128x64xf32, #tpu.memory_space<hbm>>
    %dma_start3A_494 = arith.constant 0 : i32
    %dma_start3A_495 = arith.constant 0 : i32
    %dma_start3A_496 = tpu.memref_slice %arg5[%dma_start3A_482, %dma_start3A_494, %dma_start3A_495] : memref<4x128x64xf32, #tpu.memory_space<vmem>> -> memref<1x128x64xf32, #tpu.memory_space<vmem>>
    %dma_start3A_497 = tpu.memref_squeeze %dma_start3A_496 : memref<1x128x64xf32, #tpu.memory_space<vmem>> -> memref<128x64xf32, #tpu.memory_space<vmem>>
    tpu.enqueue_dma source(%dma_start3A_497 : memref<128x64xf32, #tpu.memory_space<vmem>>) target(%dma_start3A_493 : memref<128x64xf32, #tpu.memory_space<hbm>>) target_semaphore(%dma_start3A_491 : memref<!tpu.dma_semaphore, #tpu.memory_space<semaphore_mem>>)
    %dma_wait3A_498 = arith.constant 3 : i32
    %dma_wait3A_499 = arith.constant 3 : i32
    %dma_wait3A_500 = arith.constant 0 : i32
    %dma_wait3A_501 = arith.constant 0 : i32
    %dma_wait3A_502 = tpu.memref_slice %arg5[%dma_wait3A_498, %dma_wait3A_500, %dma_wait3A_501] : memref<4x128x64xf32, #tpu.memory_space<vmem>> -> memref<1x128x64xf32, #tpu.memory_space<vmem>>
    %dma_wait3A_503 = tpu.memref_squeeze %dma_wait3A_502 : memref<1x128x64xf32, #tpu.memory_space<vmem>> -> memref<128x64xf32, #tpu.memory_space<vmem>>
    %dma_wait3A_504 = arith.constant 0 : i32
    %dma_wait3A_505 = tpu.memref_slice %arg4[%add3A_481, %dma_wait3A_504] : memref<32768x64xf32, #tpu.memory_space<hbm>> -> memref<128x64xf32, #tpu.memory_space<hbm>>
    %dma_wait3A_506 = tpu.memref_slice %arg9[%dma_wait3A_499] : memref<4x!tpu.dma_semaphore, #tpu.memory_space<semaphore_mem>> -> memref<1x!tpu.dma_semaphore, #tpu.memory_space<semaphore_mem>>
    %dma_wait3A_507 = tpu.memref_squeeze %dma_wait3A_506 : memref<1x!tpu.dma_semaphore, #tpu.memory_space<semaphore_mem>> -> memref<!tpu.dma_semaphore, #tpu.memory_space<semaphore_mem>>
    %dma_wait3A_508 = arith.constant 0 : i32
    %dma_wait3A_509 = tpu.memref_slice %arg4[%add3A_481, %dma_wait3A_508] : memref<32768x64xf32, #tpu.memory_space<hbm>> -> memref<128x64xf32, #tpu.memory_space<hbm>>
    %dma_wait3A_510 = arith.constant 0 : i32
    %dma_wait3A_511 = arith.constant 0 : i32
    %dma_wait3A_512 = tpu.memref_slice %arg5[%dma_wait3A_498, %dma_wait3A_510, %dma_wait3A_511] : memref<4x128x64xf32, #tpu.memory_space<vmem>> -> memref<1x128x64xf32, #tpu.memory_space<vmem>>
    %dma_wait3A_513 = tpu.memref_squeeze %dma_wait3A_512 : memref<1x128x64xf32, #tpu.memory_space<vmem>> -> memref<128x64xf32, #tpu.memory_space<vmem>>
    tpu.wait_dma2 semaphore(%dma_wait3A_507 : memref<!tpu.dma_semaphore, #tpu.memory_space<semaphore_mem>>) src(%dma_wait3A_513 : memref<128x64xf32, #tpu.memory_space<vmem>>) dst(%dma_wait3A_509 : memref<128x64xf32, #tpu.memory_space<hbm>>)
    %add3A_514 = arith.constant 896 : i32
    %add3A_515 = arith.addi %mul3A_2, %add3A_514 : i32
    %dma_start3A_516 = arith.constant 3 : i32
    %dma_start3A_517 = arith.constant 3 : i32
    %dma_start3A_518 = arith.constant 0 : i32
    %dma_start3A_519 = arith.constant 0 : i32
    %dma_start3A_520 = tpu.memref_slice %arg5[%dma_start3A_516, %dma_start3A_518, %dma_start3A_519] : memref<4x128x64xf32, #tpu.memory_space<vmem>> -> memref<1x128x64xf32, #tpu.memory_space<vmem>>
    %dma_start3A_521 = tpu.memref_squeeze %dma_start3A_520 : memref<1x128x64xf32, #tpu.memory_space<vmem>> -> memref<128x64xf32, #tpu.memory_space<vmem>>
    %dma_start3A_522 = arith.constant 0 : i32
    %dma_start3A_523 = tpu.memref_slice %arg2[%add3A_515, %dma_start3A_522] : memref<32768x64xf32, #tpu.memory_space<hbm>> -> memref<128x64xf32, #tpu.memory_space<hbm>>
    %dma_start3A_524 = tpu.memref_slice %arg7[%dma_start3A_517] : memref<4x!tpu.dma_semaphore, #tpu.memory_space<semaphore_mem>> -> memref<1x!tpu.dma_semaphore, #tpu.memory_space<semaphore_mem>>
    %dma_start3A_525 = tpu.memref_squeeze %dma_start3A_524 : memref<1x!tpu.dma_semaphore, #tpu.memory_space<semaphore_mem>> -> memref<!tpu.dma_semaphore, #tpu.memory_space<semaphore_mem>>
    %dma_start3A_526 = arith.constant 0 : i32
    %dma_start3A_527 = arith.constant 0 : i32
    %dma_start3A_528 = tpu.memref_slice %arg5[%dma_start3A_516, %dma_start3A_526, %dma_start3A_527] : memref<4x128x64xf32, #tpu.memory_space<vmem>> -> memref<1x128x64xf32, #tpu.memory_space<vmem>>
    %dma_start3A_529 = tpu.memref_squeeze %dma_start3A_528 : memref<1x128x64xf32, #tpu.memory_space<vmem>> -> memref<128x64xf32, #tpu.memory_space<vmem>>
    %dma_start3A_530 = arith.constant 0 : i32
    %dma_start3A_531 = tpu.memref_slice %arg2[%add3A_515, %dma_start3A_530] : memref<32768x64xf32, #tpu.memory_space<hbm>> -> memref<128x64xf32, #tpu.memory_space<hbm>>
    tpu.enqueue_dma source(%dma_start3A_531 : memref<128x64xf32, #tpu.memory_space<hbm>>) target(%dma_start3A_529 : memref<128x64xf32, #tpu.memory_space<vmem>>) target_semaphore(%dma_start3A_525 : memref<!tpu.dma_semaphore, #tpu.memory_space<semaphore_mem>>)
    %dma_start3A_532 = arith.constant 3 : i32
    %dma_start3A_533 = arith.constant 3 : i32
    %dma_start3A_534 = arith.constant 0 : i32
    %dma_start3A_535 = arith.constant 0 : i32
    %dma_start3A_536 = tpu.memref_slice %arg6[%dma_start3A_532, %dma_start3A_534, %dma_start3A_535] : memref<4x128x64xf32, #tpu.memory_space<vmem>> -> memref<1x128x64xf32, #tpu.memory_space<vmem>>
    %dma_start3A_537 = tpu.memref_squeeze %dma_start3A_536 : memref<1x128x64xf32, #tpu.memory_space<vmem>> -> memref<128x64xf32, #tpu.memory_space<vmem>>
    %dma_start3A_538 = arith.constant 0 : i32
    %dma_start3A_539 = tpu.memref_slice %arg3[%add3A_515, %dma_start3A_538] : memref<32768x64xf32, #tpu.memory_space<hbm>> -> memref<128x64xf32, #tpu.memory_space<hbm>>
    %dma_start3A_540 = tpu.memref_slice %arg8[%dma_start3A_533] : memref<4x!tpu.dma_semaphore, #tpu.memory_space<semaphore_mem>> -> memref<1x!tpu.dma_semaphore, #tpu.memory_space<semaphore_mem>>
    %dma_start3A_541 = tpu.memref_squeeze %dma_start3A_540 : memref<1x!tpu.dma_semaphore, #tpu.memory_space<semaphore_mem>> -> memref<!tpu.dma_semaphore, #tpu.memory_space<semaphore_mem>>
    %dma_start3A_542 = arith.constant 0 : i32
    %dma_start3A_543 = arith.constant 0 : i32
    %dma_start3A_544 = tpu.memref_slice %arg6[%dma_start3A_532, %dma_start3A_542, %dma_start3A_543] : memref<4x128x64xf32, #tpu.memory_space<vmem>> -> memref<1x128x64xf32, #tpu.memory_space<vmem>>
    %dma_start3A_545 = tpu.memref_squeeze %dma_start3A_544 : memref<1x128x64xf32, #tpu.memory_space<vmem>> -> memref<128x64xf32, #tpu.memory_space<vmem>>
    %dma_start3A_546 = arith.constant 0 : i32
    %dma_start3A_547 = tpu.memref_slice %arg3[%add3A_515, %dma_start3A_546] : memref<32768x64xf32, #tpu.memory_space<hbm>> -> memref<128x64xf32, #tpu.memory_space<hbm>>
    tpu.enqueue_dma source(%dma_start3A_547 : memref<128x64xf32, #tpu.memory_space<hbm>>) target(%dma_start3A_545 : memref<128x64xf32, #tpu.memory_space<vmem>>) target_semaphore(%dma_start3A_541 : memref<!tpu.dma_semaphore, #tpu.memory_space<semaphore_mem>>)
    %dma_wait3A_548 = arith.constant 0 : i32
    %dma_wait3A_549 = arith.constant 0 : i32
    %dma_wait3A_550 = arith.constant 0 : i32
    %dma_wait3A_551 = arith.constant 0 : i32
    %dma_wait3A_552 = tpu.memref_slice %arg5[%dma_wait3A_548, %dma_wait3A_550, %dma_wait3A_551] : memref<4x128x64xf32, #tpu.memory_space<vmem>> -> memref<1x128x64xf32, #tpu.memory_space<vmem>>
    %dma_wait3A_553 = tpu.memref_squeeze %dma_wait3A_552 : memref<1x128x64xf32, #tpu.memory_space<vmem>> -> memref<128x64xf32, #tpu.memory_space<vmem>>
    %dma_wait3A_554 = arith.constant 0 : i32
    %dma_wait3A_555 = tpu.memref_slice %arg2[%add3A_206, %dma_wait3A_554] : memref<32768x64xf32, #tpu.memory_space<hbm>> -> memref<128x64xf32, #tpu.memory_space<hbm>>
    %dma_wait3A_556 = tpu.memref_slice %arg7[%dma_wait3A_549] : memref<4x!tpu.dma_semaphore, #tpu.memory_space<semaphore_mem>> -> memref<1x!tpu.dma_semaphore, #tpu.memory_space<semaphore_mem>>
    %dma_wait3A_557 = tpu.memref_squeeze %dma_wait3A_556 : memref<1x!tpu.dma_semaphore, #tpu.memory_space<semaphore_mem>> -> memref<!tpu.dma_semaphore, #tpu.memory_space<semaphore_mem>>
    %dma_wait3A_558 = arith.constant 0 : i32
    %dma_wait3A_559 = arith.constant 0 : i32
    %dma_wait3A_560 = tpu.memref_slice %arg5[%dma_wait3A_548, %dma_wait3A_558, %dma_wait3A_559] : memref<4x128x64xf32, #tpu.memory_space<vmem>> -> memref<1x128x64xf32, #tpu.memory_space<vmem>>
    %dma_wait3A_561 = tpu.memref_squeeze %dma_wait3A_560 : memref<1x128x64xf32, #tpu.memory_space<vmem>> -> memref<128x64xf32, #tpu.memory_space<vmem>>
    %dma_wait3A_562 = arith.constant 0 : i32
    %dma_wait3A_563 = tpu.memref_slice %arg2[%add3A_206, %dma_wait3A_562] : memref<32768x64xf32, #tpu.memory_space<hbm>> -> memref<128x64xf32, #tpu.memory_space<hbm>>
    tpu.wait_dma2 semaphore(%dma_wait3A_557 : memref<!tpu.dma_semaphore, #tpu.memory_space<semaphore_mem>>) src(%dma_wait3A_563 : memref<128x64xf32, #tpu.memory_space<hbm>>) dst(%dma_wait3A_561 : memref<128x64xf32, #tpu.memory_space<vmem>>)
    %dma_wait3A_564 = arith.constant 0 : i32
    %dma_wait3A_565 = arith.constant 0 : i32
    %dma_wait3A_566 = arith.constant 0 : i32
    %dma_wait3A_567 = arith.constant 0 : i32
    %dma_wait3A_568 = tpu.memref_slice %arg6[%dma_wait3A_564, %dma_wait3A_566, %dma_wait3A_567] : memref<4x128x64xf32, #tpu.memory_space<vmem>> -> memref<1x128x64xf32, #tpu.memory_space<vmem>>
    %dma_wait3A_569 = tpu.memref_squeeze %dma_wait3A_568 : memref<1x128x64xf32, #tpu.memory_space<vmem>> -> memref<128x64xf32, #tpu.memory_space<vmem>>
    %dma_wait3A_570 = arith.constant 0 : i32
    %dma_wait3A_571 = tpu.memref_slice %arg3[%add3A_206, %dma_wait3A_570] : memref<32768x64xf32, #tpu.memory_space<hbm>> -> memref<128x64xf32, #tpu.memory_space<hbm>>
    %dma_wait3A_572 = tpu.memref_slice %arg8[%dma_wait3A_565] : memref<4x!tpu.dma_semaphore, #tpu.memory_space<semaphore_mem>> -> memref<1x!tpu.dma_semaphore, #tpu.memory_space<semaphore_mem>>
    %dma_wait3A_573 = tpu.memref_squeeze %dma_wait3A_572 : memref<1x!tpu.dma_semaphore, #tpu.memory_space<semaphore_mem>> -> memref<!tpu.dma_semaphore, #tpu.memory_space<semaphore_mem>>
    %dma_wait3A_574 = arith.constant 0 : i32
    %dma_wait3A_575 = arith.constant 0 : i32
    %dma_wait3A_576 = tpu.memref_slice %arg6[%dma_wait3A_564, %dma_wait3A_574, %dma_wait3A_575] : memref<4x128x64xf32, #tpu.memory_space<vmem>> -> memref<1x128x64xf32, #tpu.memory_space<vmem>>
    %dma_wait3A_577 = tpu.memref_squeeze %dma_wait3A_576 : memref<1x128x64xf32, #tpu.memory_space<vmem>> -> memref<128x64xf32, #tpu.memory_space<vmem>>
    %dma_wait3A_578 = arith.constant 0 : i32
    %dma_wait3A_579 = tpu.memref_slice %arg3[%add3A_206, %dma_wait3A_578] : memref<32768x64xf32, #tpu.memory_space<hbm>> -> memref<128x64xf32, #tpu.memory_space<hbm>>
    tpu.wait_dma2 semaphore(%dma_wait3A_573 : memref<!tpu.dma_semaphore, #tpu.memory_space<semaphore_mem>>) src(%dma_wait3A_579 : memref<128x64xf32, #tpu.memory_space<hbm>>) dst(%dma_wait3A_577 : memref<128x64xf32, #tpu.memory_space<vmem>>)
    %parallel_loop3A_580 = arith.constant 0 : i32
    %parallel_loop3A_581 = arith.constant 128 : i32
    %parallel_loop3A_582 = arith.constant 1 : i32
    scf.for %parallel_loop3A_824 = %parallel_loop3A_580 to %parallel_loop3A_581 step %parallel_loop3A_582  : i32 {
      %parallel_loop3A_825 = arith.constant 0 : i32
      %parallel_loop3A_826 = arith.index_cast %parallel_loop3A_825 : i32 to index
      %parallel_loop3A_827 = arith.index_cast %parallel_loop3A_824 : i32 to index
      %parallel_loop3A_828 = arith.constant 0 : index
      %parallel_loop3A_829 = tpu.vector_load %arg5[%parallel_loop3A_826, %parallel_loop3A_827, %parallel_loop3A_828] {strides = array<i32>} : memref<4x128x64xf32, #tpu.memory_space<vmem>>, vector<1x1x16xf32>,
      %parallel_loop3A_830 = vector.shape_cast %parallel_loop3A_829 : vector<1x1x16xf32> to vector<16xf32>
      %parallel_loop3A_831 = arith.constant 0 : i32
      %parallel_loop3A_832 = arith.index_cast %parallel_loop3A_831 : i32 to index
      %parallel_loop3A_833 = arith.index_cast %parallel_loop3A_824 : i32 to index
      %parallel_loop3A_834 = arith.constant 0 : index
      %parallel_loop3A_835 = tpu.vector_load %arg6[%parallel_loop3A_832, %parallel_loop3A_833, %parallel_loop3A_834] {strides = array<i32>} : memref<4x128x64xf32, #tpu.memory_space<vmem>>, vector<1x1x16xf32>,
      %parallel_loop3A_836 = vector.shape_cast %parallel_loop3A_835 : vector<1x1x16xf32> to vector<16xf32>
      %parallel_loop3A_837 = arith.addf %parallel_loop3A_830, %parallel_loop3A_836 : vector<16xf32>
      %parallel_loop3A_838 = arith.constant 0 : i32
      %parallel_loop3A_839 = arith.index_cast %parallel_loop3A_838 : i32 to index
      %parallel_loop3A_840 = arith.index_cast %parallel_loop3A_824 : i32 to index
      %parallel_loop3A_841 = arith.constant 0 : index
      %parallel_loop3A_842 = tpu.vector_load %arg5[%parallel_loop3A_839, %parallel_loop3A_840, %parallel_loop3A_841] {strides = array<i32>} : memref<4x128x64xf32, #tpu.memory_space<vmem>>, vector<1x1x16xf32>,
      %parallel_loop3A_843 = vector.shape_cast %parallel_loop3A_842 : vector<1x1x16xf32> to vector<16xf32>
      %parallel_loop3A_844 = vector.shape_cast %parallel_loop3A_837 : vector<16xf32> to vector<1x1x16xf32>
      tpu.vector_store %arg5[%parallel_loop3A_839, %parallel_loop3A_840, %parallel_loop3A_841], %parallel_loop3A_844 {strides = array<i32>} : memref<4x128x64xf32, #tpu.memory_space<vmem>>, vector<1x1x16xf32>,
      %parallel_loop3A_845 = arith.constant 0 : i32
      %parallel_loop3A_846 = arith.index_cast %parallel_loop3A_845 : i32 to index
      %parallel_loop3A_847 = arith.index_cast %parallel_loop3A_824 : i32 to index
      %parallel_loop3A_848 = arith.constant 16 : index
      %parallel_loop3A_849 = tpu.vector_load %arg5[%parallel_loop3A_846, %parallel_loop3A_847, %parallel_loop3A_848] {strides = array<i32>} : memref<4x128x64xf32, #tpu.memory_space<vmem>>, vector<1x1x16xf32>,
      %parallel_loop3A_850 = vector.shape_cast %parallel_loop3A_849 : vector<1x1x16xf32> to vector<16xf32>
      %parallel_loop3A_851 = arith.constant 0 : i32
      %parallel_loop3A_852 = arith.index_cast %parallel_loop3A_851 : i32 to index
      %parallel_loop3A_853 = arith.index_cast %parallel_loop3A_824 : i32 to index
      %parallel_loop3A_854 = arith.constant 16 : index
      %parallel_loop3A_855 = tpu.vector_load %arg6[%parallel_loop3A_852, %parallel_loop3A_853, %parallel_loop3A_854] {strides = array<i32>} : memref<4x128x64xf32, #tpu.memory_space<vmem>>, vector<1x1x16xf32>,
      %parallel_loop3A_856 = vector.shape_cast %parallel_loop3A_855 : vector<1x1x16xf32> to vector<16xf32>
      %parallel_loop3A_857 = arith.addf %parallel_loop3A_850, %parallel_loop3A_856 : vector<16xf32>
      %parallel_loop3A_858 = arith.constant 0 : i32
      %parallel_loop3A_859 = arith.index_cast %parallel_loop3A_858 : i32 to index
      %parallel_loop3A_860 = arith.index_cast %parallel_loop3A_824 : i32 to index
      %parallel_loop3A_861 = arith.constant 16 : index
      %parallel_loop3A_862 = tpu.vector_load %arg5[%parallel_loop3A_859, %parallel_loop3A_860, %parallel_loop3A_861] {strides = array<i32>} : memref<4x128x64xf32, #tpu.memory_space<vmem>>, vector<1x1x16xf32>,
      %parallel_loop3A_863 = vector.shape_cast %parallel_loop3A_862 : vector<1x1x16xf32> to vector<16xf32>
      %parallel_loop3A_864 = vector.shape_cast %parallel_loop3A_857 : vector<16xf32> to vector<1x1x16xf32>
      tpu.vector_store %arg5[%parallel_loop3A_859, %parallel_loop3A_860, %parallel_loop3A_861], %parallel_loop3A_864 {strides = array<i32>} : memref<4x128x64xf32, #tpu.memory_space<vmem>>, vector<1x1x16xf32>,
      %parallel_loop3A_865 = arith.constant 0 : i32
      %parallel_loop3A_866 = arith.index_cast %parallel_loop3A_865 : i32 to index
      %parallel_loop3A_867 = arith.index_cast %parallel_loop3A_824 : i32 to index
      %parallel_loop3A_868 = arith.constant 32 : index
      %parallel_loop3A_869 = tpu.vector_load %arg5[%parallel_loop3A_866, %parallel_loop3A_867, %parallel_loop3A_868] {strides = array<i32>} : memref<4x128x64xf32, #tpu.memory_space<vmem>>, vector<1x1x16xf32>,
      %parallel_loop3A_870 = vector.shape_cast %parallel_loop3A_869 : vector<1x1x16xf32> to vector<16xf32>
      %parallel_loop3A_871 = arith.constant 0 : i32
      %parallel_loop3A_872 = arith.index_cast %parallel_loop3A_871 : i32 to index
      %parallel_loop3A_873 = arith.index_cast %parallel_loop3A_824 : i32 to index
      %parallel_loop3A_874 = arith.constant 32 : index
      %parallel_loop3A_875 = tpu.vector_load %arg6[%parallel_loop3A_872, %parallel_loop3A_873, %parallel_loop3A_874] {strides = array<i32>} : memref<4x128x64xf32, #tpu.memory_space<vmem>>, vector<1x1x16xf32>,
      %parallel_loop3A_876 = vector.shape_cast %parallel_loop3A_875 : vector<1x1x16xf32> to vector<16xf32>
      %parallel_loop3A_877 = arith.addf %parallel_loop3A_870, %parallel_loop3A_876 : vector<16xf32>
      %parallel_loop3A_878 = arith.constant 0 : i32
      %parallel_loop3A_879 = arith.index_cast %parallel_loop3A_878 : i32 to index
      %parallel_loop3A_880 = arith.index_cast %parallel_loop3A_824 : i32 to index
      %parallel_loop3A_881 = arith.constant 32 : index
      %parallel_loop3A_882 = tpu.vector_load %arg5[%parallel_loop3A_879, %parallel_loop3A_880, %parallel_loop3A_881] {strides = array<i32>} : memref<4x128x64xf32, #tpu.memory_space<vmem>>, vector<1x1x16xf32>,
      %parallel_loop3A_883 = vector.shape_cast %parallel_loop3A_882 : vector<1x1x16xf32> to vector<16xf32>
      %parallel_loop3A_884 = vector.shape_cast %parallel_loop3A_877 : vector<16xf32> to vector<1x1x16xf32>
      tpu.vector_store %arg5[%parallel_loop3A_879, %parallel_loop3A_880, %parallel_loop3A_881], %parallel_loop3A_884 {strides = array<i32>} : memref<4x128x64xf32, #tpu.memory_space<vmem>>, vector<1x1x16xf32>,
      %parallel_loop3A_885 = arith.constant 0 : i32
      %parallel_loop3A_886 = arith.index_cast %parallel_loop3A_885 : i32 to index
      %parallel_loop3A_887 = arith.index_cast %parallel_loop3A_824 : i32 to index
      %parallel_loop3A_888 = arith.constant 48 : index
      %parallel_loop3A_889 = tpu.vector_load %arg5[%parallel_loop3A_886, %parallel_loop3A_887, %parallel_loop3A_888] {strides = array<i32>} : memref<4x128x64xf32, #tpu.memory_space<vmem>>, vector<1x1x16xf32>,
      %parallel_loop3A_890 = vector.shape_cast %parallel_loop3A_889 : vector<1x1x16xf32> to vector<16xf32>
      %parallel_loop3A_891 = arith.constant 0 : i32
      %parallel_loop3A_892 = arith.index_cast %parallel_loop3A_891 : i32 to index
      %parallel_loop3A_893 = arith.index_cast %parallel_loop3A_824 : i32 to index
      %parallel_loop3A_894 = arith.constant 48 : index
      %parallel_loop3A_895 = tpu.vector_load %arg6[%parallel_loop3A_892, %parallel_loop3A_893, %parallel_loop3A_894] {strides = array<i32>} : memref<4x128x64xf32, #tpu.memory_space<vmem>>, vector<1x1x16xf32>,
      %parallel_loop3A_896 = vector.shape_cast %parallel_loop3A_895 : vector<1x1x16xf32> to vector<16xf32>
      %parallel_loop3A_897 = arith.addf %parallel_loop3A_890, %parallel_loop3A_896 : vector<16xf32>
      %parallel_loop3A_898 = arith.constant 0 : i32
      %parallel_loop3A_899 = arith.index_cast %parallel_loop3A_898 : i32 to index
      %parallel_loop3A_900 = arith.index_cast %parallel_loop3A_824 : i32 to index
      %parallel_loop3A_901 = arith.constant 48 : index
      %parallel_loop3A_902 = tpu.vector_load %arg5[%parallel_loop3A_899, %parallel_loop3A_900, %parallel_loop3A_901] {strides = array<i32>} : memref<4x128x64xf32, #tpu.memory_space<vmem>>, vector<1x1x16xf32>,
      %parallel_loop3A_903 = vector.shape_cast %parallel_loop3A_902 : vector<1x1x16xf32> to vector<16xf32>
      %parallel_loop3A_904 = vector.shape_cast %parallel_loop3A_897 : vector<16xf32> to vector<1x1x16xf32>
      tpu.vector_store %arg5[%parallel_loop3A_899, %parallel_loop3A_900, %parallel_loop3A_901], %parallel_loop3A_904 {strides = array<i32>} : memref<4x128x64xf32, #tpu.memory_space<vmem>>, vector<1x1x16xf32>,
    } {sc.loop_unroll_factor = 8 : i64, sc.parallel_access}
    %add3A_583 = arith.constant 512 : i32
    %add3A_584 = arith.addi %mul3A_2, %add3A_583 : i32
    %dma_start3A_585 = arith.constant 0 : i32
    %dma_start3A_586 = arith.constant 0 : i32
    %dma_start3A_587 = arith.constant 0 : i32
    %dma_start3A_588 = arith.constant 0 : i32
    %dma_start3A_589 = tpu.memref_slice %arg5[%dma_start3A_585, %dma_start3A_587, %dma_start3A_588] : memref<4x128x64xf32, #tpu.memory_space<vmem>> -> memref<1x128x64xf32, #tpu.memory_space<vmem>>
    %dma_start3A_590 = tpu.memref_squeeze %dma_start3A_589 : memref<1x128x64xf32, #tpu.memory_space<vmem>> -> memref<128x64xf32, #tpu.memory_space<vmem>>
    %dma_start3A_591 = arith.constant 0 : i32
    %dma_start3A_592 = tpu.memref_slice %arg4[%add3A_584, %dma_start3A_591] : memref<32768x64xf32, #tpu.memory_space<hbm>> -> memref<128x64xf32, #tpu.memory_space<hbm>>
    %dma_start3A_593 = tpu.memref_slice %arg9[%dma_start3A_586] : memref<4x!tpu.dma_semaphore, #tpu.memory_space<semaphore_mem>> -> memref<1x!tpu.dma_semaphore, #tpu.memory_space<semaphore_mem>>
    %dma_start3A_594 = tpu.memref_squeeze %dma_start3A_593 : memref<1x!tpu.dma_semaphore, #tpu.memory_space<semaphore_mem>> -> memref<!tpu.dma_semaphore, #tpu.memory_space<semaphore_mem>>
    %dma_start3A_595 = arith.constant 0 : i32
    %dma_start3A_596 = tpu.memref_slice %arg4[%add3A_584, %dma_start3A_595] : memref<32768x64xf32, #tpu.memory_space<hbm>> -> memref<128x64xf32, #tpu.memory_space<hbm>>
    %dma_start3A_597 = arith.constant 0 : i32
    %dma_start3A_598 = arith.constant 0 : i32
    %dma_start3A_599 = tpu.memref_slice %arg5[%dma_start3A_585, %dma_start3A_597, %dma_start3A_598] : memref<4x128x64xf32, #tpu.memory_space<vmem>> -> memref<1x128x64xf32, #tpu.memory_space<vmem>>
    %dma_start3A_600 = tpu.memref_squeeze %dma_start3A_599 : memref<1x128x64xf32, #tpu.memory_space<vmem>> -> memref<128x64xf32, #tpu.memory_space<vmem>>
    tpu.enqueue_dma source(%dma_start3A_600 : memref<128x64xf32, #tpu.memory_space<vmem>>) target(%dma_start3A_596 : memref<128x64xf32, #tpu.memory_space<hbm>>) target_semaphore(%dma_start3A_594 : memref<!tpu.dma_semaphore, #tpu.memory_space<semaphore_mem>>)
    %dma_wait3A_601 = arith.constant 1 : i32
    %dma_wait3A_602 = arith.constant 1 : i32
    %dma_wait3A_603 = arith.constant 0 : i32
    %dma_wait3A_604 = arith.constant 0 : i32
    %dma_wait3A_605 = tpu.memref_slice %arg5[%dma_wait3A_601, %dma_wait3A_603, %dma_wait3A_604] : memref<4x128x64xf32, #tpu.memory_space<vmem>> -> memref<1x128x64xf32, #tpu.memory_space<vmem>>
    %dma_wait3A_606 = tpu.memref_squeeze %dma_wait3A_605 : memref<1x128x64xf32, #tpu.memory_space<vmem>> -> memref<128x64xf32, #tpu.memory_space<vmem>>
    %dma_wait3A_607 = arith.constant 0 : i32
    %dma_wait3A_608 = tpu.memref_slice %arg2[%add3A_309, %dma_wait3A_607] : memref<32768x64xf32, #tpu.memory_space<hbm>> -> memref<128x64xf32, #tpu.memory_space<hbm>>
    %dma_wait3A_609 = tpu.memref_slice %arg7[%dma_wait3A_602] : memref<4x!tpu.dma_semaphore, #tpu.memory_space<semaphore_mem>> -> memref<1x!tpu.dma_semaphore, #tpu.memory_space<semaphore_mem>>
    %dma_wait3A_610 = tpu.memref_squeeze %dma_wait3A_609 : memref<1x!tpu.dma_semaphore, #tpu.memory_space<semaphore_mem>> -> memref<!tpu.dma_semaphore, #tpu.memory_space<semaphore_mem>>
    %dma_wait3A_611 = arith.constant 0 : i32
    %dma_wait3A_612 = arith.constant 0 : i32
    %dma_wait3A_613 = tpu.memref_slice %arg5[%dma_wait3A_601, %dma_wait3A_611, %dma_wait3A_612] : memref<4x128x64xf32, #tpu.memory_space<vmem>> -> memref<1x128x64xf32, #tpu.memory_space<vmem>>
    %dma_wait3A_614 = tpu.memref_squeeze %dma_wait3A_613 : memref<1x128x64xf32, #tpu.memory_space<vmem>> -> memref<128x64xf32, #tpu.memory_space<vmem>>
    %dma_wait3A_615 = arith.constant 0 : i32
    %dma_wait3A_616 = tpu.memref_slice %arg2[%add3A_309, %dma_wait3A_615] : memref<32768x64xf32, #tpu.memory_space<hbm>> -> memref<128x64xf32, #tpu.memory_space<hbm>>
    tpu.wait_dma2 semaphore(%dma_wait3A_610 : memref<!tpu.dma_semaphore, #tpu.memory_space<semaphore_mem>>) src(%dma_wait3A_616 : memref<128x64xf32, #tpu.memory_space<hbm>>) dst(%dma_wait3A_614 : memref<128x64xf32, #tpu.memory_space<vmem>>)
    %dma_wait3A_617 = arith.constant 1 : i32
    %dma_wait3A_618 = arith.constant 1 : i32
    %dma_wait3A_619 = arith.constant 0 : i32
    %dma_wait3A_620 = arith.constant 0 : i32
    %dma_wait3A_621 = tpu.memref_slice %arg6[%dma_wait3A_617, %dma_wait3A_619, %dma_wait3A_620] : memref<4x128x64xf32, #tpu.memory_space<vmem>> -> memref<1x128x64xf32, #tpu.memory_space<vmem>>
    %dma_wait3A_622 = tpu.memref_squeeze %dma_wait3A_621 : memref<1x128x64xf32, #tpu.memory_space<vmem>> -> memref<128x64xf32, #tpu.memory_space<vmem>>
    %dma_wait3A_623 = arith.constant 0 : i32
    %dma_wait3A_624 = tpu.memref_slice %arg3[%add3A_309, %dma_wait3A_623] : memref<32768x64xf32, #tpu.memory_space<hbm>> -> memref<128x64xf32, #tpu.memory_space<hbm>>
    %dma_wait3A_625 = tpu.memref_slice %arg8[%dma_wait3A_618] : memref<4x!tpu.dma_semaphore, #tpu.memory_space<semaphore_mem>> -> memref<1x!tpu.dma_semaphore, #tpu.memory_space<semaphore_mem>>
    %dma_wait3A_626 = tpu.memref_squeeze %dma_wait3A_625 : memref<1x!tpu.dma_semaphore, #tpu.memory_space<semaphore_mem>> -> memref<!tpu.dma_semaphore, #tpu.memory_space<semaphore_mem>>
    %dma_wait3A_627 = arith.constant 0 : i32
    %dma_wait3A_628 = arith.constant 0 : i32
    %dma_wait3A_629 = tpu.memref_slice %arg6[%dma_wait3A_617, %dma_wait3A_627, %dma_wait3A_628] : memref<4x128x64xf32, #tpu.memory_space<vmem>> -> memref<1x128x64xf32, #tpu.memory_space<vmem>>
    %dma_wait3A_630 = tpu.memref_squeeze %dma_wait3A_629 : memref<1x128x64xf32, #tpu.memory_space<vmem>> -> memref<128x64xf32, #tpu.memory_space<vmem>>
    %dma_wait3A_631 = arith.constant 0 : i32
    %dma_wait3A_632 = tpu.memref_slice %arg3[%add3A_309, %dma_wait3A_631] : memref<32768x64xf32, #tpu.memory_space<hbm>> -> memref<128x64xf32, #tpu.memory_space<hbm>>
    tpu.wait_dma2 semaphore(%dma_wait3A_626 : memref<!tpu.dma_semaphore, #tpu.memory_space<semaphore_mem>>) src(%dma_wait3A_632 : memref<128x64xf32, #tpu.memory_space<hbm>>) dst(%dma_wait3A_630 : memref<128x64xf32, #tpu.memory_space<vmem>>)
    %parallel_loop3A_633 = arith.constant 0 : i32
    %parallel_loop3A_634 = arith.constant 128 : i32
    %parallel_loop3A_635 = arith.constant 1 : i32
    scf.for %parallel_loop3A_824 = %parallel_loop3A_633 to %parallel_loop3A_634 step %parallel_loop3A_635  : i32 {
      %parallel_loop3A_825 = arith.constant 1 : i32
      %parallel_loop3A_826 = arith.index_cast %parallel_loop3A_825 : i32 to index
      %parallel_loop3A_827 = arith.index_cast %parallel_loop3A_824 : i32 to index
      %parallel_loop3A_828 = arith.constant 0 : index
      %parallel_loop3A_829 = tpu.vector_load %arg5[%parallel_loop3A_826, %parallel_loop3A_827, %parallel_loop3A_828] {strides = array<i32>} : memref<4x128x64xf32, #tpu.memory_space<vmem>>, vector<1x1x16xf32>,
      %parallel_loop3A_830 = vector.shape_cast %parallel_loop3A_829 : vector<1x1x16xf32> to vector<16xf32>
      %parallel_loop3A_831 = arith.constant 1 : i32
      %parallel_loop3A_832 = arith.index_cast %parallel_loop3A_831 : i32 to index
      %parallel_loop3A_833 = arith.index_cast %parallel_loop3A_824 : i32 to index
      %parallel_loop3A_834 = arith.constant 0 : index
      %parallel_loop3A_835 = tpu.vector_load %arg6[%parallel_loop3A_832, %parallel_loop3A_833, %parallel_loop3A_834] {strides = array<i32>} : memref<4x128x64xf32, #tpu.memory_space<vmem>>, vector<1x1x16xf32>,
      %parallel_loop3A_836 = vector.shape_cast %parallel_loop3A_835 : vector<1x1x16xf32> to vector<16xf32>
      %parallel_loop3A_837 = arith.addf %parallel_loop3A_830, %parallel_loop3A_836 : vector<16xf32>
      %parallel_loop3A_838 = arith.constant 1 : i32
      %parallel_loop3A_839 = arith.index_cast %parallel_loop3A_838 : i32 to index
      %parallel_loop3A_840 = arith.index_cast %parallel_loop3A_824 : i32 to index
      %parallel_loop3A_841 = arith.constant 0 : index
      %parallel_loop3A_842 = tpu.vector_load %arg5[%parallel_loop3A_839, %parallel_loop3A_840, %parallel_loop3A_841] {strides = array<i32>} : memref<4x128x64xf32, #tpu.memory_space<vmem>>, vector<1x1x16xf32>,
      %parallel_loop3A_843 = vector.shape_cast %parallel_loop3A_842 : vector<1x1x16xf32> to vector<16xf32>
      %parallel_loop3A_844 = vector.shape_cast %parallel_loop3A_837 : vector<16xf32> to vector<1x1x16xf32>
      tpu.vector_store %arg5[%parallel_loop3A_839, %parallel_loop3A_840, %parallel_loop3A_841], %parallel_loop3A_844 {strides = array<i32>} : memref<4x128x64xf32, #tpu.memory_space<vmem>>, vector<1x1x16xf32>,
      %parallel_loop3A_845 = arith.constant 1 : i32
      %parallel_loop3A_846 = arith.index_cast %parallel_loop3A_845 : i32 to index
      %parallel_loop3A_847 = arith.index_cast %parallel_loop3A_824 : i32 to index
      %parallel_loop3A_848 = arith.constant 16 : index
      %parallel_loop3A_849 = tpu.vector_load %arg5[%parallel_loop3A_846, %parallel_loop3A_847, %parallel_loop3A_848] {strides = array<i32>} : memref<4x128x64xf32, #tpu.memory_space<vmem>>, vector<1x1x16xf32>,
      %parallel_loop3A_850 = vector.shape_cast %parallel_loop3A_849 : vector<1x1x16xf32> to vector<16xf32>
      %parallel_loop3A_851 = arith.constant 1 : i32
      %parallel_loop3A_852 = arith.index_cast %parallel_loop3A_851 : i32 to index
      %parallel_loop3A_853 = arith.index_cast %parallel_loop3A_824 : i32 to index
      %parallel_loop3A_854 = arith.constant 16 : index
      %parallel_loop3A_855 = tpu.vector_load %arg6[%parallel_loop3A_852, %parallel_loop3A_853, %parallel_loop3A_854] {strides = array<i32>} : memref<4x128x64xf32, #tpu.memory_space<vmem>>, vector<1x1x16xf32>,
      %parallel_loop3A_856 = vector.shape_cast %parallel_loop3A_855 : vector<1x1x16xf32> to vector<16xf32>
      %parallel_loop3A_857 = arith.addf %parallel_loop3A_850, %parallel_loop3A_856 : vector<16xf32>
      %parallel_loop3A_858 = arith.constant 1 : i32
      %parallel_loop3A_859 = arith.index_cast %parallel_loop3A_858 : i32 to index
      %parallel_loop3A_860 = arith.index_cast %parallel_loop3A_824 : i32 to index
      %parallel_loop3A_861 = arith.constant 16 : index
      %parallel_loop3A_862 = tpu.vector_load %arg5[%parallel_loop3A_859, %parallel_loop3A_860, %parallel_loop3A_861] {strides = array<i32>} : memref<4x128x64xf32, #tpu.memory_space<vmem>>, vector<1x1x16xf32>,
      %parallel_loop3A_863 = vector.shape_cast %parallel_loop3A_862 : vector<1x1x16xf32> to vector<16xf32>
      %parallel_loop3A_864 = vector.shape_cast %parallel_loop3A_857 : vector<16xf32> to vector<1x1x16xf32>
      tpu.vector_store %arg5[%parallel_loop3A_859, %parallel_loop3A_860, %parallel_loop3A_861], %parallel_loop3A_864 {strides = array<i32>} : memref<4x128x64xf32, #tpu.memory_space<vmem>>, vector<1x1x16xf32>,
      %parallel_loop3A_865 = arith.constant 1 : i32
      %parallel_loop3A_866 = arith.index_cast %parallel_loop3A_865 : i32 to index
      %parallel_loop3A_867 = arith.index_cast %parallel_loop3A_824 : i32 to index
      %parallel_loop3A_868 = arith.constant 32 : index
      %parallel_loop3A_869 = tpu.vector_load %arg5[%parallel_loop3A_866, %parallel_loop3A_867, %parallel_loop3A_868] {strides = array<i32>} : memref<4x128x64xf32, #tpu.memory_space<vmem>>, vector<1x1x16xf32>,
      %parallel_loop3A_870 = vector.shape_cast %parallel_loop3A_869 : vector<1x1x16xf32> to vector<16xf32>
      %parallel_loop3A_871 = arith.constant 1 : i32
      %parallel_loop3A_872 = arith.index_cast %parallel_loop3A_871 : i32 to index
      %parallel_loop3A_873 = arith.index_cast %parallel_loop3A_824 : i32 to index
      %parallel_loop3A_874 = arith.constant 32 : index
      %parallel_loop3A_875 = tpu.vector_load %arg6[%parallel_loop3A_872, %parallel_loop3A_873, %parallel_loop3A_874] {strides = array<i32>} : memref<4x128x64xf32, #tpu.memory_space<vmem>>, vector<1x1x16xf32>,
      %parallel_loop3A_876 = vector.shape_cast %parallel_loop3A_875 : vector<1x1x16xf32> to vector<16xf32>
      %parallel_loop3A_877 = arith.addf %parallel_loop3A_870, %parallel_loop3A_876 : vector<16xf32>
      %parallel_loop3A_878 = arith.constant 1 : i32
      %parallel_loop3A_879 = arith.index_cast %parallel_loop3A_878 : i32 to index
      %parallel_loop3A_880 = arith.index_cast %parallel_loop3A_824 : i32 to index
      %parallel_loop3A_881 = arith.constant 32 : index
      %parallel_loop3A_882 = tpu.vector_load %arg5[%parallel_loop3A_879, %parallel_loop3A_880, %parallel_loop3A_881] {strides = array<i32>} : memref<4x128x64xf32, #tpu.memory_space<vmem>>, vector<1x1x16xf32>,
      %parallel_loop3A_883 = vector.shape_cast %parallel_loop3A_882 : vector<1x1x16xf32> to vector<16xf32>
      %parallel_loop3A_884 = vector.shape_cast %parallel_loop3A_877 : vector<16xf32> to vector<1x1x16xf32>
      tpu.vector_store %arg5[%parallel_loop3A_879, %parallel_loop3A_880, %parallel_loop3A_881], %parallel_loop3A_884 {strides = array<i32>} : memref<4x128x64xf32, #tpu.memory_space<vmem>>, vector<1x1x16xf32>,
      %parallel_loop3A_885 = arith.constant 1 : i32
      %parallel_loop3A_886 = arith.index_cast %parallel_loop3A_885 : i32 to index
      %parallel_loop3A_887 = arith.index_cast %parallel_loop3A_824 : i32 to index
      %parallel_loop3A_888 = arith.constant 48 : index
      %parallel_loop3A_889 = tpu.vector_load %arg5[%parallel_loop3A_886, %parallel_loop3A_887, %parallel_loop3A_888] {strides = array<i32>} : memref<4x128x64xf32, #tpu.memory_space<vmem>>, vector<1x1x16xf32>,
      %parallel_loop3A_890 = vector.shape_cast %parallel_loop3A_889 : vector<1x1x16xf32> to vector<16xf32>
      %parallel_loop3A_891 = arith.constant 1 : i32
      %parallel_loop3A_892 = arith.index_cast %parallel_loop3A_891 : i32 to index
      %parallel_loop3A_893 = arith.index_cast %parallel_loop3A_824 : i32 to index
      %parallel_loop3A_894 = arith.constant 48 : index
      %parallel_loop3A_895 = tpu.vector_load %arg6[%parallel_loop3A_892, %parallel_loop3A_893, %parallel_loop3A_894] {strides = array<i32>} : memref<4x128x64xf32, #tpu.memory_space<vmem>>, vector<1x1x16xf32>,
      %parallel_loop3A_896 = vector.shape_cast %parallel_loop3A_895 : vector<1x1x16xf32> to vector<16xf32>
      %parallel_loop3A_897 = arith.addf %parallel_loop3A_890, %parallel_loop3A_896 : vector<16xf32>
      %parallel_loop3A_898 = arith.constant 1 : i32
      %parallel_loop3A_899 = arith.index_cast %parallel_loop3A_898 : i32 to index
      %parallel_loop3A_900 = arith.index_cast %parallel_loop3A_824 : i32 to index
      %parallel_loop3A_901 = arith.constant 48 : index
      %parallel_loop3A_902 = tpu.vector_load %arg5[%parallel_loop3A_899, %parallel_loop3A_900, %parallel_loop3A_901] {strides = array<i32>} : memref<4x128x64xf32, #tpu.memory_space<vmem>>, vector<1x1x16xf32>,
      %parallel_loop3A_903 = vector.shape_cast %parallel_loop3A_902 : vector<1x1x16xf32> to vector<16xf32>
      %parallel_loop3A_904 = vector.shape_cast %parallel_loop3A_897 : vector<16xf32> to vector<1x1x16xf32>
      tpu.vector_store %arg5[%parallel_loop3A_899, %parallel_loop3A_900, %parallel_loop3A_901], %parallel_loop3A_904 {strides = array<i32>} : memref<4x128x64xf32, #tpu.memory_space<vmem>>, vector<1x1x16xf32>,
    } {sc.loop_unroll_factor = 8 : i64, sc.parallel_access}
    %add3A_636 = arith.constant 640 : i32
    %add3A_637 = arith.addi %mul3A_2, %add3A_636 : i32
    %dma_start3A_638 = arith.constant 1 : i32
    %dma_start3A_639 = arith.constant 1 : i32
    %dma_start3A_640 = arith.constant 0 : i32
    %dma_start3A_641 = arith.constant 0 : i32
    %dma_start3A_642 = tpu.memref_slice %arg5[%dma_start3A_638, %dma_start3A_640, %dma_start3A_641] : memref<4x128x64xf32, #tpu.memory_space<vmem>> -> memref<1x128x64xf32, #tpu.memory_space<vmem>>
    %dma_start3A_643 = tpu.memref_squeeze %dma_start3A_642 : memref<1x128x64xf32, #tpu.memory_space<vmem>> -> memref<128x64xf32, #tpu.memory_space<vmem>>
    %dma_start3A_644 = arith.constant 0 : i32
    %dma_start3A_645 = tpu.memref_slice %arg4[%add3A_637, %dma_start3A_644] : memref<32768x64xf32, #tpu.memory_space<hbm>> -> memref<128x64xf32, #tpu.memory_space<hbm>>
    %dma_start3A_646 = tpu.memref_slice %arg9[%dma_start3A_639] : memref<4x!tpu.dma_semaphore, #tpu.memory_space<semaphore_mem>> -> memref<1x!tpu.dma_semaphore, #tpu.memory_space<semaphore_mem>>
    %dma_start3A_647 = tpu.memref_squeeze %dma_start3A_646 : memref<1x!tpu.dma_semaphore, #tpu.memory_space<semaphore_mem>> -> memref<!tpu.dma_semaphore, #tpu.memory_space<semaphore_mem>>
    %dma_start3A_648 = arith.constant 0 : i32
    %dma_start3A_649 = tpu.memref_slice %arg4[%add3A_637, %dma_start3A_648] : memref<32768x64xf32, #tpu.memory_space<hbm>> -> memref<128x64xf32, #tpu.memory_space<hbm>>
    %dma_start3A_650 = arith.constant 0 : i32
    %dma_start3A_651 = arith.constant 0 : i32
    %dma_start3A_652 = tpu.memref_slice %arg5[%dma_start3A_638, %dma_start3A_650, %dma_start3A_651] : memref<4x128x64xf32, #tpu.memory_space<vmem>> -> memref<1x128x64xf32, #tpu.memory_space<vmem>>
    %dma_start3A_653 = tpu.memref_squeeze %dma_start3A_652 : memref<1x128x64xf32, #tpu.memory_space<vmem>> -> memref<128x64xf32, #tpu.memory_space<vmem>>
    tpu.enqueue_dma source(%dma_start3A_653 : memref<128x64xf32, #tpu.memory_space<vmem>>) target(%dma_start3A_649 : memref<128x64xf32, #tpu.memory_space<hbm>>) target_semaphore(%dma_start3A_647 : memref<!tpu.dma_semaphore, #tpu.memory_space<semaphore_mem>>)
    %dma_wait3A_654 = arith.constant 2 : i32
    %dma_wait3A_655 = arith.constant 2 : i32
    %dma_wait3A_656 = arith.constant 0 : i32
    %dma_wait3A_657 = arith.constant 0 : i32
    %dma_wait3A_658 = tpu.memref_slice %arg5[%dma_wait3A_654, %dma_wait3A_656, %dma_wait3A_657] : memref<4x128x64xf32, #tpu.memory_space<vmem>> -> memref<1x128x64xf32, #tpu.memory_space<vmem>>
    %dma_wait3A_659 = tpu.memref_squeeze %dma_wait3A_658 : memref<1x128x64xf32, #tpu.memory_space<vmem>> -> memref<128x64xf32, #tpu.memory_space<vmem>>
    %dma_wait3A_660 = arith.constant 0 : i32
    %dma_wait3A_661 = tpu.memref_slice %arg2[%add3A_412, %dma_wait3A_660] : memref<32768x64xf32, #tpu.memory_space<hbm>> -> memref<128x64xf32, #tpu.memory_space<hbm>>
    %dma_wait3A_662 = tpu.memref_slice %arg7[%dma_wait3A_655] : memref<4x!tpu.dma_semaphore, #tpu.memory_space<semaphore_mem>> -> memref<1x!tpu.dma_semaphore, #tpu.memory_space<semaphore_mem>>
    %dma_wait3A_663 = tpu.memref_squeeze %dma_wait3A_662 : memref<1x!tpu.dma_semaphore, #tpu.memory_space<semaphore_mem>> -> memref<!tpu.dma_semaphore, #tpu.memory_space<semaphore_mem>>
    %dma_wait3A_664 = arith.constant 0 : i32
    %dma_wait3A_665 = arith.constant 0 : i32
    %dma_wait3A_666 = tpu.memref_slice %arg5[%dma_wait3A_654, %dma_wait3A_664, %dma_wait3A_665] : memref<4x128x64xf32, #tpu.memory_space<vmem>> -> memref<1x128x64xf32, #tpu.memory_space<vmem>>
    %dma_wait3A_667 = tpu.memref_squeeze %dma_wait3A_666 : memref<1x128x64xf32, #tpu.memory_space<vmem>> -> memref<128x64xf32, #tpu.memory_space<vmem>>
    %dma_wait3A_668 = arith.constant 0 : i32
    %dma_wait3A_669 = tpu.memref_slice %arg2[%add3A_412, %dma_wait3A_668] : memref<32768x64xf32, #tpu.memory_space<hbm>> -> memref<128x64xf32, #tpu.memory_space<hbm>>
    tpu.wait_dma2 semaphore(%dma_wait3A_663 : memref<!tpu.dma_semaphore, #tpu.memory_space<semaphore_mem>>) src(%dma_wait3A_669 : memref<128x64xf32, #tpu.memory_space<hbm>>) dst(%dma_wait3A_667 : memref<128x64xf32, #tpu.memory_space<vmem>>)
    %dma_wait3A_670 = arith.constant 2 : i32
    %dma_wait3A_671 = arith.constant 2 : i32
    %dma_wait3A_672 = arith.constant 0 : i32
    %dma_wait3A_673 = arith.constant 0 : i32
    %dma_wait3A_674 = tpu.memref_slice %arg6[%dma_wait3A_670, %dma_wait3A_672, %dma_wait3A_673] : memref<4x128x64xf32, #tpu.memory_space<vmem>> -> memref<1x128x64xf32, #tpu.memory_space<vmem>>
    %dma_wait3A_675 = tpu.memref_squeeze %dma_wait3A_674 : memref<1x128x64xf32, #tpu.memory_space<vmem>> -> memref<128x64xf32, #tpu.memory_space<vmem>>
    %dma_wait3A_676 = arith.constant 0 : i32
    %dma_wait3A_677 = tpu.memref_slice %arg3[%add3A_412, %dma_wait3A_676] : memref<32768x64xf32, #tpu.memory_space<hbm>> -> memref<128x64xf32, #tpu.memory_space<hbm>>
    %dma_wait3A_678 = tpu.memref_slice %arg8[%dma_wait3A_671] : memref<4x!tpu.dma_semaphore, #tpu.memory_space<semaphore_mem>> -> memref<1x!tpu.dma_semaphore, #tpu.memory_space<semaphore_mem>>
    %dma_wait3A_679 = tpu.memref_squeeze %dma_wait3A_678 : memref<1x!tpu.dma_semaphore, #tpu.memory_space<semaphore_mem>> -> memref<!tpu.dma_semaphore, #tpu.memory_space<semaphore_mem>>
    %dma_wait3A_680 = arith.constant 0 : i32
    %dma_wait3A_681 = arith.constant 0 : i32
    %dma_wait3A_682 = tpu.memref_slice %arg6[%dma_wait3A_670, %dma_wait3A_680, %dma_wait3A_681] : memref<4x128x64xf32, #tpu.memory_space<vmem>> -> memref<1x128x64xf32, #tpu.memory_space<vmem>>
    %dma_wait3A_683 = tpu.memref_squeeze %dma_wait3A_682 : memref<1x128x64xf32, #tpu.memory_space<vmem>> -> memref<128x64xf32, #tpu.memory_space<vmem>>
    %dma_wait3A_684 = arith.constant 0 : i32
    %dma_wait3A_685 = tpu.memref_slice %arg3[%add3A_412, %dma_wait3A_684] : memref<32768x64xf32, #tpu.memory_space<hbm>> -> memref<128x64xf32, #tpu.memory_space<hbm>>
    tpu.wait_dma2 semaphore(%dma_wait3A_679 : memref<!tpu.dma_semaphore, #tpu.memory_space<semaphore_mem>>) src(%dma_wait3A_685 : memref<128x64xf32, #tpu.memory_space<hbm>>) dst(%dma_wait3A_683 : memref<128x64xf32, #tpu.memory_space<vmem>>)
    %parallel_loop3A_686 = arith.constant 0 : i32
    %parallel_loop3A_687 = arith.constant 128 : i32
    %parallel_loop3A_688 = arith.constant 1 : i32
    scf.for %parallel_loop3A_824 = %parallel_loop3A_686 to %parallel_loop3A_687 step %parallel_loop3A_688  : i32 {
      %parallel_loop3A_825 = arith.constant 2 : i32
      %parallel_loop3A_826 = arith.index_cast %parallel_loop3A_825 : i32 to index
      %parallel_loop3A_827 = arith.index_cast %parallel_loop3A_824 : i32 to index
      %parallel_loop3A_828 = arith.constant 0 : index
      %parallel_loop3A_829 = tpu.vector_load %arg5[%parallel_loop3A_826, %parallel_loop3A_827, %parallel_loop3A_828] {strides = array<i32>} : memref<4x128x64xf32, #tpu.memory_space<vmem>>, vector<1x1x16xf32>,
      %parallel_loop3A_830 = vector.shape_cast %parallel_loop3A_829 : vector<1x1x16xf32> to vector<16xf32>
      %parallel_loop3A_831 = arith.constant 2 : i32
      %parallel_loop3A_832 = arith.index_cast %parallel_loop3A_831 : i32 to index
      %parallel_loop3A_833 = arith.index_cast %parallel_loop3A_824 : i32 to index
      %parallel_loop3A_834 = arith.constant 0 : index
      %parallel_loop3A_835 = tpu.vector_load %arg6[%parallel_loop3A_832, %parallel_loop3A_833, %parallel_loop3A_834] {strides = array<i32>} : memref<4x128x64xf32, #tpu.memory_space<vmem>>, vector<1x1x16xf32>,
      %parallel_loop3A_836 = vector.shape_cast %parallel_loop3A_835 : vector<1x1x16xf32> to vector<16xf32>
      %parallel_loop3A_837 = arith.addf %parallel_loop3A_830, %parallel_loop3A_836 : vector<16xf32>
      %parallel_loop3A_838 = arith.constant 2 : i32
      %parallel_loop3A_839 = arith.index_cast %parallel_loop3A_838 : i32 to index
      %parallel_loop3A_840 = arith.index_cast %parallel_loop3A_824 : i32 to index
      %parallel_loop3A_841 = arith.constant 0 : index
      %parallel_loop3A_842 = tpu.vector_load %arg5[%parallel_loop3A_839, %parallel_loop3A_840, %parallel_loop3A_841] {strides = array<i32>} : memref<4x128x64xf32, #tpu.memory_space<vmem>>, vector<1x1x16xf32>,
      %parallel_loop3A_843 = vector.shape_cast %parallel_loop3A_842 : vector<1x1x16xf32> to vector<16xf32>
      %parallel_loop3A_844 = vector.shape_cast %parallel_loop3A_837 : vector<16xf32> to vector<1x1x16xf32>
      tpu.vector_store %arg5[%parallel_loop3A_839, %parallel_loop3A_840, %parallel_loop3A_841], %parallel_loop3A_844 {strides = array<i32>} : memref<4x128x64xf32, #tpu.memory_space<vmem>>, vector<1x1x16xf32>,
      %parallel_loop3A_845 = arith.constant 2 : i32
      %parallel_loop3A_846 = arith.index_cast %parallel_loop3A_845 : i32 to index
      %parallel_loop3A_847 = arith.index_cast %parallel_loop3A_824 : i32 to index
      %parallel_loop3A_848 = arith.constant 16 : index
      %parallel_loop3A_849 = tpu.vector_load %arg5[%parallel_loop3A_846, %parallel_loop3A_847, %parallel_loop3A_848] {strides = array<i32>} : memref<4x128x64xf32, #tpu.memory_space<vmem>>, vector<1x1x16xf32>,
      %parallel_loop3A_850 = vector.shape_cast %parallel_loop3A_849 : vector<1x1x16xf32> to vector<16xf32>
      %parallel_loop3A_851 = arith.constant 2 : i32
      %parallel_loop3A_852 = arith.index_cast %parallel_loop3A_851 : i32 to index
      %parallel_loop3A_853 = arith.index_cast %parallel_loop3A_824 : i32 to index
      %parallel_loop3A_854 = arith.constant 16 : index
      %parallel_loop3A_855 = tpu.vector_load %arg6[%parallel_loop3A_852, %parallel_loop3A_853, %parallel_loop3A_854] {strides = array<i32>} : memref<4x128x64xf32, #tpu.memory_space<vmem>>, vector<1x1x16xf32>,
      %parallel_loop3A_856 = vector.shape_cast %parallel_loop3A_855 : vector<1x1x16xf32> to vector<16xf32>
      %parallel_loop3A_857 = arith.addf %parallel_loop3A_850, %parallel_loop3A_856 : vector<16xf32>
      %parallel_loop3A_858 = arith.constant 2 : i32
      %parallel_loop3A_859 = arith.index_cast %parallel_loop3A_858 : i32 to index
      %parallel_loop3A_860 = arith.index_cast %parallel_loop3A_824 : i32 to index
      %parallel_loop3A_861 = arith.constant 16 : index
      %parallel_loop3A_862 = tpu.vector_load %arg5[%parallel_loop3A_859, %parallel_loop3A_860, %parallel_loop3A_861] {strides = array<i32>} : memref<4x128x64xf32, #tpu.memory_space<vmem>>, vector<1x1x16xf32>,
      %parallel_loop3A_863 = vector.shape_cast %parallel_loop3A_862 : vector<1x1x16xf32> to vector<16xf32>
      %parallel_loop3A_864 = vector.shape_cast %parallel_loop3A_857 : vector<16xf32> to vector<1x1x16xf32>
      tpu.vector_store %arg5[%parallel_loop3A_859, %parallel_loop3A_860, %parallel_loop3A_861], %parallel_loop3A_864 {strides = array<i32>} : memref<4x128x64xf32, #tpu.memory_space<vmem>>, vector<1x1x16xf32>,
      %parallel_loop3A_865 = arith.constant 2 : i32
      %parallel_loop3A_866 = arith.index_cast %parallel_loop3A_865 : i32 to index
      %parallel_loop3A_867 = arith.index_cast %parallel_loop3A_824 : i32 to index
      %parallel_loop3A_868 = arith.constant 32 : index
      %parallel_loop3A_869 = tpu.vector_load %arg5[%parallel_loop3A_866, %parallel_loop3A_867, %parallel_loop3A_868] {strides = array<i32>} : memref<4x128x64xf32, #tpu.memory_space<vmem>>, vector<1x1x16xf32>,
      %parallel_loop3A_870 = vector.shape_cast %parallel_loop3A_869 : vector<1x1x16xf32> to vector<16xf32>
      %parallel_loop3A_871 = arith.constant 2 : i32
      %parallel_loop3A_872 = arith.index_cast %parallel_loop3A_871 : i32 to index
      %parallel_loop3A_873 = arith.index_cast %parallel_loop3A_824 : i32 to index
      %parallel_loop3A_874 = arith.constant 32 : index
      %parallel_loop3A_875 = tpu.vector_load %arg6[%parallel_loop3A_872, %parallel_loop3A_873, %parallel_loop3A_874] {strides = array<i32>} : memref<4x128x64xf32, #tpu.memory_space<vmem>>, vector<1x1x16xf32>,
      %parallel_loop3A_876 = vector.shape_cast %parallel_loop3A_875 : vector<1x1x16xf32> to vector<16xf32>
      %parallel_loop3A_877 = arith.addf %parallel_loop3A_870, %parallel_loop3A_876 : vector<16xf32>
      %parallel_loop3A_878 = arith.constant 2 : i32
      %parallel_loop3A_879 = arith.index_cast %parallel_loop3A_878 : i32 to index
      %parallel_loop3A_880 = arith.index_cast %parallel_loop3A_824 : i32 to index
      %parallel_loop3A_881 = arith.constant 32 : index
      %parallel_loop3A_882 = tpu.vector_load %arg5[%parallel_loop3A_879, %parallel_loop3A_880, %parallel_loop3A_881] {strides = array<i32>} : memref<4x128x64xf32, #tpu.memory_space<vmem>>, vector<1x1x16xf32>,
      %parallel_loop3A_883 = vector.shape_cast %parallel_loop3A_882 : vector<1x1x16xf32> to vector<16xf32>
      %parallel_loop3A_884 = vector.shape_cast %parallel_loop3A_877 : vector<16xf32> to vector<1x1x16xf32>
      tpu.vector_store %arg5[%parallel_loop3A_879, %parallel_loop3A_880, %parallel_loop3A_881], %parallel_loop3A_884 {strides = array<i32>} : memref<4x128x64xf32, #tpu.memory_space<vmem>>, vector<1x1x16xf32>,
      %parallel_loop3A_885 = arith.constant 2 : i32
      %parallel_loop3A_886 = arith.index_cast %parallel_loop3A_885 : i32 to index
      %parallel_loop3A_887 = arith.index_cast %parallel_loop3A_824 : i32 to index
      %parallel_loop3A_888 = arith.constant 48 : index
      %parallel_loop3A_889 = tpu.vector_load %arg5[%parallel_loop3A_886, %parallel_loop3A_887, %parallel_loop3A_888] {strides = array<i32>} : memref<4x128x64xf32, #tpu.memory_space<vmem>>, vector<1x1x16xf32>,
      %parallel_loop3A_890 = vector.shape_cast %parallel_loop3A_889 : vector<1x1x16xf32> to vector<16xf32>
      %parallel_loop3A_891 = arith.constant 2 : i32
      %parallel_loop3A_892 = arith.index_cast %parallel_loop3A_891 : i32 to index
      %parallel_loop3A_893 = arith.index_cast %parallel_loop3A_824 : i32 to index
      %parallel_loop3A_894 = arith.constant 48 : index
      %parallel_loop3A_895 = tpu.vector_load %arg6[%parallel_loop3A_892, %parallel_loop3A_893, %parallel_loop3A_894] {strides = array<i32>} : memref<4x128x64xf32, #tpu.memory_space<vmem>>, vector<1x1x16xf32>,
      %parallel_loop3A_896 = vector.shape_cast %parallel_loop3A_895 : vector<1x1x16xf32> to vector<16xf32>
      %parallel_loop3A_897 = arith.addf %parallel_loop3A_890, %parallel_loop3A_896 : vector<16xf32>
      %parallel_loop3A_898 = arith.constant 2 : i32
      %parallel_loop3A_899 = arith.index_cast %parallel_loop3A_898 : i32 to index
      %parallel_loop3A_900 = arith.index_cast %parallel_loop3A_824 : i32 to index
      %parallel_loop3A_901 = arith.constant 48 : index
      %parallel_loop3A_902 = tpu.vector_load %arg5[%parallel_loop3A_899, %parallel_loop3A_900, %parallel_loop3A_901] {strides = array<i32>} : memref<4x128x64xf32, #tpu.memory_space<vmem>>, vector<1x1x16xf32>,
      %parallel_loop3A_903 = vector.shape_cast %parallel_loop3A_902 : vector<1x1x16xf32> to vector<16xf32>
      %parallel_loop3A_904 = vector.shape_cast %parallel_loop3A_897 : vector<16xf32> to vector<1x1x16xf32>
      tpu.vector_store %arg5[%parallel_loop3A_899, %parallel_loop3A_900, %parallel_loop3A_901], %parallel_loop3A_904 {strides = array<i32>} : memref<4x128x64xf32, #tpu.memory_space<vmem>>, vector<1x1x16xf32>,
    } {sc.loop_unroll_factor = 8 : i64, sc.parallel_access}
    %add3A_689 = arith.constant 768 : i32
    %add3A_690 = arith.addi %mul3A_2, %add3A_689 : i32
    %dma_start3A_691 = arith.constant 2 : i32
    %dma_start3A_692 = arith.constant 2 : i32
    %dma_start3A_693 = arith.constant 0 : i32
    %dma_start3A_694 = arith.constant 0 : i32
    %dma_start3A_695 = tpu.memref_slice %arg5[%dma_start3A_691, %dma_start3A_693, %dma_start3A_694] : memref<4x128x64xf32, #tpu.memory_space<vmem>> -> memref<1x128x64xf32, #tpu.memory_space<vmem>>
    %dma_start3A_696 = tpu.memref_squeeze %dma_start3A_695 : memref<1x128x64xf32, #tpu.memory_space<vmem>> -> memref<128x64xf32, #tpu.memory_space<vmem>>
    %dma_start3A_697 = arith.constant 0 : i32
    %dma_start3A_698 = tpu.memref_slice %arg4[%add3A_690, %dma_start3A_697] : memref<32768x64xf32, #tpu.memory_space<hbm>> -> memref<128x64xf32, #tpu.memory_space<hbm>>
    %dma_start3A_699 = tpu.memref_slice %arg9[%dma_start3A_692] : memref<4x!tpu.dma_semaphore, #tpu.memory_space<semaphore_mem>> -> memref<1x!tpu.dma_semaphore, #tpu.memory_space<semaphore_mem>>
    %dma_start3A_700 = tpu.memref_squeeze %dma_start3A_699 : memref<1x!tpu.dma_semaphore, #tpu.memory_space<semaphore_mem>> -> memref<!tpu.dma_semaphore, #tpu.memory_space<semaphore_mem>>
    %dma_start3A_701 = arith.constant 0 : i32
    %dma_start3A_702 = tpu.memref_slice %arg4[%add3A_690, %dma_start3A_701] : memref<32768x64xf32, #tpu.memory_space<hbm>> -> memref<128x64xf32, #tpu.memory_space<hbm>>
    %dma_start3A_703 = arith.constant 0 : i32
    %dma_start3A_704 = arith.constant 0 : i32
    %dma_start3A_705 = tpu.memref_slice %arg5[%dma_start3A_691, %dma_start3A_703, %dma_start3A_704] : memref<4x128x64xf32, #tpu.memory_space<vmem>> -> memref<1x128x64xf32, #tpu.memory_space<vmem>>
    %dma_start3A_706 = tpu.memref_squeeze %dma_start3A_705 : memref<1x128x64xf32, #tpu.memory_space<vmem>> -> memref<128x64xf32, #tpu.memory_space<vmem>>
    tpu.enqueue_dma source(%dma_start3A_706 : memref<128x64xf32, #tpu.memory_space<vmem>>) target(%dma_start3A_702 : memref<128x64xf32, #tpu.memory_space<hbm>>) target_semaphore(%dma_start3A_700 : memref<!tpu.dma_semaphore, #tpu.memory_space<semaphore_mem>>)
    %dma_wait3A_707 = arith.constant 3 : i32
    %dma_wait3A_708 = arith.constant 3 : i32
    %dma_wait3A_709 = arith.constant 0 : i32
    %dma_wait3A_710 = arith.constant 0 : i32
    %dma_wait3A_711 = tpu.memref_slice %arg5[%dma_wait3A_707, %dma_wait3A_709, %dma_wait3A_710] : memref<4x128x64xf32, #tpu.memory_space<vmem>> -> memref<1x128x64xf32, #tpu.memory_space<vmem>>
    %dma_wait3A_712 = tpu.memref_squeeze %dma_wait3A_711 : memref<1x128x64xf32, #tpu.memory_space<vmem>> -> memref<128x64xf32, #tpu.memory_space<vmem>>
    %dma_wait3A_713 = arith.constant 0 : i32
    %dma_wait3A_714 = tpu.memref_slice %arg2[%add3A_515, %dma_wait3A_713] : memref<32768x64xf32, #tpu.memory_space<hbm>> -> memref<128x64xf32, #tpu.memory_space<hbm>>
    %dma_wait3A_715 = tpu.memref_slice %arg7[%dma_wait3A_708] : memref<4x!tpu.dma_semaphore, #tpu.memory_space<semaphore_mem>> -> memref<1x!tpu.dma_semaphore, #tpu.memory_space<semaphore_mem>>
    %dma_wait3A_716 = tpu.memref_squeeze %dma_wait3A_715 : memref<1x!tpu.dma_semaphore, #tpu.memory_space<semaphore_mem>> -> memref<!tpu.dma_semaphore, #tpu.memory_space<semaphore_mem>>
    %dma_wait3A_717 = arith.constant 0 : i32
    %dma_wait3A_718 = arith.constant 0 : i32
    %dma_wait3A_719 = tpu.memref_slice %arg5[%dma_wait3A_707, %dma_wait3A_717, %dma_wait3A_718] : memref<4x128x64xf32, #tpu.memory_space<vmem>> -> memref<1x128x64xf32, #tpu.memory_space<vmem>>
    %dma_wait3A_720 = tpu.memref_squeeze %dma_wait3A_719 : memref<1x128x64xf32, #tpu.memory_space<vmem>> -> memref<128x64xf32, #tpu.memory_space<vmem>>
    %dma_wait3A_721 = arith.constant 0 : i32
    %dma_wait3A_722 = tpu.memref_slice %arg2[%add3A_515, %dma_wait3A_721] : memref<32768x64xf32, #tpu.memory_space<hbm>> -> memref<128x64xf32, #tpu.memory_space<hbm>>
    tpu.wait_dma2 semaphore(%dma_wait3A_716 : memref<!tpu.dma_semaphore, #tpu.memory_space<semaphore_mem>>) src(%dma_wait3A_722 : memref<128x64xf32, #tpu.memory_space<hbm>>) dst(%dma_wait3A_720 : memref<128x64xf32, #tpu.memory_space<vmem>>)
    %dma_wait3A_723 = arith.constant 3 : i32
    %dma_wait3A_724 = arith.constant 3 : i32
    %dma_wait3A_725 = arith.constant 0 : i32
    %dma_wait3A_726 = arith.constant 0 : i32
    %dma_wait3A_727 = tpu.memref_slice %arg6[%dma_wait3A_723, %dma_wait3A_725, %dma_wait3A_726] : memref<4x128x64xf32, #tpu.memory_space<vmem>> -> memref<1x128x64xf32, #tpu.memory_space<vmem>>
    %dma_wait3A_728 = tpu.memref_squeeze %dma_wait3A_727 : memref<1x128x64xf32, #tpu.memory_space<vmem>> -> memref<128x64xf32, #tpu.memory_space<vmem>>
    %dma_wait3A_729 = arith.constant 0 : i32
    %dma_wait3A_730 = tpu.memref_slice %arg3[%add3A_515, %dma_wait3A_729] : memref<32768x64xf32, #tpu.memory_space<hbm>> -> memref<128x64xf32, #tpu.memory_space<hbm>>
    %dma_wait3A_731 = tpu.memref_slice %arg8[%dma_wait3A_724] : memref<4x!tpu.dma_semaphore, #tpu.memory_space<semaphore_mem>> -> memref<1x!tpu.dma_semaphore, #tpu.memory_space<semaphore_mem>>
    %dma_wait3A_732 = tpu.memref_squeeze %dma_wait3A_731 : memref<1x!tpu.dma_semaphore, #tpu.memory_space<semaphore_mem>> -> memref<!tpu.dma_semaphore, #tpu.memory_space<semaphore_mem>>
    %dma_wait3A_733 = arith.constant 0 : i32
    %dma_wait3A_734 = arith.constant 0 : i32
    %dma_wait3A_735 = tpu.memref_slice %arg6[%dma_wait3A_723, %dma_wait3A_733, %dma_wait3A_734] : memref<4x128x64xf32, #tpu.memory_space<vmem>> -> memref<1x128x64xf32, #tpu.memory_space<vmem>>
    %dma_wait3A_736 = tpu.memref_squeeze %dma_wait3A_735 : memref<1x128x64xf32, #tpu.memory_space<vmem>> -> memref<128x64xf32, #tpu.memory_space<vmem>>
    %dma_wait3A_737 = arith.constant 0 : i32
    %dma_wait3A_738 = tpu.memref_slice %arg3[%add3A_515, %dma_wait3A_737] : memref<32768x64xf32, #tpu.memory_space<hbm>> -> memref<128x64xf32, #tpu.memory_space<hbm>>
    tpu.wait_dma2 semaphore(%dma_wait3A_732 : memref<!tpu.dma_semaphore, #tpu.memory_space<semaphore_mem>>) src(%dma_wait3A_738 : memref<128x64xf32, #tpu.memory_space<hbm>>) dst(%dma_wait3A_736 : memref<128x64xf32, #tpu.memory_space<vmem>>)
    %parallel_loop3A_739 = arith.constant 0 : i32
    %parallel_loop3A_740 = arith.constant 128 : i32
    %parallel_loop3A_741 = arith.constant 1 : i32
    scf.for %parallel_loop3A_824 = %parallel_loop3A_739 to %parallel_loop3A_740 step %parallel_loop3A_741  : i32 {
      %parallel_loop3A_825 = arith.constant 3 : i32
      %parallel_loop3A_826 = arith.index_cast %parallel_loop3A_825 : i32 to index
      %parallel_loop3A_827 = arith.index_cast %parallel_loop3A_824 : i32 to index
      %parallel_loop3A_828 = arith.constant 0 : index
      %parallel_loop3A_829 = tpu.vector_load %arg5[%parallel_loop3A_826, %parallel_loop3A_827, %parallel_loop3A_828] {strides = array<i32>} : memref<4x128x64xf32, #tpu.memory_space<vmem>>, vector<1x1x16xf32>,
      %parallel_loop3A_830 = vector.shape_cast %parallel_loop3A_829 : vector<1x1x16xf32> to vector<16xf32>
      %parallel_loop3A_831 = arith.constant 3 : i32
      %parallel_loop3A_832 = arith.index_cast %parallel_loop3A_831 : i32 to index
      %parallel_loop3A_833 = arith.index_cast %parallel_loop3A_824 : i32 to index
      %parallel_loop3A_834 = arith.constant 0 : index
      %parallel_loop3A_835 = tpu.vector_load %arg6[%parallel_loop3A_832, %parallel_loop3A_833, %parallel_loop3A_834] {strides = array<i32>} : memref<4x128x64xf32, #tpu.memory_space<vmem>>, vector<1x1x16xf32>,
      %parallel_loop3A_836 = vector.shape_cast %parallel_loop3A_835 : vector<1x1x16xf32> to vector<16xf32>
      %parallel_loop3A_837 = arith.addf %parallel_loop3A_830, %parallel_loop3A_836 : vector<16xf32>
      %parallel_loop3A_838 = arith.constant 3 : i32
      %parallel_loop3A_839 = arith.index_cast %parallel_loop3A_838 : i32 to index
      %parallel_loop3A_840 = arith.index_cast %parallel_loop3A_824 : i32 to index
      %parallel_loop3A_841 = arith.constant 0 : index
      %parallel_loop3A_842 = tpu.vector_load %arg5[%parallel_loop3A_839, %parallel_loop3A_840, %parallel_loop3A_841] {strides = array<i32>} : memref<4x128x64xf32, #tpu.memory_space<vmem>>, vector<1x1x16xf32>,
      %parallel_loop3A_843 = vector.shape_cast %parallel_loop3A_842 : vector<1x1x16xf32> to vector<16xf32>
      %parallel_loop3A_844 = vector.shape_cast %parallel_loop3A_837 : vector<16xf32> to vector<1x1x16xf32>
      tpu.vector_store %arg5[%parallel_loop3A_839, %parallel_loop3A_840, %parallel_loop3A_841], %parallel_loop3A_844 {strides = array<i32>} : memref<4x128x64xf32, #tpu.memory_space<vmem>>, vector<1x1x16xf32>,
      %parallel_loop3A_845 = arith.constant 3 : i32
      %parallel_loop3A_846 = arith.index_cast %parallel_loop3A_845 : i32 to index
      %parallel_loop3A_847 = arith.index_cast %parallel_loop3A_824 : i32 to index
      %parallel_loop3A_848 = arith.constant 16 : index
      %parallel_loop3A_849 = tpu.vector_load %arg5[%parallel_loop3A_846, %parallel_loop3A_847, %parallel_loop3A_848] {strides = array<i32>} : memref<4x128x64xf32, #tpu.memory_space<vmem>>, vector<1x1x16xf32>,
      %parallel_loop3A_850 = vector.shape_cast %parallel_loop3A_849 : vector<1x1x16xf32> to vector<16xf32>
      %parallel_loop3A_851 = arith.constant 3 : i32
      %parallel_loop3A_852 = arith.index_cast %parallel_loop3A_851 : i32 to index
      %parallel_loop3A_853 = arith.index_cast %parallel_loop3A_824 : i32 to index
      %parallel_loop3A_854 = arith.constant 16 : index
      %parallel_loop3A_855 = tpu.vector_load %arg6[%parallel_loop3A_852, %parallel_loop3A_853, %parallel_loop3A_854] {strides = array<i32>} : memref<4x128x64xf32, #tpu.memory_space<vmem>>, vector<1x1x16xf32>,
      %parallel_loop3A_856 = vector.shape_cast %parallel_loop3A_855 : vector<1x1x16xf32> to vector<16xf32>
      %parallel_loop3A_857 = arith.addf %parallel_loop3A_850, %parallel_loop3A_856 : vector<16xf32>
      %parallel_loop3A_858 = arith.constant 3 : i32
      %parallel_loop3A_859 = arith.index_cast %parallel_loop3A_858 : i32 to index
      %parallel_loop3A_860 = arith.index_cast %parallel_loop3A_824 : i32 to index
      %parallel_loop3A_861 = arith.constant 16 : index
      %parallel_loop3A_862 = tpu.vector_load %arg5[%parallel_loop3A_859, %parallel_loop3A_860, %parallel_loop3A_861] {strides = array<i32>} : memref<4x128x64xf32, #tpu.memory_space<vmem>>, vector<1x1x16xf32>,
      %parallel_loop3A_863 = vector.shape_cast %parallel_loop3A_862 : vector<1x1x16xf32> to vector<16xf32>
      %parallel_loop3A_864 = vector.shape_cast %parallel_loop3A_857 : vector<16xf32> to vector<1x1x16xf32>
      tpu.vector_store %arg5[%parallel_loop3A_859, %parallel_loop3A_860, %parallel_loop3A_861], %parallel_loop3A_864 {strides = array<i32>} : memref<4x128x64xf32, #tpu.memory_space<vmem>>, vector<1x1x16xf32>,
      %parallel_loop3A_865 = arith.constant 3 : i32
      %parallel_loop3A_866 = arith.index_cast %parallel_loop3A_865 : i32 to index
      %parallel_loop3A_867 = arith.index_cast %parallel_loop3A_824 : i32 to index
      %parallel_loop3A_868 = arith.constant 32 : index
      %parallel_loop3A_869 = tpu.vector_load %arg5[%parallel_loop3A_866, %parallel_loop3A_867, %parallel_loop3A_868] {strides = array<i32>} : memref<4x128x64xf32, #tpu.memory_space<vmem>>, vector<1x1x16xf32>,
      %parallel_loop3A_870 = vector.shape_cast %parallel_loop3A_869 : vector<1x1x16xf32> to vector<16xf32>
      %parallel_loop3A_871 = arith.constant 3 : i32
      %parallel_loop3A_872 = arith.index_cast %parallel_loop3A_871 : i32 to index
      %parallel_loop3A_873 = arith.index_cast %parallel_loop3A_824 : i32 to index
      %parallel_loop3A_874 = arith.constant 32 : index
      %parallel_loop3A_875 = tpu.vector_load %arg6[%parallel_loop3A_872, %parallel_loop3A_873, %parallel_loop3A_874] {strides = array<i32>} : memref<4x128x64xf32, #tpu.memory_space<vmem>>, vector<1x1x16xf32>,
      %parallel_loop3A_876 = vector.shape_cast %parallel_loop3A_875 : vector<1x1x16xf32> to vector<16xf32>
      %parallel_loop3A_877 = arith.addf %parallel_loop3A_870, %parallel_loop3A_876 : vector<16xf32>
      %parallel_loop3A_878 = arith.constant 3 : i32
      %parallel_loop3A_879 = arith.index_cast %parallel_loop3A_878 : i32 to index
      %parallel_loop3A_880 = arith.index_cast %parallel_loop3A_824 : i32 to index
      %parallel_loop3A_881 = arith.constant 32 : index
      %parallel_loop3A_882 = tpu.vector_load %arg5[%parallel_loop3A_879, %parallel_loop3A_880, %parallel_loop3A_881] {strides = array<i32>} : memref<4x128x64xf32, #tpu.memory_space<vmem>>, vector<1x1x16xf32>,
      %parallel_loop3A_883 = vector.shape_cast %parallel_loop3A_882 : vector<1x1x16xf32> to vector<16xf32>
      %parallel_loop3A_884 = vector.shape_cast %parallel_loop3A_877 : vector<16xf32> to vector<1x1x16xf32>
      tpu.vector_store %arg5[%parallel_loop3A_879, %parallel_loop3A_880, %parallel_loop3A_881], %parallel_loop3A_884 {strides = array<i32>} : memref<4x128x64xf32, #tpu.memory_space<vmem>>, vector<1x1x16xf32>,
      %parallel_loop3A_885 = arith.constant 3 : i32
      %parallel_loop3A_886 = arith.index_cast %parallel_loop3A_885 : i32 to index
      %parallel_loop3A_887 = arith.index_cast %parallel_loop3A_824 : i32 to index
      %parallel_loop3A_888 = arith.constant 48 : index
      %parallel_loop3A_889 = tpu.vector_load %arg5[%parallel_loop3A_886, %parallel_loop3A_887, %parallel_loop3A_888] {strides = array<i32>} : memref<4x128x64xf32, #tpu.memory_space<vmem>>, vector<1x1x16xf32>,
      %parallel_loop3A_890 = vector.shape_cast %parallel_loop3A_889 : vector<1x1x16xf32> to vector<16xf32>
      %parallel_loop3A_891 = arith.constant 3 : i32
      %parallel_loop3A_892 = arith.index_cast %parallel_loop3A_891 : i32 to index
      %parallel_loop3A_893 = arith.index_cast %parallel_loop3A_824 : i32 to index
      %parallel_loop3A_894 = arith.constant 48 : index
      %parallel_loop3A_895 = tpu.vector_load %arg6[%parallel_loop3A_892, %parallel_loop3A_893, %parallel_loop3A_894] {strides = array<i32>} : memref<4x128x64xf32, #tpu.memory_space<vmem>>, vector<1x1x16xf32>,
      %parallel_loop3A_896 = vector.shape_cast %parallel_loop3A_895 : vector<1x1x16xf32> to vector<16xf32>
      %parallel_loop3A_897 = arith.addf %parallel_loop3A_890, %parallel_loop3A_896 : vector<16xf32>
      %parallel_loop3A_898 = arith.constant 3 : i32
      %parallel_loop3A_899 = arith.index_cast %parallel_loop3A_898 : i32 to index
      %parallel_loop3A_900 = arith.index_cast %parallel_loop3A_824 : i32 to index
      %parallel_loop3A_901 = arith.constant 48 : index
      %parallel_loop3A_902 = tpu.vector_load %arg5[%parallel_loop3A_899, %parallel_loop3A_900, %parallel_loop3A_901] {strides = array<i32>} : memref<4x128x64xf32, #tpu.memory_space<vmem>>, vector<1x1x16xf32>,
      %parallel_loop3A_903 = vector.shape_cast %parallel_loop3A_902 : vector<1x1x16xf32> to vector<16xf32>
      %parallel_loop3A_904 = vector.shape_cast %parallel_loop3A_897 : vector<16xf32> to vector<1x1x16xf32>
      tpu.vector_store %arg5[%parallel_loop3A_899, %parallel_loop3A_900, %parallel_loop3A_901], %parallel_loop3A_904 {strides = array<i32>} : memref<4x128x64xf32, #tpu.memory_space<vmem>>, vector<1x1x16xf32>,
    } {sc.loop_unroll_factor = 8 : i64, sc.parallel_access}
    %add3A_742 = arith.constant 896 : i32
    %add3A_743 = arith.addi %mul3A_2, %add3A_742 : i32
    %dma_start3A_744 = arith.constant 3 : i32
    %dma_start3A_745 = arith.constant 3 : i32
    %dma_start3A_746 = arith.constant 0 : i32
    %dma_start3A_747 = arith.constant 0 : i32
    %dma_start3A_748 = tpu.memref_slice %arg5[%dma_start3A_744, %dma_start3A_746, %dma_start3A_747] : memref<4x128x64xf32, #tpu.memory_space<vmem>> -> memref<1x128x64xf32, #tpu.memory_space<vmem>>
    %dma_start3A_749 = tpu.memref_squeeze %dma_start3A_748 : memref<1x128x64xf32, #tpu.memory_space<vmem>> -> memref<128x64xf32, #tpu.memory_space<vmem>>
    %dma_start3A_750 = arith.constant 0 : i32
    %dma_start3A_751 = tpu.memref_slice %arg4[%add3A_743, %dma_start3A_750] : memref<32768x64xf32, #tpu.memory_space<hbm>> -> memref<128x64xf32, #tpu.memory_space<hbm>>
    %dma_start3A_752 = tpu.memref_slice %arg9[%dma_start3A_745] : memref<4x!tpu.dma_semaphore, #tpu.memory_space<semaphore_mem>> -> memref<1x!tpu.dma_semaphore, #tpu.memory_space<semaphore_mem>>
    %dma_start3A_753 = tpu.memref_squeeze %dma_start3A_752 : memref<1x!tpu.dma_semaphore, #tpu.memory_space<semaphore_mem>> -> memref<!tpu.dma_semaphore, #tpu.memory_space<semaphore_mem>>
    %dma_start3A_754 = arith.constant 0 : i32
    %dma_start3A_755 = tpu.memref_slice %arg4[%add3A_743, %dma_start3A_754] : memref<32768x64xf32, #tpu.memory_space<hbm>> -> memref<128x64xf32, #tpu.memory_space<hbm>>
    %dma_start3A_756 = arith.constant 0 : i32
    %dma_start3A_757 = arith.constant 0 : i32
    %dma_start3A_758 = tpu.memref_slice %arg5[%dma_start3A_744, %dma_start3A_756, %dma_start3A_757] : memref<4x128x64xf32, #tpu.memory_space<vmem>> -> memref<1x128x64xf32, #tpu.memory_space<vmem>>
    %dma_start3A_759 = tpu.memref_squeeze %dma_start3A_758 : memref<1x128x64xf32, #tpu.memory_space<vmem>> -> memref<128x64xf32, #tpu.memory_space<vmem>>
    tpu.enqueue_dma source(%dma_start3A_759 : memref<128x64xf32, #tpu.memory_space<vmem>>) target(%dma_start3A_755 : memref<128x64xf32, #tpu.memory_space<hbm>>) target_semaphore(%dma_start3A_753 : memref<!tpu.dma_semaphore, #tpu.memory_space<semaphore_mem>>)
    %dma_wait3A_760 = arith.constant 0 : i32
    %dma_wait3A_761 = arith.constant 0 : i32
    %dma_wait3A_762 = arith.constant 0 : i32
    %dma_wait3A_763 = arith.constant 0 : i32
    %dma_wait3A_764 = tpu.memref_slice %arg5[%dma_wait3A_760, %dma_wait3A_762, %dma_wait3A_763] : memref<4x128x64xf32, #tpu.memory_space<vmem>> -> memref<1x128x64xf32, #tpu.memory_space<vmem>>
    %dma_wait3A_765 = tpu.memref_squeeze %dma_wait3A_764 : memref<1x128x64xf32, #tpu.memory_space<vmem>> -> memref<128x64xf32, #tpu.memory_space<vmem>>
    %dma_wait3A_766 = arith.constant 0 : i32
    %dma_wait3A_767 = tpu.memref_slice %arg4[%add3A_584, %dma_wait3A_766] : memref<32768x64xf32, #tpu.memory_space<hbm>> -> memref<128x64xf32, #tpu.memory_space<hbm>>
    %dma_wait3A_768 = tpu.memref_slice %arg9[%dma_wait3A_761] : memref<4x!tpu.dma_semaphore, #tpu.memory_space<semaphore_mem>> -> memref<1x!tpu.dma_semaphore, #tpu.memory_space<semaphore_mem>>
    %dma_wait3A_769 = tpu.memref_squeeze %dma_wait3A_768 : memref<1x!tpu.dma_semaphore, #tpu.memory_space<semaphore_mem>> -> memref<!tpu.dma_semaphore, #tpu.memory_space<semaphore_mem>>
    %dma_wait3A_770 = arith.constant 0 : i32
    %dma_wait3A_771 = tpu.memref_slice %arg4[%add3A_584, %dma_wait3A_770] : memref<32768x64xf32, #tpu.memory_space<hbm>> -> memref<128x64xf32, #tpu.memory_space<hbm>>
    %dma_wait3A_772 = arith.constant 0 : i32
    %dma_wait3A_773 = arith.constant 0 : i32
    %dma_wait3A_774 = tpu.memref_slice %arg5[%dma_wait3A_760, %dma_wait3A_772, %dma_wait3A_773] : memref<4x128x64xf32, #tpu.memory_space<vmem>> -> memref<1x128x64xf32, #tpu.memory_space<vmem>>
    %dma_wait3A_775 = tpu.memref_squeeze %dma_wait3A_774 : memref<1x128x64xf32, #tpu.memory_space<vmem>> -> memref<128x64xf32, #tpu.memory_space<vmem>>
    tpu.wait_dma2 semaphore(%dma_wait3A_769 : memref<!tpu.dma_semaphore, #tpu.memory_space<semaphore_mem>>) src(%dma_wait3A_775 : memref<128x64xf32, #tpu.memory_space<vmem>>) dst(%dma_wait3A_771 : memref<128x64xf32, #tpu.memory_space<hbm>>)
    %dma_wait3A_776 = arith.constant 1 : i32
    %dma_wait3A_777 = arith.constant 1 : i32
    %dma_wait3A_778 = arith.constant 0 : i32
    %dma_wait3A_779 = arith.constant 0 : i32
    %dma_wait3A_780 = tpu.memref_slice %arg5[%dma_wait3A_776, %dma_wait3A_778, %dma_wait3A_779] : memref<4x128x64xf32, #tpu.memory_space<vmem>> -> memref<1x128x64xf32, #tpu.memory_space<vmem>>
    %dma_wait3A_781 = tpu.memref_squeeze %dma_wait3A_780 : memref<1x128x64xf32, #tpu.memory_space<vmem>> -> memref<128x64xf32, #tpu.memory_space<vmem>>
    %dma_wait3A_782 = arith.constant 0 : i32
    %dma_wait3A_783 = tpu.memref_slice %arg4[%add3A_637, %dma_wait3A_782] : memref<32768x64xf32, #tpu.memory_space<hbm>> -> memref<128x64xf32, #tpu.memory_space<hbm>>
    %dma_wait3A_784 = tpu.memref_slice %arg9[%dma_wait3A_777] : memref<4x!tpu.dma_semaphore, #tpu.memory_space<semaphore_mem>> -> memref<1x!tpu.dma_semaphore, #tpu.memory_space<semaphore_mem>>
    %dma_wait3A_785 = tpu.memref_squeeze %dma_wait3A_784 : memref<1x!tpu.dma_semaphore, #tpu.memory_space<semaphore_mem>> -> memref<!tpu.dma_semaphore, #tpu.memory_space<semaphore_mem>>
    %dma_wait3A_786 = arith.constant 0 : i32
    %dma_wait3A_787 = tpu.memref_slice %arg4[%add3A_637, %dma_wait3A_786] : memref<32768x64xf32, #tpu.memory_space<hbm>> -> memref<128x64xf32, #tpu.memory_space<hbm>>
    %dma_wait3A_788 = arith.constant 0 : i32
    %dma_wait3A_789 = arith.constant 0 : i32
    %dma_wait3A_790 = tpu.memref_slice %arg5[%dma_wait3A_776, %dma_wait3A_788, %dma_wait3A_789] : memref<4x128x64xf32, #tpu.memory_space<vmem>> -> memref<1x128x64xf32, #tpu.memory_space<vmem>>
    %dma_wait3A_791 = tpu.memref_squeeze %dma_wait3A_790 : memref<1x128x64xf32, #tpu.memory_space<vmem>> -> memref<128x64xf32, #tpu.memory_space<vmem>>
    tpu.wait_dma2 semaphore(%dma_wait3A_785 : memref<!tpu.dma_semaphore, #tpu.memory_space<semaphore_mem>>) src(%dma_wait3A_791 : memref<128x64xf32, #tpu.memory_space<vmem>>) dst(%dma_wait3A_787 : memref<128x64xf32, #tpu.memory_space<hbm>>)
    %dma_wait3A_792 = arith.constant 2 : i32
    %dma_wait3A_793 = arith.constant 2 : i32
    %dma_wait3A_794 = arith.constant 0 : i32
    %dma_wait3A_795 = arith.constant 0 : i32
    %dma_wait3A_796 = tpu.memref_slice %arg5[%dma_wait3A_792, %dma_wait3A_794, %dma_wait3A_795] : memref<4x128x64xf32, #tpu.memory_space<vmem>> -> memref<1x128x64xf32, #tpu.memory_space<vmem>>
    %dma_wait3A_797 = tpu.memref_squeeze %dma_wait3A_796 : memref<1x128x64xf32, #tpu.memory_space<vmem>> -> memref<128x64xf32, #tpu.memory_space<vmem>>
    %dma_wait3A_798 = arith.constant 0 : i32
    %dma_wait3A_799 = tpu.memref_slice %arg4[%add3A_690, %dma_wait3A_798] : memref<32768x64xf32, #tpu.memory_space<hbm>> -> memref<128x64xf32, #tpu.memory_space<hbm>>
    %dma_wait3A_800 = tpu.memref_slice %arg9[%dma_wait3A_793] : memref<4x!tpu.dma_semaphore, #tpu.memory_space<semaphore_mem>> -> memref<1x!tpu.dma_semaphore, #tpu.memory_space<semaphore_mem>>
    %dma_wait3A_801 = tpu.memref_squeeze %dma_wait3A_800 : memref<1x!tpu.dma_semaphore, #tpu.memory_space<semaphore_mem>> -> memref<!tpu.dma_semaphore, #tpu.memory_space<semaphore_mem>>
    %dma_wait3A_802 = arith.constant 0 : i32
    %dma_wait3A_803 = tpu.memref_slice %arg4[%add3A_690, %dma_wait3A_802] : memref<32768x64xf32, #tpu.memory_space<hbm>> -> memref<128x64xf32, #tpu.memory_space<hbm>>
    %dma_wait3A_804 = arith.constant 0 : i32
    %dma_wait3A_805 = arith.constant 0 : i32
    %dma_wait3A_806 = tpu.memref_slice %arg5[%dma_wait3A_792, %dma_wait3A_804, %dma_wait3A_805] : memref<4x128x64xf32, #tpu.memory_space<vmem>> -> memref<1x128x64xf32, #tpu.memory_space<vmem>>
    %dma_wait3A_807 = tpu.memref_squeeze %dma_wait3A_806 : memref<1x128x64xf32, #tpu.memory_space<vmem>> -> memref<128x64xf32, #tpu.memory_space<vmem>>
    tpu.wait_dma2 semaphore(%dma_wait3A_801 : memref<!tpu.dma_semaphore, #tpu.memory_space<semaphore_mem>>) src(%dma_wait3A_807 : memref<128x64xf32, #tpu.memory_space<vmem>>) dst(%dma_wait3A_803 : memref<128x64xf32, #tpu.memory_space<hbm>>)
    %dma_wait3A_808 = arith.constant 3 : i32
    %dma_wait3A_809 = arith.constant 3 : i32
    %dma_wait3A_810 = arith.constant 0 : i32
    %dma_wait3A_811 = arith.constant 0 : i32
    %dma_wait3A_812 = tpu.memref_slice %arg5[%dma_wait3A_808, %dma_wait3A_810, %dma_wait3A_811] : memref<4x128x64xf32, #tpu.memory_space<vmem>> -> memref<1x128x64xf32, #tpu.memory_space<vmem>>
    %dma_wait3A_813 = tpu.memref_squeeze %dma_wait3A_812 : memref<1x128x64xf32, #tpu.memory_space<vmem>> -> memref<128x64xf32, #tpu.memory_space<vmem>>
    %dma_wait3A_814 = arith.constant 0 : i32
    %dma_wait3A_815 = tpu.memref_slice %arg4[%add3A_743, %dma_wait3A_814] : memref<32768x64xf32, #tpu.memory_space<hbm>> -> memref<128x64xf32, #tpu.memory_space<hbm>>
    %dma_wait3A_816 = tpu.memref_slice %arg9[%dma_wait3A_809] : memref<4x!tpu.dma_semaphore, #tpu.memory_space<semaphore_mem>> -> memref<1x!tpu.dma_semaphore, #tpu.memory_space<semaphore_mem>>
    %dma_wait3A_817 = tpu.memref_squeeze %dma_wait3A_816 : memref<1x!tpu.dma_semaphore, #tpu.memory_space<semaphore_mem>> -> memref<!tpu.dma_semaphore, #tpu.memory_space<semaphore_mem>>
    %dma_wait3A_818 = arith.constant 0 : i32
    %dma_wait3A_819 = tpu.memref_slice %arg4[%add3A_743, %dma_wait3A_818] : memref<32768x64xf32, #tpu.memory_space<hbm>> -> memref<128x64xf32, #tpu.memory_space<hbm>>
    %dma_wait3A_820 = arith.constant 0 : i32
    %dma_wait3A_821 = arith.constant 0 : i32
    %dma_wait3A_822 = tpu.memref_slice %arg5[%dma_wait3A_808, %dma_wait3A_820, %dma_wait3A_821] : memref<4x128x64xf32, #tpu.memory_space<vmem>> -> memref<1x128x64xf32, #tpu.memory_space<vmem>>
    %dma_wait3A_823 = tpu.memref_squeeze %dma_wait3A_822 : memref<1x128x64xf32, #tpu.memory_space<vmem>> -> memref<128x64xf32, #tpu.memory_space<vmem>>
    tpu.wait_dma2 semaphore(%dma_wait3A_817 : memref<!tpu.dma_semaphore, #tpu.memory_space<semaphore_mem>>) src(%dma_wait3A_823 : memref<128x64xf32, #tpu.memory_space<vmem>>) dst(%dma_wait3A_819 : memref<128x64xf32, #tpu.memory_space<hbm>>)
    return
  }
}

</mosaic_0001>

<sc_bundles>
// kernel: _sc_add.3.cloned.1.call-start
scs
__scs_entry_jumppad:
0x0: {  	(pc) =	sbr.rel $0x88, $3  }
0x1: {  	(tag) =	ssettag $0x0;
	lr =	simm.s32 $0x1  }
0x2: {  	[smem:$0x3F9F] =	sst lr;
	_ =	strace $0xD0000000  }
0x3: {  	_ = 	snop  }
0x4: {  	_ = 	snop  }
0x5: {  	_ = 	snop  }
0x6: {  	_ = 	snop  }
0x7: {  	_ = 	snop  }
__scs_overlays_trampoline_lowered:
0x8: {  	[smem:$0x3FAE] =	sst s0  }
0x9: {  	[smem:$0x3FAF] =	sst s1  }
0xa: {  	[smem:$0x3FB0] =	sst s2  }
0xb: {  	[smem:$0x3FB1] =	sst s3  }
0xc: {  	[smem:$0x3FB2] =	sst s4  }
0xd: {  	[smem:$0x3FB3] =	sst s5  }
0xe: {  	[smem:$0x3FB4] =	sst s6  }
0xf: {  	[smem:$0x3FB5] =	sst s7  }
0x10: {  	[smem:$0x3FB6] =	sst s8  }
0x11: {  	[smem:$0x3FB7] =	sst s9;
	s0 =	simm.s32 @!p0 $0x0  }
0x12: {  	s1 =	sld [smem:$0x3F9D];
	s0 =	simm.s32 @p0 $0x1  }
0x13: {  	[smem:$0x3FB8] =	sst s0;
	s0 =	simm.s32 @!p1 $0x0  }
0x14: {  	s2 =	sld [smem:$0x3F9C];
	s0 =	simm.s32 @p1 $0x1  }
0x15: {  	[smem:$0x3FB9] =	sst s0;
	s0 =	simm.s32 @!p2 $0x0  }
0x16: {  	s3 =	sld [smem:$0x3FDB];
	s0 =	simm.s32 @p2 $0x1  }
0x17: {  	s4 =	simm.s32 $0x1BF5;
	[smem:$0x3FBB] =	sst s0  }
0x18: {  	s0 =	sld [smem:$0x3F9E];
	_ =	swait.ge [sflag:s4], $0x0  }
0x19: {  	s7 =	sld [smem:$0x3F9F]  }
0x1a: {  	s8 =	sadd.s32 $0xFFFFE003, lr  }
0x1b: {  	s9 =	sadd.s32 $0xFFFFFEF7, lr;
	s5 =	simm.s32 $0xFFFFFFFF;
	p2 =	slt.u32 s8, $0xFFFFF086  }
0x1c: {  	p1 =	slt.u32 s9, $0xF7A;
	s5 =	simm.s32 @!p2 $0x0  }
0x1d: {  	s5 =	simm.s32 @p1 $0x1;
	p0 =	seq.s32 s7, s2  }
0x1e: {  	s7 =	smul.u32 @!p0 $0xF7A, s2;
	p2 =	seq.s32 @!p0 s5, $0x0  }
0x1f: {  	s9 =	smul.u32 $0xF7A, s1;
	s8 =	simm.s32 @!p0 $0x1BF5;
	p2 =	por !p2, p0  }
0x20: {  	[sflag:s8] =	ssyncset.s32 @!p0 $0xFFFFF086;
	s6 =	sadd.s32 @!p0 s3, s7;
	s7 =	simm.s32 @!p0 $0x108  }
0x21: {  	s3 =	sadd.s32 s3, s9;
	s6 =	sadd.s32 @!p0 $0x88, s6;
	s7 =	simm.s32 @p2 $0x1082  }
0x22: {  	[simem:s7], [sflag:s8] =	dma.local @!p0 [hbm:s6], $0xF7A  }
0x23: {  	s9 =	sor.u32 $0xD0000000, s2;
	s6 =	simm.s32 $0x108;
	_ =	swait.ge @!p0 [sflag:s8], $0x0  }
0x24: {  	s3 =	sadd.s32 $0x88, s3;
	s6 =	simm.s32 @!p1 $0x1082;
	[sflag:s4] =	ssyncset.s32 $0xFFFFF086  }
0x25: {  	[simem:s6], [sflag:s4] =	dma.local [hbm:s3], $0xF7A  }
0x26: {  	[smem:$0x3F9F] =	sst s1;
	(tag) =	ssettag s2;
	_ =	strace s9  }
0x27: {  	s1 =	sld [smem:$0x3FAF]  }
0x28: {  	s2 =	sld [smem:$0x3FB0]  }
0x29: {  	s4 =	sld [smem:$0x3FB2]  }
0x2a: {  	p0 =	seq.s32 s5, $0x0;
	s5 =	sld [smem:$0x3FB3]  }
0x2b: {  	s6 =	sld [smem:$0x3FB4]  }
0x2c: {  	s7 =	sld [smem:$0x3FB5]  }
0x2d: {  	s3 =	simm.s32 $0x108;
	s8 =	sld [smem:$0x3FB6]  }
0x2e: {  	s3 =	simm.s32 @!p0 $0x1082;
	s9 =	sld [smem:$0x3FB7]  }
0x2f: {  	lr =	sadd.s32 s0, s3;
	s0 =	sld [smem:$0x3FAE]  }
0x30: {  	s3 =	sld [smem:$0x3FB1]  }
0x31: {  	[smem:$0x3FBA] =	sst s10  }
0x32: {  	s10 =	sld [smem:$0x3FB8];
	_ =	sdelay $0x3  }
0x33: {  	p0 =	seq.s32 s10, $0x1;
	s10 =	sld [smem:$0x3FBA];
	_ =	sdelay $0x3  }
0x34: {  	[smem:$0x3FBA] =	sst s10  }
0x35: {  	s10 =	sld [smem:$0x3FB9];
	_ =	sdelay $0x3  }
0x36: {  	p1 =	seq.s32 s10, $0x1;
	s10 =	sld [smem:$0x3FBA];
	_ =	sdelay $0x3  }
0x37: {  	[smem:$0x3FBA] =	sst s10  }
0x38: {  	s10 =	sld [smem:$0x3FBB]  }
0x39: {  	_ = 	snop;
	(pc) =	sbr.ind lr, $3  }
0x3a: {  	_ = 	snop  }
0x3b: {  	_ = 	snop  }
0x3c: {  	p2 =	seq.s32 s10, $0x1;
	s10 =	sld [smem:$0x3FBA]  }
0x3d: {  	_ =	shalt  }
0x3e: {  	_ =	shalt  }
0x3f: {  	_ =	shalt  }
0x40: {  	_ =	shalt  }
0x41: {  	_ =	shalt  }
0x42: {  	_ =	shalt  }
0x43: {  	_ =	shalt  }
0x44: {  	_ =	shalt  }
0x45: {  	_ =	shalt  }
0x46: {  	_ =	shalt  }
0x47: {  	_ =	shalt  }
0x48: {  	_ =	shalt  }
0x49: {  	_ =	shalt  }
0x4a: {  	_ =	shalt  }
0x4b: {  	_ =	shalt  }
0x4c: {  	_ =	shalt  }
0x4d: {  	_ =	shalt  }
0x4e: {  	_ =	shalt  }
0x4f: {  	_ =	shalt  }
0x50: {  	_ =	shalt  }
0x51: {  	_ =	shalt  }
0x52: {  	_ =	shalt  }
0x53: {  	_ =	shalt  }
0x54: {  	_ =	shalt  }
0x55: {  	_ =	shalt  }
0x56: {  	_ =	shalt  }
0x57: {  	_ =	shalt  }
0x58: {  	_ =	shalt  }
0x59: {  	_ =	shalt  }
0x5a: {  	_ =	shalt  }
0x5b: {  	_ =	shalt  }
0x5c: {  	_ =	shalt  }
0x5d: {  	_ =	shalt  }
0x5e: {  	_ =	shalt  }
0x5f: {  	_ =	shalt  }
0x60: {  	_ =	shalt  }
0x61: {  	_ =	shalt  }
0x62: {  	_ =	shalt  }
0x63: {  	_ =	shalt  }
0x64: {  	_ =	shalt  }
0x65: {  	_ =	shalt  }
0x66: {  	_ =	shalt  }
0x67: {  	_ =	shalt  }
0x68: {  	_ =	shalt  }
0x69: {  	_ =	shalt  }
0x6a: {  	_ =	shalt  }
0x6b: {  	_ =	shalt  }
0x6c: {  	_ =	shalt  }
0x6d: {  	_ =	shalt  }
0x6e: {  	_ =	shalt  }
0x6f: {  	_ =	shalt  }
0x70: {  	_ =	shalt  }
0x71: {  	_ =	shalt  }
0x72: {  	_ =	shalt  }
0x73: {  	_ =	shalt  }
0x74: {  	_ =	shalt  }
0x75: {  	_ =	shalt  }
0x76: {  	_ =	shalt  }
0x77: {  	_ =	shalt  }
0x78: {  	_ =	shalt  }
0x79: {  	_ =	shalt  }
0x7a: {  	_ =	shalt  }
0x7b: {  	_ =	shalt  }
0x7c: {  	_ =	shalt  }
0x7d: {  	_ =	shalt  }
0x7e: {  	_ =	shalt  }
0x7f: {  	_ =	shalt  }
0x80: {  	_ =	shalt  }
0x81: {  	_ =	shalt  }
0x82: {  	_ =	shalt  }
0x83: {  	_ =	shalt  }
0x84: {  	_ =	shalt  }
0x85: {  	_ =	shalt  }
0x86: {  	_ =	shalt  }
0x87: {  	_ =	shalt  }
.Lfunc_end0:
.L_simem_size_0:
called_computation_lowered:
.L_overlay_start_0:
0x88: {  	s2 =	sld [smem:$0x3FD9]  }
0x89: {  	s3 =	sld [smem:$0x3FFE];
	_ =	sdelay $0x1  }
0x8a: {  	s1 =	srdreg.scid  }
0x8b: {  	s0 =	sand.u32 $0x1, s1  }
0x8c: {  	s16 =	sshll.u32 s0, $0xA;
	s2 =	sadd.s32 s3, s2  }
0x8d: {  	s2 =	sadd.s32 s2, s16  }
0x8e: {  	[smem:$0x3FC6] =	sst s2  }
0x8f: {  	_ = 	snop  }
0x90: {  	(tm) =	ssettm $0x1  }
0x91: {  	s17 =	sld [smem:$0x3FFB];
	_ =	sdelay $0x3  }
0x92: {  	_ =	strace s17  }
0x93: {  	s2 =	sld [smem:$0x3FFC];
	_ =	sdelay $0x3  }
0x94: {  	_ =	strace s2  }
0x95: {  	s2 =	sld [smem:$0x3FFD];
	_ =	sdelay $0x3  }
0x96: {  	_ =	strace s2  }
0x97: {  	_ =	strace $0x8FFFFFFF  }
0x98: {  	s18 =	sld [smem:$0x3FDB];
	_ =	sdelay $0x1  }
0x99: {  	s19 =	simm.s32 $_scs_section_size  }
0x9a: {  	s4 =	simm.s32 $_size__tile_overlayer_lowered;
	s5 =	simm.s32 $_tile_overlayer_lowered  }
0x9b: {  	s22 =	simm.s32 $0x1BFF;
	s21 =	sshll.u32 s5, $0x1;
	s2 =	sadd.s32 s19, s18  }
0x9c: {  	s6 =	simm.s32 $0x0;
	s20 =	sshll.u32 s4, $0x1;
	s4 =	sadd.s32 s21, s2  }
0x9d: {  	[timem:s6], [sflag:s22] =	dma.local [hbm:s4], s20  }
0x9e: {  	_ =	swait.ge [sflag:s22], s20  }
0x9f: {  	s3 =	ssub.s32 $0x0, s20;
	[sflag:s22] =	ssyncset.done $0x0  }
0xa0: {  	[sflag:s22] =	ssyncadd.s32 s3;
	_ =	sdelay $0x1  }
0xa1: {  	s23 =	simm.s32 $0x1B8B  }
0xa2: {  	_ =	swait.ge [sflag:s23], $0x1  }
0xa3: {  	[sflag:s23] =	ssyncset.done $0x0  }
0xa4: {  	s25 =	simm.s32 $0x1B8E;
	s24 =	sld [smem:$0x3FFE];
	[sflag:s23] =	ssyncadd.s32 $0xFFFFFFFF  }
0xa5: {  	s26 =	simm.s32 $execute0_lowered;
	[smem:$0x3FD2] =	sst s25  }
0xa6: {  	s4 =	sshll.u32 s26, $0x1;
	_ =	strace $0x80000046;
	[dreg:$0x1] =	wrdreg $0xFFFFFFFF  }
0xa7: {  	s28 =	simm.s32 $_size_execute0_lowered;
	s2 =	sadd.s32 s2, s4;
	[dreg:$0x0] =	wrdreg $0x0  }
0xa8: {  	s4 =	sshll.u32 s28, $0x1;
	[dreg:$0x2] =	wrdreg s2  }
0xa9: {  	[dreg:$0x3] =	wrdreg s4  }
0xaa: {  	[dreg:$0x4] =	wrdreg $0xC0  }
0xab: {  	_ =	task [dreg:s6], $0x5FFFF  }
0xac: {  	[dreg:$0x1] =	wrdreg $0xFFFFFFFF  }
0xad: {  	[dreg:$0x0] =	wrdreg $0x60  }
0xae: {  	[dreg:$0x2] =	wrdreg s24  }
0xaf: {  	[dreg:$0x3] =	wrdreg $0x9  }
0xb0: {  	_ =	task.clear_ibuf [dreg:s6], $0x4FFFF;
	_ =	strace $0x90000046  }
0xb1: {  	s29 =	simm.s32 $0x9;
	_ =	strace $0x80000048  }
0xb2: {  	_ =	swait.ge [sflag:s29], $0x1  }
0xb3: {  	[sflag:s29] =	ssyncadd.s32 $0xFFFFFFFF  }
0xb4: {  	_ =	strace $0x90000048  }
0xb5: {  	_ =	sfence  }
0xb6: {  	s30 =	sld [smem:$0x0];
	_ =	sdelay $0x2  }
0xb7: {  	s31 =	sshll.u32 s1, $0xD;
	s1 =	sshrl.u32 s1, $0x2  }
0xb8: {  	s3 =	sand.u32 $0x4000, s31;
	s1 =	sadd.s32 s1, s30  }
0xb9: {  	s0 =	sor.u32 s3, s0;
	s1 =	sshll.u32 s1, $0x11  }
0xba: {  	s0 =	sor.u32 s1, s0  }
0xbb: {  	s0 =	sadd.s32 $0x8F2B, s0  }
0xbc: {  	[sflag:s0] =	ssyncadd.remote.s32 $0x1  }
0xbd: {  	_ =	sfence.sel $0xFFFF  }
0xbe: {  	[dreg:$0x0] =	wrdreg $0xFFFFFFFF;
	(pc) =	sbr.abs _section_cstart, $3  }
0xbf: {  	[dreg:$0x1] =	wrdreg $0xFFFFFFFF  }
0xc0: {  	_ =	task.clear_ibuf [dreg:s6], $0x2FFFF;
	_ =	strace $0x9FFFFFFF  }
0xc1: {  	(tm) =	ssettm $0x7FFFFFFF  }
tec
execute0_lowered:
.L_overlay_start_1:
0x0: {  	(tag) =	ssettag $0x1  }
0x1: {  	s1 =	rddreg [dreg:$0x0]  }
0x2: {  	s0 =	simm.s32 $0x0;
	s2 =	srdreg.scid;
	s7 =	stileid.u32  }
0x3: {  	s30 =	simm.s32 $0x4000;
	s29 =	simm.s32 $0xC000;
	s31 =	simm.s32 $0x5  }
0x4: {  	[smem:$0x7FF] =	sst s0;
	s3 =	sadd.s32 $0xC00, s1;
	s2 =	sand.u32 $0x1, s2  }
0x5: {  	s7 =	sshll.u32 s7, $0xF;
	s5 =	ssub.s32 $0x2, s2;
	s2 =	sshll.u32 s2, $0xE  }
0x6: {  	s4 =	sadd.s32 $0x80C00, s1;
	s1 =	sadd.s32 $0x100C00, s1;
	s2 =	sor.u32 s2, s7  }
0x7: {  	s6 =	sshrl.u32 s5, $0x1;
	s7 =	simm.s32 $0x7;
	s24 =	sadd.s32 s3, s2  }
0x8: {  	s25 =	sadd.s32 s4, s2;
	s26 =	sor.u32 $0x800, s2;
	[dreg:$0x2] =	wrdreg s24  }
0x9: {  	s5 =	ssub.s32 s5, s6;
	[dreg:$0x3] =	wrdreg s25;
	s10 =	sadd.s32 s3, s26  }
0xa: {  	s12 =	sor.u32 $0x1000, s2;
	s11 =	sadd.s32 s4, s26;
	[dreg:$0x4] =	wrdreg s10  }
0xb: {  	s14 =	sor.u32 $0x1800, s2;
	s8 =	sadd.s32 s3, s12;
	[dreg:$0x5] =	wrdreg s11  }
0xc: {  	s16 =	sor.u32 $0x2000, s2;
	s13 =	sadd.s32 s4, s12;
	[dreg:$0x6] =	wrdreg s8  }
0xd: {  	s18 =	sor.u32 $0x2800, s2;
	s9 =	sadd.s32 s3, s14;
	[dreg:$0x7] =	wrdreg s13  }
0xe: {  	s15 =	sadd.s32 s4, s14;
	s17 =	sadd.s32 s3, s16;
	[dreg:$0x8] =	wrdreg s9  }
0xf: {  	s6 =	sadd.s32 s1, s26;
	s23 =	sadd.s32 s3, s18;
	[dreg:$0x9] =	wrdreg s15  }
0x10: {  	s24 =	sadd.s32 s1, s12;
	s25 =	sor.u32 $0x3000, s2;
	[dreg:$0xb] =	wrdreg s17  }
0x11: {  	s20 =	sadd.s32 s4, s18;
	s28 =	smax.u32 s5, $0x1;
	[dreg:$0xd] =	wrdreg s6  }
0x12: {  	s5 =	simm.s32 $0xA;
	s12 =	simm.s32 $0x0;
	[dreg:$0xe] =	wrdreg s23  }
0x13: {  	s10 =	sadd.s32 s1, s2;
	s11 =	sadd.s32 s4, s16;
	[dreg:$0xf] =	wrdreg s24  }
0x14: {  	s2 =	sor.u32 $0x3800, s2;
	s26 =	sadd.s32 s3, s25;
	s17 =	sadd.s32 s1, s14  }
0x15: {  	s21 =	sadd.s32 s4, s25;
	s23 =	sadd.s32 s1, s16;
	s24 =	sadd.s32 s1, s18  }
0x16: {  	s25 =	sadd.s32 s1, s25;
	s18 =	simm.s32 $0x8000;
	[dreg:$0xa] =	wrdreg s10  }
0x17: {  	s6 =	simm.s32 $0x3;
	s8 =	simm.s32 $0xB;
	[dreg:$0xc] =	wrdreg s11  }
0x18: {  	s9 =	simm.s32 $0x4;
	[dreg:$0x10] =	wrdreg s26;
	s19 =	sadd.s32 s3, s2  }
0x19: {  	s22 =	sadd.s32 s4, s2;
	s26 =	sadd.s32 s1, s2;
	s1 =	simm.s32 $0x1  }
0x1a: {  	s2 =	simm.s32 $0x9;
	s3 =	simm.s32 $0x2;
	s4 =	simm.s32 $0x6  }
0x1b: {  	s10 =	simm.s32 $0x8;
	s11 =	simm.s32 $0xC;
	_ =	strace $0x80000047  }
.LBB2_1:
0x1c: {  	s13 =	rddreg [dreg:$0x2]  }
0x1d: {  	[tilespmem:s0], [sflag:$0x1] =	stream.linear.gather [hbm4b:s13+s0], $0x4000, $0x38;
	v63 =	vld [tilespmem:$0x0]  }
0x1e: {  	s16 =	rddreg [dreg:$0x3];
	s14 =	simm.s32 $0x10000  }
0x1f: {  	[tilespmem:s14], [sflag:$0x5] =	stream.linear.gather [hbm4b:s16+s0], $0x4000, $0x38;
	v63 =	vld [tilespmem:$0x0]  }
0x20: {  	s14 =	rddreg [dreg:$0x4]  }
0x21: {  	[tilespmem:s30], [sflag:$0x2] =	stream.linear.gather [hbm4b:s14+s0], $0x4000, $0x38;
	v63 =	vld [tilespmem:$0x0]  }
0x22: {  	s15 =	rddreg [dreg:$0x5];
	s16 =	simm.s32 $0x14000  }
0x23: {  	[tilespmem:s16], [sflag:$0x6] =	stream.linear.gather [hbm4b:s15+s0], $0x4000, $0x38;
	v63 =	vld [tilespmem:$0x0]  }
0x24: {  	s14 =	rddreg [dreg:$0x6]  }
0x25: {  	[tilespmem:s18], [sflag:$0x3] =	stream.linear.gather [hbm4b:s14+s0], $0x4000, $0x38;
	v63 =	vld [tilespmem:$0x0]  }
0x26: {  	s15 =	rddreg [dreg:$0x7];
	s16 =	simm.s32 $0x18000  }
0x27: {  	[tilespmem:s16], [sflag:$0x7] =	stream.linear.gather [hbm4b:s15+s0], $0x4000, $0x38;
	v63 =	vld [tilespmem:$0x0]  }
0x28: {  	s14 =	rddreg [dreg:$0x8]  }
0x29: {  	[tilespmem:s29], [sflag:$0x4] =	stream.linear.gather [hbm4b:s14+s0], $0x4000, $0x38;
	v63 =	vld [tilespmem:$0x0]  }
0x2a: {  	s15 =	rddreg [dreg:$0x9];
	s16 =	simm.s32 $0x1C000  }
0x2b: {  	[tilespmem:s16], [sflag:$0x8] =	stream.linear.gather [hbm4b:s15+s0], $0x4000, $0x38;
	v63 =	vld [tilespmem:$0x0]  }
0x2c: {  	_ =	swait.ge [sflag:s1], $0x4000  }
0x2d: {  	[sflag:s1] =	ssyncset.done $0x0  }
0x2e: {  	[sflag:s1] =	ssyncadd.s32 $0xFFFFC000  }
0x2f: {  	_ =	swait.ge [sflag:s31], $0x4000  }
0x30: {  	[sflag:s31] =	ssyncset.done $0x0  }
0x31: {  	s13 =	simm.s32 $0x200;
	[sflag:s31] =	ssyncadd.s32 $0xFFFFC000  }
0x32: {  	s14 =	simm.s32 $0x10200;
	v0 =	vld [tilespmem:s13+$0x180]  }
0x33: {  	v1 =	vld [tilespmem:s14+$0x180]  }
0x34: {  	v2 =	vld [tilespmem:s14+$0xFFFFFE00]  }
0x35: {  	v3 =	vld [tilespmem:s13+$0xFFFFFE80]  }
0x36: {  	v4 =	vld [tilespmem:s13+$0xFFFFFF00]  }
0x37: {  	v6 =	vld [tilespmem:s14+$0xFFFFFF00]  }
0x38: {  	v7 =	vld [tilespmem:s13+$0xFFFFFF80]  }
0x39: {  	v8 =	vld [tilespmem:s14+$0xFFFFFF80]  }
0x3a: {  	v9 =	vld [tilespmem:s13+$0x0]  }
0x3b: {  	v10 =	vld [tilespmem:s14+$0x0]  }
0x3c: {  	v11 =	vld [tilespmem:s14+$0x80]  }
0x3d: {  	v59 =	vld [tilespmem:s13+$0xFFFFFF90]  }
0x3e: {  	v13 =	vld [tilespmem:s13+$0x10]  }
0x3f: {  	v60 =	vld [tilespmem:s13+$0xFFFFFFA0]  }
0x40: {  	v61 =	vld [tilespmem:s13+$0xA0];
	v0 =	vadd.f32 v1, v0  }
0x41: {  	v1 =	vld [tilespmem:s14+$0xFFFFFE80]  }
0x42: {  	[tilespmem:s13+$0x180] =	vst v0;
	v0 =	vld [tilespmem:s13+$0x190]  }
0x43: {  	v5 =	vld [tilespmem:s14+$0x190]  }
0x44: {  	v62 =	vld [tilespmem:s13+$0xFFFFFE30];
	v4 =	vadd.f32 v6, v4  }
0x45: {  	v6 =	vld [tilespmem:s14+$0x100]  }
0x46: {  	[tilespmem:s13+$0xFFFFFF00] =	vst v4;
	v4 =	vadd.f32 v10, v9;
	v10 =	vld [tilespmem:s13+$0xFFFFFE90];
	v1 =	vadd.f32 v1, v3  }
0x47: {  	v3 =	vld [tilespmem:s13+$0x100]  }
0x48: {  	[tilespmem:s13+$0xFFFFFE80] =	vst v1;
	v0 =	vadd.f32 v5, v0;
	v5 =	vld [tilespmem:s13+$0x80]  }
0x49: {  	v1 =	vadd.f32 v8, v7;
	v8 =	vld [tilespmem:s14+$0xFFFFFE90]  }
0x4a: {  	[tilespmem:s13+$0x190] =	vst v0;
	v0 =	vld [tilespmem:s13+$0x1A0]  }
0x4b: {  	[tilespmem:s13+$0x0] =	vst v4;
	v12 =	vld [tilespmem:s14+$0x1A0]  }
0x4c: {  	v9 =	vld [tilespmem:s14+$0x10]  }
0x4d: {  	v7 =	vld [tilespmem:s13+$0xFFFFFE00]  }
0x4e: {  	[tilespmem:s13+$0xFFFFFF80] =	vst v1;
	v1 =	vld [tilespmem:s14+$0xFFFFFF10]  }
0x4f: {  	v4 =	vld [tilespmem:s14+$0xFFFFFF90];
	v8 =	vadd.f32 v8, v10  }
0x50: {  	v5 =	vadd.f32 v11, v5;
	v11 =	vld [tilespmem:s13+$0xFFFFFF10];
	v0 =	vadd.f32 v12, v0  }
0x51: {  	v10 =	vld [tilespmem:s13+$0x110];
	[tilespmem:s13+$0xFFFFFE90] =	vst v8  }
0x52: {  	v8 =	vld [tilespmem:s14+$0xFFFFFEA0];
	[tilespmem:s13+$0x1A0] =	vst v0;
	v0 =	vadd.f32 v2, v7  }
0x53: {  	[tilespmem:s13+$0x80] =	vst v5;
	v7 =	vld [tilespmem:s13+$0x1B0];
	v2 =	vadd.f32 v6, v3  }
0x54: {  	v5 =	vld [tilespmem:s14+$0x1B0];
	[tilespmem:s13+$0xFFFFFE00] =	vst v0  }
0x55: {  	v1 =	vadd.f32 v1, v11;
	[tilespmem:s13+$0x100] =	vst v2;
	v2 =	vld [tilespmem:s13+$0xFFFFFE10]  }
0x56: {  	v3 =	vld [tilespmem:s14+$0xFFFFFE10]  }
0x57: {  	[tilespmem:s13+$0xFFFFFF10] =	vst v1;
	v1 =	vadd.f32 v9, v13;
	v6 =	vld [tilespmem:s14+$0x110]  }
0x58: {  	v4 =	vadd.f32 v4, v59;
	v0 =	vld [tilespmem:s14+$0x90]  }
0x59: {  	v9 =	vld [tilespmem:s14+$0xFFFFFF20];
	[tilespmem:s13+$0x10] =	vst v1  }
0x5a: {  	[tilespmem:s13+$0xFFFFFF90] =	vst v4;
	v4 =	vld [tilespmem:s14+$0x20]  }
0x5b: {  	v2 =	vadd.f32 v3, v2;
	v3 =	vld [tilespmem:s13+$0x90]  }
0x5c: {  	v1 =	vadd.f32 v6, v10;
	v10 =	vld [tilespmem:s13+$0xFFFFFF20]  }
0x5d: {  	[tilespmem:s13+$0xFFFFFE10] =	vst v2;
	v2 =	vld [tilespmem:s13+$0xFFFFFE20]  }
0x5e: {  	v11 =	vld [tilespmem:s14+$0xFFFFFE20]  }
0x5f: {  	v5 =	vadd.f32 v5, v7;
	[tilespmem:s13+$0x110] =	vst v1;
	v1 =	vld [tilespmem:s13+$0xFFFFFEA0]  }
0x60: {  	v7 =	vld [tilespmem:s13+$0x30]  }
0x61: {  	[tilespmem:s13+$0x1B0] =	vst v5;
	v5 =	vld [tilespmem:s13+$0xB0]  }
0x62: {  	v6 =	vld [tilespmem:s14+$0x120]  }
0x63: {  	v0 =	vadd.f32 v0, v3;
	v3 =	vld [tilespmem:s14+$0xFFFFFFA0];
	v2 =	vadd.f32 v11, v2  }
0x64: {  	v1 =	vadd.f32 v8, v1;
	v8 =	vadd.f32 v9, v10;
	v9 =	vld [tilespmem:s13+$0xFFFFFF30]  }
0x65: {  	[tilespmem:s13+$0xFFFFFE20] =	vst v2;
	v2 =	vld [tilespmem:s13+$0x120]  }
0x66: {  	[tilespmem:s13+$0x90] =	vst v0;
	v11 =	vld [tilespmem:s13+$0x20]  }
0x67: {  	v0 =	vld [tilespmem:s14+$0xA0];
	[tilespmem:s13+$0xFFFFFEA0] =	vst v1  }
0x68: {  	[tilespmem:s13+$0xFFFFFF20] =	vst v8;
	v8 =	vld [tilespmem:s13+$0xFFFFFFB0]  }
0x69: {  	v1 =	vadd.f32 v3, v60;
	v14 =	vld [tilespmem:s14+$0xFFFFFEB0]  }
0x6a: {  	v10 =	vld [tilespmem:s14+$0xFFFFFE30];
	v6 =	vadd.f32 v6, v2  }
0x6b: {  	[tilespmem:s13+$0xFFFFFFA0] =	vst v1;
	v3 =	vadd.f32 v4, v11;
	v4 =	vld [tilespmem:s14+$0xFFFFFF30]  }
0x6c: {  	v0 =	vadd.f32 v0, v61;
	[tilespmem:s13+$0x120] =	vst v6;
	v6 =	vld [tilespmem:s13+$0xFFFFFEB0]  }
0x6d: {  	v1 =	vld [tilespmem:s14+$0xFFFFFFB0];
	[tilespmem:s13+$0x20] =	vst v3  }
0x6e: {  	[tilespmem:s13+$0xA0] =	vst v0;
	v2 =	vld [tilespmem:s14+$0x30]  }
0x6f: {  	v3 =	vld [tilespmem:s14+$0xB0];
	v10 =	vadd.f32 v10, v62  }
0x70: {  	v0 =	vld [tilespmem:s14+$0x130]  }
0x71: {  	s15 =	simm.s32 $0x0;
	s16 =	simm.s32 $0x600;
	[tilespmem:s13+$0xFFFFFE30] =	vst v10;
	v10 =	vadd.f32 v14, v6;
	v6 =	vld [tilespmem:s13+$0x130]  }
.LBB2_2:
0x72: {  	v11 =	vld [tilespmem:s16+$0x180];
	v4 =	vadd.f32 v4, v9;
	s14 =	sadd.s32 $0x400, s14  }
0x73: {  	s15 =	sadd.s32 $0x8, s15;
	v9 =	vld [tilespmem:s14+$0x180];
	[tilespmem:s13+$0xFFFFFEB0] =	vst v10;
	v1 =	vadd.f32 v1, v8  }
0x74: {  	p0 =	slt.u32 s15, $0x78;
	v8 =	vld [tilespmem:s14+$0xFFFFFE00];
	[tilespmem:s13+$0xFFFFFF30] =	vst v4;
	v2 =	vadd.f32 v2, v7  }
0x75: {  	v4 =	vld [tilespmem:s16+$0xFFFFFE80];
	[tilespmem:s13+$0xFFFFFFB0] =	vst v1;
	v1 =	vadd.f32 v3, v5  }
0x76: {  	v3 =	vld [tilespmem:s14+$0xFFFFFE80];
	[tilespmem:s13+$0x30] =	vst v2;
	v0 =	vadd.f32 v0, v6  }
0x77: {  	v2 =	vld [tilespmem:s16+$0xFFFFFF00];
	[tilespmem:s13+$0xB0] =	vst v1  }
0x78: {  	v1 =	vld [tilespmem:s14+$0xFFFFFF00];
	v5 =	vadd.f32 v9, v11;
	[tilespmem:s13+$0x130] =	vst v0;
	s13 =	smov.u32 s16  }
0x79: {  	v0 =	vld [tilespmem:s16+$0xFFFFFF80]  }
0x7a: {  	[tilespmem:s16+$0x180] =	vst v5;
	v5 =	vld [tilespmem:s16+$0x190]  }
0x7b: {  	v3 =	vadd.f32 v3, v4;
	v4 =	vld [tilespmem:s14+$0x190]  }
0x7c: {  	v6 =	vld [tilespmem:s14+$0xFFFFFF80]  }
0x7d: {  	[tilespmem:s16+$0xFFFFFE80] =	vst v3;
	v1 =	vadd.f32 v1, v2;
	v2 =	vld [tilespmem:s16+$0x0]  }
0x7e: {  	v3 =	vld [tilespmem:s14+$0x0]  }
0x7f: {  	[tilespmem:s16+$0xFFFFFF00] =	vst v1;
	v1 =	vld [tilespmem:s16+$0x80]  }
0x80: {  	v7 =	vld [tilespmem:s14+$0x80];
	v4 =	vadd.f32 v4, v5  }
0x81: {  	v0 =	vadd.f32 v6, v0;
	v5 =	vld [tilespmem:s16+$0x100]  }
0x82: {  	[tilespmem:s16+$0x190] =	vst v4;
	v4 =	vld [tilespmem:s16+$0x1A0]  }
0x83: {  	[tilespmem:s16+$0xFFFFFF80] =	vst v0;
	v0 =	vadd.f32 v3, v2;
	v2 =	vld [tilespmem:s14+$0x1A0]  }
0x84: {  	v3 =	vld [tilespmem:s14+$0x100]  }
0x85: {  	v6 =	vld [tilespmem:s16+$0xFFFFFE00];
	[tilespmem:s16+$0x0] =	vst v0;
	v0 =	vadd.f32 v7, v1  }
0x86: {  	v1 =	vld [tilespmem:s14+$0xFFFFFE90]  }
0x87: {  	v7 =	vld [tilespmem:s14+$0xFFFFFF10];
	[tilespmem:s16+$0x80] =	vst v0  }
0x88: {  	v0 =	vld [tilespmem:s14+$0xFFFFFF90];
	v2 =	vadd.f32 v2, v4  }
0x89: {  	v4 =	vld [tilespmem:s14+$0x10];
	v3 =	vadd.f32 v3, v5  }
0x8a: {  	v5 =	vadd.f32 v8, v6;
	[tilespmem:s16+$0x1A0] =	vst v2;
	v2 =	vld [tilespmem:s16+$0x1B0]  }
0x8b: {  	[tilespmem:s16+$0x100] =	vst v3;
	v3 =	vld [tilespmem:s14+$0x1B0]  }
0x8c: {  	[tilespmem:s16+$0xFFFFFE00] =	vst v5;
	v5 =	vld [tilespmem:s14+$0x90]  }
0x8d: {  	v6 =	vld [tilespmem:s14+$0xFFFFFE10]  }
0x8e: {  	v8 =	vld [tilespmem:s14+$0x110]  }
0x8f: {  	v9 =	vld [tilespmem:s16+$0xFFFFFE10]  }
0x90: {  	v10 =	vld [tilespmem:s16+$0xFFFFFE90];
	v2 =	vadd.f32 v3, v2  }
0x91: {  	v3 =	vld [tilespmem:s16+$0xFFFFFF10]  }
0x92: {  	v11 =	vld [tilespmem:s16+$0xFFFFFF90];
	[tilespmem:s16+$0x1B0] =	vst v2  }
0x93: {  	v2 =	vld [tilespmem:s16+$0x10]  }
0x94: {  	v6 =	vadd.f32 v6, v9;
	v9 =	vld [tilespmem:s16+$0x90]  }
0x95: {  	v1 =	vadd.f32 v1, v10;
	v10 =	vld [tilespmem:s16+$0x110]  }
0x96: {  	[tilespmem:s16+$0xFFFFFE10] =	vst v6;
	v6 =	vld [tilespmem:s16+$0xFFFFFE20];
	v3 =	vadd.f32 v7, v3  }
0x97: {  	v7 =	vld [tilespmem:s14+$0xFFFFFE20];
	[tilespmem:s16+$0xFFFFFE90] =	vst v1;
	v0 =	vadd.f32 v0, v11  }
0x98: {  	v1 =	vld [tilespmem:s14+$0xFFFFFEA0];
	[tilespmem:s16+$0xFFFFFF10] =	vst v3;
	v2 =	vadd.f32 v4, v2  }
0x99: {  	v3 =	vld [tilespmem:s14+$0xFFFFFF20];
	[tilespmem:s16+$0xFFFFFF90] =	vst v0;
	v0 =	vadd.f32 v5, v9  }
0x9a: {  	v4 =	vld [tilespmem:s14+$0xFFFFFFA0];
	[tilespmem:s16+$0x10] =	vst v2;
	v2 =	vadd.f32 v8, v10  }
0x9b: {  	v5 =	vld [tilespmem:s14+$0x20];
	[tilespmem:s16+$0x90] =	vst v0  }
0x9c: {  	v0 =	vadd.f32 v7, v6;
	v6 =	vld [tilespmem:s14+$0xA0];
	[tilespmem:s16+$0x110] =	vst v2  }
0x9d: {  	v2 =	vld [tilespmem:s14+$0x120]  }
0x9e: {  	[tilespmem:s16+$0xFFFFFE20] =	vst v0;
	v0 =	vld [tilespmem:s16+$0xFFFFFEA0]  }
0x9f: {  	v7 =	vld [tilespmem:s16+$0xFFFFFF20]  }
0xa0: {  	v8 =	vld [tilespmem:s16+$0xFFFFFFA0]  }
0xa1: {  	v9 =	vld [tilespmem:s16+$0x20]  }
0xa2: {  	v10 =	vld [tilespmem:s16+$0xA0]  }
0xa3: {  	v0 =	vadd.f32 v1, v0;
	v11 =	vld [tilespmem:s16+$0x120]  }
0xa4: {  	v12 =	vld [tilespmem:s14+$0xFFFFFE30];
	v1 =	vadd.f32 v3, v7  }
0xa5: {  	v3 =	vld [tilespmem:s16+$0xFFFFFE30];
	[tilespmem:s16+$0xFFFFFEA0] =	vst v0;
	v0 =	vadd.f32 v4, v8  }
0xa6: {  	v13 =	vld [tilespmem:s14+$0xFFFFFEB0];
	[tilespmem:s16+$0xFFFFFF20] =	vst v1;
	v5 =	vadd.f32 v5, v9  }
0xa7: {  	v4 =	vld [tilespmem:s14+$0xFFFFFF30];
	[tilespmem:s16+$0xFFFFFFA0] =	vst v0;
	v0 =	vadd.f32 v6, v10  }
0xa8: {  	v1 =	vld [tilespmem:s14+$0xFFFFFFB0];
	[tilespmem:s16+$0x20] =	vst v5;
	v5 =	vadd.f32 v2, v11  }
0xa9: {  	v2 =	vld [tilespmem:s14+$0x30];
	[tilespmem:s16+$0xA0] =	vst v0  }
0xaa: {  	v6 =	vadd.f32 v12, v3;
	v3 =	vld [tilespmem:s14+$0xB0];
	[tilespmem:s16+$0x120] =	vst v5  }
0xab: {  	v0 =	vld [tilespmem:s14+$0x130]  }
0xac: {  	[tilespmem:s16+$0xFFFFFE30] =	vst v6;
	v6 =	vld [tilespmem:s16+$0xFFFFFEB0]  }
.Ltmp0:
0xad: {  	v9 =	vld [tilespmem:s16+$0xFFFFFF30];
	(pc) =	sbr.rel @p0 .LBB2_2-.Ltmp0, $4  }
0xae: {  	v8 =	vld [tilespmem:s16+$0xFFFFFFB0]  }
0xaf: {  	v7 =	vld [tilespmem:s16+$0x30]  }
0xb0: {  	v5 =	vld [tilespmem:s16+$0xB0]  }
0xb1: {  	s16 =	sadd.s32 $0x400, s16;
	v10 =	vadd.f32 v13, v6;
	v6 =	vld [tilespmem:s13+$0x130]  }
0xb2: {  	v4 =	vadd.f32 v4, v9  }
0xb3: {  	[tilespmem:s13+$0xFFFFFEB0] =	vst v10;
	v1 =	vadd.f32 v1, v8  }
0xb4: {  	[tilespmem:s13+$0xFFFFFF30] =	vst v4;
	v2 =	vadd.f32 v2, v7  }
0xb5: {  	[tilespmem:s13+$0xFFFFFFB0] =	vst v1;
	v1 =	vadd.f32 v3, v5  }
0xb6: {  	[tilespmem:s13+$0x30] =	vst v2;
	v0 =	vadd.f32 v0, v6  }
0xb7: {  	[tilespmem:s13+$0xB0] =	vst v1  }
0xb8: {  	[tilespmem:s13+$0x130] =	vst v0  }
0xb9: {  	s13 =	simm.s32 $0x0;
	s14 =	rddreg [dreg:$0xa]  }
0xba: {  	[hbm4b:s14+s13] =	stream.linear.scatter [tilespmem:s13], [sflag:$0x9], $0x4000, $0x38;
	v63 =	vld [tilespmem:$0x0]  }
0xbb: {  	_ =	swait.ge [sflag:s2], $0x4000  }
0xbc: {  	[sflag:s2] =	ssyncset.done $0x0  }
0xbd: {  	s15 =	rddreg [dreg:$0xb];
	[sflag:s2] =	ssyncadd.s32 $0xFFFFC000  }
0xbe: {  	[tilespmem:s13], [sflag:$0x1] =	stream.linear.gather [hbm4b:s15+s13], $0x4000, $0x38;
	v63 =	vld [tilespmem:$0x0]  }
0xbf: {  	s16 =	rddreg [dreg:$0xc];
	s15 =	simm.s32 $0x10000  }
0xc0: {  	[tilespmem:s15], [sflag:$0x5] =	stream.linear.gather [hbm4b:s16+s13], $0x4000, $0x38;
	v63 =	vld [tilespmem:$0x0]  }
0xc1: {  	_ =	swait.ge [sflag:s3], $0x4000  }
0xc2: {  	[sflag:s3] =	ssyncset.done $0x0  }
0xc3: {  	[sflag:s3] =	ssyncadd.s32 $0xFFFFC000  }
0xc4: {  	_ =	swait.ge [sflag:s4], $0x4000  }
0xc5: {  	[sflag:s4] =	ssyncset.done $0x0  }
0xc6: {  	s13 =	simm.s32 $0x0;
	[sflag:s4] =	ssyncadd.s32 $0xFFFFC000  }
0xc7: {  	v0 =	vld [tilespmem:s13+$0x43B0]  }
0xc8: {  	v1 =	vld [tilespmem:s13+$0x143B0]  }
0xc9: {  	v2 =	vld [tilespmem:s13+$0x4000]  }
0xca: {  	v3 =	vld [tilespmem:s13+$0x14000]  }
0xcb: {  	v4 =	vld [tilespmem:s13+$0x4010]  }
0xcc: {  	v5 =	vld [tilespmem:s13+$0x14010]  }
0xcd: {  	v6 =	vld [tilespmem:s13+$0x4020]  }
0xce: {  	v7 =	vld [tilespmem:s13+$0x14020]  }
0xcf: {  	v47 =	vld [tilespmem:s13+$0x4030]  }
0xd0: {  	v48 =	vld [tilespmem:s13+$0x14030]  }
0xd1: {  	v49 =	vld [tilespmem:s13+$0x4080]  }
0xd2: {  	v11 =	vld [tilespmem:s13+$0x14080]  }
0xd3: {  	v12 =	vld [tilespmem:s13+$0x4090]  }
0xd4: {  	v13 =	vld [tilespmem:s13+$0x14090]  }
0xd5: {  	v14 =	vld [tilespmem:s13+$0x40A0]  }
0xd6: {  	v15 =	vld [tilespmem:s13+$0x140A0]  }
0xd7: {  	v16 =	vld [tilespmem:s13+$0x40B0]  }
0xd8: {  	v17 =	vld [tilespmem:s13+$0x140B0]  }
0xd9: {  	v18 =	vld [tilespmem:s13+$0x4100]  }
0xda: {  	v19 =	vld [tilespmem:s13+$0x14100]  }
0xdb: {  	v20 =	vld [tilespmem:s13+$0x4110]  }
0xdc: {  	v21 =	vld [tilespmem:s13+$0x14110]  }
0xdd: {  	v22 =	vld [tilespmem:s13+$0x4120]  }
0xde: {  	v23 =	vld [tilespmem:s13+$0x14120]  }
0xdf: {  	v24 =	vld [tilespmem:s13+$0x4130]  }
0xe0: {  	v25 =	vld [tilespmem:s13+$0x14130]  }
0xe1: {  	v26 =	vld [tilespmem:s13+$0x4180]  }
0xe2: {  	v27 =	vld [tilespmem:s13+$0x14180]  }
0xe3: {  	v28 =	vld [tilespmem:s13+$0x4190]  }
0xe4: {  	v29 =	vld [tilespmem:s13+$0x14190]  }
0xe5: {  	v30 =	vld [tilespmem:s13+$0x41A0]  }
0xe6: {  	v31 =	vld [tilespmem:s13+$0x141A0]  }
0xe7: {  	v32 =	vld [tilespmem:s13+$0x41B0]  }
0xe8: {  	v50 =	vld [tilespmem:s13+$0x14220];
	v0 =	vadd.f32 v1, v0  }
0xe9: {  	v51 =	vld [tilespmem:s13+$0x4230];
	v2 =	vadd.f32 v3, v2  }
0xea: {  	v52 =	vld [tilespmem:s13+$0x14230];
	[tilespmem:s13+$0x43B0] =	vst v0;
	v0 =	vadd.f32 v5, v4  }
0xeb: {  	v53 =	vld [tilespmem:s13+$0x4280];
	[tilespmem:s13+$0x4000] =	vst v2;
	v2 =	vadd.f32 v7, v6  }
0xec: {  	v54 =	vld [tilespmem:s13+$0x14280];
	[tilespmem:s13+$0x4010] =	vst v0;
	v0 =	vadd.f32 v48, v47  }
0xed: {  	v55 =	vld [tilespmem:s13+$0x4290];
	[tilespmem:s13+$0x4020] =	vst v2;
	v2 =	vadd.f32 v11, v49  }
0xee: {  	v56 =	vld [tilespmem:s13+$0x14290];
	[tilespmem:s13+$0x4030] =	vst v0;
	v0 =	vadd.f32 v13, v12  }
0xef: {  	v57 =	vld [tilespmem:s13+$0x42A0];
	[tilespmem:s13+$0x4080] =	vst v2;
	v2 =	vadd.f32 v15, v14  }
0xf0: {  	v58 =	vld [tilespmem:s13+$0x142A0];
	[tilespmem:s13+$0x4090] =	vst v0;
	v0 =	vadd.f32 v17, v16  }
0xf1: {  	v1 =	vld [tilespmem:s13+$0x141B0];
	[tilespmem:s13+$0x40A0] =	vst v2;
	v2 =	vadd.f32 v19, v18  }
0xf2: {  	v3 =	vld [tilespmem:s13+$0x4200];
	[tilespmem:s13+$0x40B0] =	vst v0;
	v0 =	vadd.f32 v21, v20  }
0xf3: {  	v4 =	vld [tilespmem:s13+$0x14200];
	[tilespmem:s13+$0x4100] =	vst v2;
	v2 =	vadd.f32 v23, v22  }
0xf4: {  	v5 =	vld [tilespmem:s13+$0x4210];
	[tilespmem:s13+$0x4110] =	vst v0;
	v0 =	vadd.f32 v25, v24  }
0xf5: {  	v6 =	vld [tilespmem:s13+$0x14210];
	[tilespmem:s13+$0x4120] =	vst v2;
	v2 =	vadd.f32 v27, v26  }
0xf6: {  	v7 =	vld [tilespmem:s13+$0x4220];
	[tilespmem:s13+$0x4130] =	vst v0;
	v0 =	vadd.f32 v29, v28  }
0xf7: {  	v59 =	vld [tilespmem:s13+$0x42B0];
	[tilespmem:s13+$0x4180] =	vst v2;
	v2 =	vadd.f32 v31, v30  }
0xf8: {  	v60 =	vld [tilespmem:s13+$0x14320];
	[tilespmem:s13+$0x4190] =	vst v0;
	v0 =	vadd.f32 v1, v32  }
0xf9: {  	v1 =	vld [tilespmem:s13+$0x142B0];
	[tilespmem:s13+$0x41A0] =	vst v2;
	v2 =	vadd.f32 v4, v3  }
0xfa: {  	v3 =	vld [tilespmem:s13+$0x4300];
	[tilespmem:s13+$0x41B0] =	vst v0;
	v0 =	vadd.f32 v6, v5  }
0xfb: {  	v4 =	vld [tilespmem:s13+$0x14300];
	[tilespmem:s13+$0x4200] =	vst v2;
	v2 =	vadd.f32 v50, v7  }
0xfc: {  	v5 =	vld [tilespmem:s13+$0x4310];
	[tilespmem:s13+$0x4210] =	vst v0;
	v0 =	vadd.f32 v52, v51  }
0xfd: {  	v6 =	vld [tilespmem:s13+$0x14310];
	[tilespmem:s13+$0x4220] =	vst v2;
	v2 =	vadd.f32 v54, v53  }
0xfe: {  	v7 =	vld [tilespmem:s13+$0x4320];
	v1 =	vadd.f32 v1, v59;
	[tilespmem:s13+$0x4230] =	vst v0  }
0xff: {  	v61 =	vld [tilespmem:s13+$0x4330];
	v0 =	vadd.f32 v56, v55;
	[tilespmem:s13+$0x4280] =	vst v2  }
0x100: {  	v62 =	vld [tilespmem:s13+$0x14330];
	v2 =	vadd.f32 v58, v57;
	[tilespmem:s13+$0x42B0] =	vst v1  }
0x101: {  	v3 =	vadd.f32 v4, v3;
	[tilespmem:s13+$0x4290] =	vst v0;
	v0 =	vld [tilespmem:s13+$0x4380]  }
0x102: {  	v4 =	vadd.f32 v6, v5;
	[tilespmem:s13+$0x42A0] =	vst v2;
	v2 =	vld [tilespmem:s13+$0x14380]  }
0x103: {  	[tilespmem:s13+$0x4300] =	vst v3;
	v5 =	vadd.f32 v60, v7;
	v1 =	vld [tilespmem:s13+$0x4390]  }
0x104: {  	v3 =	vld [tilespmem:s13+$0x14390];
	[tilespmem:s13+$0x4310] =	vst v4  }
0x105: {  	s14 =	simm.s32 $0x0;
	s15 =	simm.s32 $0x1000;
	[tilespmem:s13+$0x4320] =	vst v5;
	v5 =	vadd.f32 v62, v61;
	v4 =	vld [tilespmem:s13+$0x43A0]  }
.LBB2_4:
0x106: {  	s16 =	sshra.s32 s15, $0x2;
	v6 =	vld [tilespmem:s13+$0x143A0]  }
0x107: {  	s14 =	sadd.s32 $0x8, s14;
	v7 =	vld [tilespmem:s16+$0x43B0];
	[tilespmem:s13+$0x4330] =	vst v5;
	v0 =	vadd.f32 v2, v0  }
0x108: {  	p0 =	slt.u32 s14, $0x78;
	v2 =	vld [tilespmem:s16+$0x143B0]  }
0x109: {  	v5 =	vld [tilespmem:s16+$0x4000];
	[tilespmem:s13+$0x4380] =	vst v0;
	v0 =	vadd.f32 v3, v1  }
0x10a: {  	v1 =	vld [tilespmem:s16+$0x14000]  }
0x10b: {  	v3 =	vld [tilespmem:s16+$0x4010];
	[tilespmem:s13+$0x4390] =	vst v0;
	v0 =	vadd.f32 v6, v4  }
0x10c: {  	v4 =	vld [tilespmem:s16+$0x14010]  }
0x10d: {  	v6 =	vld [tilespmem:s16+$0x4020];
	v2 =	vadd.f32 v2, v7;
	[tilespmem:s13+$0x43A0] =	vst v0;
	s13 =	smov.u32 s16  }
0x10e: {  	v0 =	vld [tilespmem:s13+$0x14020]  }
0x10f: {  	v1 =	vadd.f32 v1, v5;
	v5 =	vld [tilespmem:s13+$0x4030];
	[tilespmem:s13+$0x43B0] =	vst v2  }
0x110: {  	v2 =	vld [tilespmem:s13+$0x14030]  }
0x111: {  	[tilespmem:s13+$0x4000] =	vst v1;
	v1 =	vadd.f32 v4, v3;
	v3 =	vld [tilespmem:s13+$0x4080]  }
0x112: {  	v4 =	vld [tilespmem:s13+$0x14080]  }
0x113: {  	[tilespmem:s13+$0x4010] =	vst v1;
	v0 =	vadd.f32 v0, v6;
	v1 =	vld [tilespmem:s13+$0x4090]  }
0x114: {  	v6 =	vld [tilespmem:s13+$0x14090]  }
0x115: {  	[tilespmem:s13+$0x4020] =	vst v0;
	v0 =	vadd.f32 v2, v5;
	v2 =	vld [tilespmem:s13+$0x40A0]  }
0x116: {  	v5 =	vld [tilespmem:s13+$0x140A0]  }
0x117: {  	[tilespmem:s13+$0x4030] =	vst v0;
	v0 =	vadd.f32 v4, v3;
	v3 =	vld [tilespmem:s13+$0x40B0]  }
0x118: {  	v4 =	vld [tilespmem:s13+$0x140B0]  }
0x119: {  	[tilespmem:s13+$0x4080] =	vst v0;
	v0 =	vadd.f32 v6, v1;
	v1 =	vld [tilespmem:s13+$0x4100]  }
0x11a: {  	v6 =	vld [tilespmem:s13+$0x14100]  }
0x11b: {  	[tilespmem:s13+$0x4090] =	vst v0;
	v0 =	vadd.f32 v5, v2;
	v2 =	vld [tilespmem:s13+$0x4110]  }
0x11c: {  	v5 =	vld [tilespmem:s13+$0x14110]  }
0x11d: {  	[tilespmem:s13+$0x40A0] =	vst v0;
	v0 =	vadd.f32 v4, v3;
	v3 =	vld [tilespmem:s13+$0x4120]  }
0x11e: {  	v4 =	vld [tilespmem:s13+$0x14120]  }
0x11f: {  	[tilespmem:s13+$0x40B0] =	vst v0;
	v0 =	vadd.f32 v6, v1;
	v1 =	vld [tilespmem:s13+$0x4130]  }
0x120: {  	v6 =	vld [tilespmem:s13+$0x14130]  }
0x121: {  	[tilespmem:s13+$0x4100] =	vst v0;
	v0 =	vadd.f32 v5, v2;
	v2 =	vld [tilespmem:s13+$0x4180]  }
0x122: {  	v5 =	vld [tilespmem:s13+$0x14180]  }
0x123: {  	[tilespmem:s13+$0x4110] =	vst v0;
	v0 =	vadd.f32 v4, v3;
	v3 =	vld [tilespmem:s13+$0x4190]  }
0x124: {  	v4 =	vld [tilespmem:s13+$0x14190]  }
0x125: {  	[tilespmem:s13+$0x4120] =	vst v0;
	v0 =	vadd.f32 v6, v1;
	v1 =	vld [tilespmem:s13+$0x41A0]  }
0x126: {  	v6 =	vld [tilespmem:s13+$0x141A0]  }
0x127: {  	[tilespmem:s13+$0x4130] =	vst v0;
	v0 =	vadd.f32 v5, v2;
	v2 =	vld [tilespmem:s13+$0x41B0]  }
0x128: {  	v5 =	vld [tilespmem:s13+$0x141B0]  }
0x129: {  	[tilespmem:s13+$0x4180] =	vst v0;
	v0 =	vadd.f32 v4, v3;
	v3 =	vld [tilespmem:s13+$0x4200]  }
0x12a: {  	v4 =	vld [tilespmem:s13+$0x14200]  }
0x12b: {  	[tilespmem:s13+$0x4190] =	vst v0;
	v0 =	vadd.f32 v6, v1;
	v1 =	vld [tilespmem:s13+$0x4210]  }
0x12c: {  	v6 =	vld [tilespmem:s13+$0x14210]  }
0x12d: {  	[tilespmem:s13+$0x41A0] =	vst v0;
	v0 =	vadd.f32 v5, v2;
	v2 =	vld [tilespmem:s13+$0x4220]  }
0x12e: {  	v5 =	vld [tilespmem:s13+$0x14220]  }
0x12f: {  	[tilespmem:s13+$0x41B0] =	vst v0;
	v0 =	vadd.f32 v4, v3;
	v3 =	vld [tilespmem:s13+$0x4230]  }
0x130: {  	v4 =	vld [tilespmem:s13+$0x14230]  }
0x131: {  	[tilespmem:s13+$0x4200] =	vst v0;
	v0 =	vadd.f32 v6, v1;
	v1 =	vld [tilespmem:s13+$0x4280]  }
0x132: {  	v6 =	vld [tilespmem:s13+$0x14280]  }
0x133: {  	[tilespmem:s13+$0x4210] =	vst v0;
	v0 =	vadd.f32 v5, v2;
	v2 =	vld [tilespmem:s13+$0x4290]  }
0x134: {  	v5 =	vld [tilespmem:s13+$0x14290]  }
0x135: {  	[tilespmem:s13+$0x4220] =	vst v0;
	v0 =	vadd.f32 v4, v3;
	v3 =	vld [tilespmem:s13+$0x42A0]  }
0x136: {  	v4 =	vld [tilespmem:s13+$0x142A0]  }
0x137: {  	[tilespmem:s13+$0x4230] =	vst v0;
	v0 =	vadd.f32 v6, v1;
	v1 =	vld [tilespmem:s13+$0x42B0]  }
0x138: {  	v6 =	vld [tilespmem:s13+$0x142B0]  }
0x139: {  	[tilespmem:s13+$0x4280] =	vst v0;
	v0 =	vadd.f32 v5, v2;
	v2 =	vld [tilespmem:s13+$0x4300]  }
0x13a: {  	v5 =	vld [tilespmem:s13+$0x14300]  }
0x13b: {  	[tilespmem:s13+$0x4290] =	vst v0;
	v0 =	vadd.f32 v4, v3;
	v3 =	vld [tilespmem:s13+$0x4310]  }
0x13c: {  	v4 =	vld [tilespmem:s13+$0x14310]  }
0x13d: {  	[tilespmem:s13+$0x42A0] =	vst v0;
	v0 =	vadd.f32 v6, v1;
	v1 =	vld [tilespmem:s13+$0x4320]  }
0x13e: {  	v6 =	vld [tilespmem:s13+$0x14320]  }
0x13f: {  	[tilespmem:s13+$0x42B0] =	vst v0;
	v0 =	vadd.f32 v5, v2;
	v5 =	vld [tilespmem:s13+$0x4330]  }
0x140: {  	v7 =	vld [tilespmem:s13+$0x14330]  }
.Ltmp1:
0x141: {  	[tilespmem:s13+$0x4300] =	vst v0;
	v3 =	vadd.f32 v4, v3;
	v0 =	vld [tilespmem:s13+$0x4380];
	(pc) =	sbr.rel @p0 .LBB2_4-.Ltmp1, $4  }
0x142: {  	v2 =	vld [tilespmem:s13+$0x14380]  }
0x143: {  	[tilespmem:s13+$0x4310] =	vst v3;
	v4 =	vadd.f32 v6, v1;
	v1 =	vld [tilespmem:s13+$0x4390]  }
0x144: {  	v3 =	vld [tilespmem:s13+$0x14390]  }
0x145: {  	s15 =	sadd.s32 $0x1000, s15;
	[tilespmem:s13+$0x4320] =	vst v4;
	v5 =	vadd.f32 v7, v5;
	v4 =	vld [tilespmem:s13+$0x43A0]  }
0x146: {  	v6 =	vld [tilespmem:s13+$0x143A0];
	_ =	sdelay $0x2  }
0x147: {  	v0 =	vadd.f32 v2, v0  }
0x148: {  	[tilespmem:s13+$0x4330] =	vst v5;
	v1 =	vadd.f32 v3, v1  }
0x149: {  	[tilespmem:s13+$0x4380] =	vst v0;
	v0 =	vadd.f32 v6, v4  }
0x14a: {  	[tilespmem:s13+$0x4390] =	vst v1  }
0x14b: {  	[tilespmem:s13+$0x43A0] =	vst v0  }
0x14c: {  	s13 =	simm.s32 $0x0;
	s14 =	rddreg [dreg:$0xd]  }
0x14d: {  	[hbm4b:s14+s13] =	stream.linear.scatter [tilespmem:s30], [sflag:$0xA], $0x4000, $0x38;
	v63 =	vld [tilespmem:$0x0]  }
0x14e: {  	_ =	swait.ge [sflag:s5], $0x4000  }
0x14f: {  	[sflag:s5] =	ssyncset.done $0x0  }
0x150: {  	s15 =	rddreg [dreg:$0xe];
	[sflag:s5] =	ssyncadd.s32 $0xFFFFC000  }
0x151: {  	[tilespmem:s30], [sflag:$0x2] =	stream.linear.gather [hbm4b:s15+s13], $0x4000, $0x38;
	v63 =	vld [tilespmem:$0x0]  }
0x152: {  	s16 =	simm.s32 $0x14000  }
0x153: {  	[tilespmem:s16], [sflag:$0x6] =	stream.linear.gather [hbm4b:s20+s13], $0x4000, $0x38;
	v63 =	vld [tilespmem:$0x0]  }
0x154: {  	_ =	swait.ge [sflag:s6], $0x4000  }
0x155: {  	[sflag:s6] =	ssyncset.done $0x0  }
0x156: {  	[sflag:s6] =	ssyncadd.s32 $0xFFFFC000  }
0x157: {  	_ =	swait.ge [sflag:s7], $0x4000  }
0x158: {  	[sflag:s7] =	ssyncset.done $0x0  }
0x159: {  	s13 =	simm.s32 $0x0;
	[sflag:s7] =	ssyncadd.s32 $0xFFFFC000  }
0x15a: {  	v0 =	vld [tilespmem:s13+$0x83B0]  }
0x15b: {  	v1 =	vld [tilespmem:s13+$0x183B0]  }
0x15c: {  	v2 =	vld [tilespmem:s13+$0x8000]  }
0x15d: {  	v3 =	vld [tilespmem:s13+$0x18000]  }
0x15e: {  	v4 =	vld [tilespmem:s13+$0x8010]  }
0x15f: {  	v5 =	vld [tilespmem:s13+$0x18010]  }
0x160: {  	v6 =	vld [tilespmem:s13+$0x8020]  }
0x161: {  	v7 =	vld [tilespmem:s13+$0x18020]  }
0x162: {  	v8 =	vld [tilespmem:s13+$0x8030]  }
0x163: {  	v9 =	vld [tilespmem:s13+$0x18030]  }
0x164: {  	v10 =	vld [tilespmem:s13+$0x8080]  }
0x165: {  	v11 =	vld [tilespmem:s13+$0x18080]  }
0x166: {  	v12 =	vld [tilespmem:s13+$0x8090]  }
0x167: {  	v13 =	vld [tilespmem:s13+$0x18090]  }
0x168: {  	v14 =	vld [tilespmem:s13+$0x80A0]  }
0x169: {  	v15 =	vld [tilespmem:s13+$0x180A0]  }
0x16a: {  	v16 =	vld [tilespmem:s13+$0x80B0]  }
0x16b: {  	v17 =	vld [tilespmem:s13+$0x180B0]  }
0x16c: {  	v18 =	vld [tilespmem:s13+$0x8100]  }
0x16d: {  	v19 =	vld [tilespmem:s13+$0x18100]  }
0x16e: {  	v20 =	vld [tilespmem:s13+$0x8110]  }
0x16f: {  	v21 =	vld [tilespmem:s13+$0x18110]  }
0x170: {  	v22 =	vld [tilespmem:s13+$0x8120]  }
0x171: {  	v23 =	vld [tilespmem:s13+$0x18120]  }
0x172: {  	v24 =	vld [tilespmem:s13+$0x8130]  }
0x173: {  	v25 =	vld [tilespmem:s13+$0x18130]  }
0x174: {  	v26 =	vld [tilespmem:s13+$0x8180]  }
0x175: {  	v27 =	vld [tilespmem:s13+$0x18180]  }
0x176: {  	v28 =	vld [tilespmem:s13+$0x8190]  }
0x177: {  	v29 =	vld [tilespmem:s13+$0x18190]  }
0x178: {  	v30 =	vld [tilespmem:s13+$0x81A0]  }
0x179: {  	v31 =	vld [tilespmem:s13+$0x181A0]  }
0x17a: {  	v32 =	vld [tilespmem:s13+$0x81B0]  }
0x17b: {  	v50 =	vld [tilespmem:s13+$0x18220];
	v0 =	vadd.f32 v1, v0  }
0x17c: {  	v51 =	vld [tilespmem:s13+$0x8230];
	v2 =	vadd.f32 v3, v2  }
0x17d: {  	v52 =	vld [tilespmem:s13+$0x18230];
	[tilespmem:s13+$0x83B0] =	vst v0;
	v0 =	vadd.f32 v5, v4  }
0x17e: {  	v53 =	vld [tilespmem:s13+$0x8280];
	[tilespmem:s13+$0x8000] =	vst v2;
	v2 =	vadd.f32 v7, v6  }
0x17f: {  	v54 =	vld [tilespmem:s13+$0x18280];
	[tilespmem:s13+$0x8010] =	vst v0;
	v0 =	vadd.f32 v9, v8  }
0x180: {  	v55 =	vld [tilespmem:s13+$0x8290];
	[tilespmem:s13+$0x8020] =	vst v2;
	v2 =	vadd.f32 v11, v10  }
0x181: {  	v56 =	vld [tilespmem:s13+$0x18290];
	[tilespmem:s13+$0x8030] =	vst v0;
	v0 =	vadd.f32 v13, v12  }
0x182: {  	v57 =	vld [tilespmem:s13+$0x82A0];
	[tilespmem:s13+$0x8080] =	vst v2;
	v2 =	vadd.f32 v15, v14  }
0x183: {  	v58 =	vld [tilespmem:s13+$0x182A0];
	[tilespmem:s13+$0x8090] =	vst v0;
	v0 =	vadd.f32 v17, v16  }
0x184: {  	v1 =	vld [tilespmem:s13+$0x181B0];
	[tilespmem:s13+$0x80A0] =	vst v2;
	v2 =	vadd.f32 v19, v18  }
0x185: {  	v3 =	vld [tilespmem:s13+$0x8200];
	[tilespmem:s13+$0x80B0] =	vst v0;
	v0 =	vadd.f32 v21, v20  }
0x186: {  	v4 =	vld [tilespmem:s13+$0x18200];
	[tilespmem:s13+$0x8100] =	vst v2;
	v2 =	vadd.f32 v23, v22  }
0x187: {  	v5 =	vld [tilespmem:s13+$0x8210];
	[tilespmem:s13+$0x8110] =	vst v0;
	v0 =	vadd.f32 v25, v24  }
0x188: {  	v6 =	vld [tilespmem:s13+$0x18210];
	[tilespmem:s13+$0x8120] =	vst v2;
	v2 =	vadd.f32 v27, v26  }
0x189: {  	v7 =	vld [tilespmem:s13+$0x8220];
	[tilespmem:s13+$0x8130] =	vst v0;
	v0 =	vadd.f32 v29, v28  }
0x18a: {  	v59 =	vld [tilespmem:s13+$0x82B0];
	[tilespmem:s13+$0x8180] =	vst v2;
	v2 =	vadd.f32 v31, v30  }
0x18b: {  	v60 =	vld [tilespmem:s13+$0x18320];
	[tilespmem:s13+$0x8190] =	vst v0;
	v0 =	vadd.f32 v1, v32  }
0x18c: {  	v1 =	vld [tilespmem:s13+$0x182B0];
	[tilespmem:s13+$0x81A0] =	vst v2;
	v2 =	vadd.f32 v4, v3  }
0x18d: {  	v3 =	vld [tilespmem:s13+$0x8300];
	[tilespmem:s13+$0x81B0] =	vst v0;
	v0 =	vadd.f32 v6, v5  }
0x18e: {  	v4 =	vld [tilespmem:s13+$0x18300];
	[tilespmem:s13+$0x8200] =	vst v2;
	v2 =	vadd.f32 v50, v7  }
0x18f: {  	v5 =	vld [tilespmem:s13+$0x8310];
	[tilespmem:s13+$0x8210] =	vst v0;
	v0 =	vadd.f32 v52, v51  }
0x190: {  	v6 =	vld [tilespmem:s13+$0x18310];
	[tilespmem:s13+$0x8220] =	vst v2;
	v2 =	vadd.f32 v54, v53  }
0x191: {  	v7 =	vld [tilespmem:s13+$0x8320];
	v1 =	vadd.f32 v1, v59;
	[tilespmem:s13+$0x8230] =	vst v0  }
0x192: {  	v61 =	vld [tilespmem:s13+$0x8330];
	v0 =	vadd.f32 v56, v55;
	[tilespmem:s13+$0x8280] =	vst v2  }
0x193: {  	v62 =	vld [tilespmem:s13+$0x18330];
	v2 =	vadd.f32 v58, v57;
	[tilespmem:s13+$0x82B0] =	vst v1  }
0x194: {  	v3 =	vadd.f32 v4, v3;
	[tilespmem:s13+$0x8290] =	vst v0;
	v0 =	vld [tilespmem:s13+$0x8380]  }
0x195: {  	v4 =	vadd.f32 v6, v5;
	[tilespmem:s13+$0x82A0] =	vst v2;
	v2 =	vld [tilespmem:s13+$0x18380]  }
0x196: {  	[tilespmem:s13+$0x8300] =	vst v3;
	v5 =	vadd.f32 v60, v7;
	v1 =	vld [tilespmem:s13+$0x8390]  }
0x197: {  	v3 =	vld [tilespmem:s13+$0x18390];
	[tilespmem:s13+$0x8310] =	vst v4  }
0x198: {  	s14 =	simm.s32 $0x0;
	s15 =	simm.s32 $0x1000;
	[tilespmem:s13+$0x8320] =	vst v5;
	v5 =	vadd.f32 v62, v61;
	v4 =	vld [tilespmem:s13+$0x83A0]  }
.LBB2_6:
0x199: {  	s16 =	sshra.s32 s15, $0x2;
	v6 =	vld [tilespmem:s13+$0x183A0]  }
0x19a: {  	s14 =	sadd.s32 $0x8, s14;
	v7 =	vld [tilespmem:s16+$0x83B0];
	[tilespmem:s13+$0x8330] =	vst v5;
	v0 =	vadd.f32 v2, v0  }
0x19b: {  	p0 =	slt.u32 s14, $0x78;
	v2 =	vld [tilespmem:s16+$0x183B0]  }
0x19c: {  	v5 =	vld [tilespmem:s16+$0x8000];
	[tilespmem:s13+$0x8380] =	vst v0;
	v0 =	vadd.f32 v3, v1  }
0x19d: {  	v1 =	vld [tilespmem:s16+$0x18000]  }
0x19e: {  	v3 =	vld [tilespmem:s16+$0x8010];
	[tilespmem:s13+$0x8390] =	vst v0;
	v0 =	vadd.f32 v6, v4  }
0x19f: {  	v4 =	vld [tilespmem:s16+$0x18010]  }
0x1a0: {  	v6 =	vld [tilespmem:s16+$0x8020];
	v2 =	vadd.f32 v2, v7;
	[tilespmem:s13+$0x83A0] =	vst v0;
	s13 =	smov.u32 s16  }
0x1a1: {  	v0 =	vld [tilespmem:s13+$0x18020]  }
0x1a2: {  	v1 =	vadd.f32 v1, v5;
	v5 =	vld [tilespmem:s13+$0x8030];
	[tilespmem:s13+$0x83B0] =	vst v2  }
0x1a3: {  	v2 =	vld [tilespmem:s13+$0x18030]  }
0x1a4: {  	[tilespmem:s13+$0x8000] =	vst v1;
	v1 =	vadd.f32 v4, v3;
	v3 =	vld [tilespmem:s13+$0x8080]  }
0x1a5: {  	v4 =	vld [tilespmem:s13+$0x18080]  }
0x1a6: {  	[tilespmem:s13+$0x8010] =	vst v1;
	v0 =	vadd.f32 v0, v6;
	v1 =	vld [tilespmem:s13+$0x8090]  }
0x1a7: {  	v6 =	vld [tilespmem:s13+$0x18090]  }
0x1a8: {  	[tilespmem:s13+$0x8020] =	vst v0;
	v0 =	vadd.f32 v2, v5;
	v2 =	vld [tilespmem:s13+$0x80A0]  }
0x1a9: {  	v5 =	vld [tilespmem:s13+$0x180A0]  }
0x1aa: {  	[tilespmem:s13+$0x8030] =	vst v0;
	v0 =	vadd.f32 v4, v3;
	v3 =	vld [tilespmem:s13+$0x80B0]  }
0x1ab: {  	v4 =	vld [tilespmem:s13+$0x180B0]  }
0x1ac: {  	[tilespmem:s13+$0x8080] =	vst v0;
	v0 =	vadd.f32 v6, v1;
	v1 =	vld [tilespmem:s13+$0x8100]  }
0x1ad: {  	v6 =	vld [tilespmem:s13+$0x18100]  }
0x1ae: {  	[tilespmem:s13+$0x8090] =	vst v0;
	v0 =	vadd.f32 v5, v2;
	v2 =	vld [tilespmem:s13+$0x8110]  }
0x1af: {  	v5 =	vld [tilespmem:s13+$0x18110]  }
0x1b0: {  	[tilespmem:s13+$0x80A0] =	vst v0;
	v0 =	vadd.f32 v4, v3;
	v3 =	vld [tilespmem:s13+$0x8120]  }
0x1b1: {  	v4 =	vld [tilespmem:s13+$0x18120]  }
0x1b2: {  	[tilespmem:s13+$0x80B0] =	vst v0;
	v0 =	vadd.f32 v6, v1;
	v1 =	vld [tilespmem:s13+$0x8130]  }
0x1b3: {  	v6 =	vld [tilespmem:s13+$0x18130]  }
0x1b4: {  	[tilespmem:s13+$0x8100] =	vst v0;
	v0 =	vadd.f32 v5, v2;
	v2 =	vld [tilespmem:s13+$0x8180]  }
0x1b5: {  	v5 =	vld [tilespmem:s13+$0x18180]  }
0x1b6: {  	[tilespmem:s13+$0x8110] =	vst v0;
	v0 =	vadd.f32 v4, v3;
	v3 =	vld [tilespmem:s13+$0x8190]  }
0x1b7: {  	v4 =	vld [tilespmem:s13+$0x18190]  }
0x1b8: {  	[tilespmem:s13+$0x8120] =	vst v0;
	v0 =	vadd.f32 v6, v1;
	v1 =	vld [tilespmem:s13+$0x81A0]  }
0x1b9: {  	v6 =	vld [tilespmem:s13+$0x181A0]  }
0x1ba: {  	[tilespmem:s13+$0x8130] =	vst v0;
	v0 =	vadd.f32 v5, v2;
	v2 =	vld [tilespmem:s13+$0x81B0]  }
0x1bb: {  	v5 =	vld [tilespmem:s13+$0x181B0]  }
0x1bc: {  	[tilespmem:s13+$0x8180] =	vst v0;
	v0 =	vadd.f32 v4, v3;
	v3 =	vld [tilespmem:s13+$0x8200]  }
0x1bd: {  	v4 =	vld [tilespmem:s13+$0x18200]  }
0x1be: {  	[tilespmem:s13+$0x8190] =	vst v0;
	v0 =	vadd.f32 v6, v1;
	v1 =	vld [tilespmem:s13+$0x8210]  }
0x1bf: {  	v6 =	vld [tilespmem:s13+$0x18210]  }
0x1c0: {  	[tilespmem:s13+$0x81A0] =	vst v0;
	v0 =	vadd.f32 v5, v2;
	v2 =	vld [tilespmem:s13+$0x8220]  }
0x1c1: {  	v5 =	vld [tilespmem:s13+$0x18220]  }
0x1c2: {  	[tilespmem:s13+$0x81B0] =	vst v0;
	v0 =	vadd.f32 v4, v3;
	v3 =	vld [tilespmem:s13+$0x8230]  }
0x1c3: {  	v4 =	vld [tilespmem:s13+$0x18230]  }
0x1c4: {  	[tilespmem:s13+$0x8200] =	vst v0;
	v0 =	vadd.f32 v6, v1;
	v1 =	vld [tilespmem:s13+$0x8280]  }
0x1c5: {  	v6 =	vld [tilespmem:s13+$0x18280]  }
0x1c6: {  	[tilespmem:s13+$0x8210] =	vst v0;
	v0 =	vadd.f32 v5, v2;
	v2 =	vld [tilespmem:s13+$0x8290]  }
0x1c7: {  	v5 =	vld [tilespmem:s13+$0x18290]  }
0x1c8: {  	[tilespmem:s13+$0x8220] =	vst v0;
	v0 =	vadd.f32 v4, v3;
	v3 =	vld [tilespmem:s13+$0x82A0]  }
0x1c9: {  	v4 =	vld [tilespmem:s13+$0x182A0]  }
0x1ca: {  	[tilespmem:s13+$0x8230] =	vst v0;
	v0 =	vadd.f32 v6, v1;
	v1 =	vld [tilespmem:s13+$0x82B0]  }
0x1cb: {  	v6 =	vld [tilespmem:s13+$0x182B0]  }
0x1cc: {  	[tilespmem:s13+$0x8280] =	vst v0;
	v0 =	vadd.f32 v5, v2;
	v2 =	vld [tilespmem:s13+$0x8300]  }
0x1cd: {  	v5 =	vld [tilespmem:s13+$0x18300]  }
0x1ce: {  	[tilespmem:s13+$0x8290] =	vst v0;
	v0 =	vadd.f32 v4, v3;
	v3 =	vld [tilespmem:s13+$0x8310]  }
0x1cf: {  	v4 =	vld [tilespmem:s13+$0x18310]  }
0x1d0: {  	[tilespmem:s13+$0x82A0] =	vst v0;
	v0 =	vadd.f32 v6, v1;
	v1 =	vld [tilespmem:s13+$0x8320]  }
0x1d1: {  	v6 =	vld [tilespmem:s13+$0x18320]  }
0x1d2: {  	[tilespmem:s13+$0x82B0] =	vst v0;
	v0 =	vadd.f32 v5, v2;
	v5 =	vld [tilespmem:s13+$0x8330]  }
0x1d3: {  	v7 =	vld [tilespmem:s13+$0x18330]  }
.Ltmp2:
0x1d4: {  	[tilespmem:s13+$0x8300] =	vst v0;
	v3 =	vadd.f32 v4, v3;
	v0 =	vld [tilespmem:s13+$0x8380];
	(pc) =	sbr.rel @p0 .LBB2_6-.Ltmp2, $4  }
0x1d5: {  	v2 =	vld [tilespmem:s13+$0x18380]  }
0x1d6: {  	[tilespmem:s13+$0x8310] =	vst v3;
	v4 =	vadd.f32 v6, v1;
	v1 =	vld [tilespmem:s13+$0x8390]  }
0x1d7: {  	v3 =	vld [tilespmem:s13+$0x18390]  }
0x1d8: {  	s15 =	sadd.s32 $0x1000, s15;
	[tilespmem:s13+$0x8320] =	vst v4;
	v5 =	vadd.f32 v7, v5;
	v4 =	vld [tilespmem:s13+$0x83A0]  }
0x1d9: {  	v6 =	vld [tilespmem:s13+$0x183A0];
	_ =	sdelay $0x2  }
0x1da: {  	v0 =	vadd.f32 v2, v0  }
0x1db: {  	[tilespmem:s13+$0x8330] =	vst v5;
	v1 =	vadd.f32 v3, v1  }
0x1dc: {  	[tilespmem:s13+$0x8380] =	vst v0;
	v0 =	vadd.f32 v6, v4  }
0x1dd: {  	[tilespmem:s13+$0x8390] =	vst v1  }
0x1de: {  	[tilespmem:s13+$0x83A0] =	vst v0  }
0x1df: {  	s13 =	simm.s32 $0x0;
	s14 =	rddreg [dreg:$0xf]  }
0x1e0: {  	[hbm4b:s14+s13] =	stream.linear.scatter [tilespmem:s18], [sflag:$0xB], $0x4000, $0x38;
	v63 =	vld [tilespmem:$0x0]  }
0x1e1: {  	_ =	swait.ge [sflag:s8], $0x4000  }
0x1e2: {  	[sflag:s8] =	ssyncset.done $0x0  }
0x1e3: {  	s15 =	rddreg [dreg:$0x10];
	[sflag:s8] =	ssyncadd.s32 $0xFFFFC000  }
0x1e4: {  	[tilespmem:s18], [sflag:$0x3] =	stream.linear.gather [hbm4b:s15+s13], $0x4000, $0x38;
	v63 =	vld [tilespmem:$0x0]  }
0x1e5: {  	s16 =	simm.s32 $0x18000  }
0x1e6: {  	[tilespmem:s16], [sflag:$0x7] =	stream.linear.gather [hbm4b:s21+s13], $0x4000, $0x38;
	v63 =	vld [tilespmem:$0x0]  }
0x1e7: {  	_ =	swait.ge [sflag:s9], $0x4000  }
0x1e8: {  	[sflag:s9] =	ssyncset.done $0x0  }
0x1e9: {  	[sflag:s9] =	ssyncadd.s32 $0xFFFFC000  }
0x1ea: {  	_ =	swait.ge [sflag:s10], $0x4000  }
0x1eb: {  	[sflag:s10] =	ssyncset.done $0x0  }
0x1ec: {  	s13 =	simm.s32 $0x0;
	[sflag:s10] =	ssyncadd.s32 $0xFFFFC000  }
0x1ed: {  	v0 =	vld [tilespmem:s13+$0xC3B0]  }
0x1ee: {  	v1 =	vld [tilespmem:s13+$0x1C3B0]  }
0x1ef: {  	v2 =	vld [tilespmem:s13+$0xC000]  }
0x1f0: {  	v3 =	vld [tilespmem:s13+$0x1C000]  }
0x1f1: {  	v4 =	vld [tilespmem:s13+$0xC010]  }
0x1f2: {  	v5 =	vld [tilespmem:s13+$0x1C010]  }
0x1f3: {  	v6 =	vld [tilespmem:s13+$0xC020]  }
0x1f4: {  	v7 =	vld [tilespmem:s13+$0x1C020]  }
0x1f5: {  	v8 =	vld [tilespmem:s13+$0xC030]  }
0x1f6: {  	v9 =	vld [tilespmem:s13+$0x1C030]  }
0x1f7: {  	v10 =	vld [tilespmem:s13+$0xC080]  }
0x1f8: {  	v11 =	vld [tilespmem:s13+$0x1C080]  }
0x1f9: {  	v12 =	vld [tilespmem:s13+$0xC090]  }
0x1fa: {  	v13 =	vld [tilespmem:s13+$0x1C090]  }
0x1fb: {  	v14 =	vld [tilespmem:s13+$0xC0A0]  }
0x1fc: {  	v15 =	vld [tilespmem:s13+$0x1C0A0]  }
0x1fd: {  	v16 =	vld [tilespmem:s13+$0xC0B0]  }
0x1fe: {  	v17 =	vld [tilespmem:s13+$0x1C0B0]  }
0x1ff: {  	v18 =	vld [tilespmem:s13+$0xC100]  }
0x200: {  	v19 =	vld [tilespmem:s13+$0x1C100]  }
0x201: {  	v20 =	vld [tilespmem:s13+$0xC110]  }
0x202: {  	v21 =	vld [tilespmem:s13+$0x1C110]  }
0x203: {  	v22 =	vld [tilespmem:s13+$0xC120]  }
0x204: {  	v23 =	vld [tilespmem:s13+$0x1C120]  }
0x205: {  	v24 =	vld [tilespmem:s13+$0xC130]  }
0x206: {  	v25 =	vld [tilespmem:s13+$0x1C130]  }
0x207: {  	v26 =	vld [tilespmem:s13+$0xC180]  }
0x208: {  	v27 =	vld [tilespmem:s13+$0x1C180]  }
0x209: {  	v28 =	vld [tilespmem:s13+$0xC190]  }
0x20a: {  	v29 =	vld [tilespmem:s13+$0x1C190]  }
0x20b: {  	v30 =	vld [tilespmem:s13+$0xC1A0]  }
0x20c: {  	v31 =	vld [tilespmem:s13+$0x1C1A0]  }
0x20d: {  	v32 =	vld [tilespmem:s13+$0xC1B0]  }
0x20e: {  	v50 =	vld [tilespmem:s13+$0x1C220];
	v0 =	vadd.f32 v1, v0  }
0x20f: {  	v51 =	vld [tilespmem:s13+$0xC230];
	v2 =	vadd.f32 v3, v2  }
0x210: {  	v52 =	vld [tilespmem:s13+$0x1C230];
	[tilespmem:s13+$0xC3B0] =	vst v0;
	v0 =	vadd.f32 v5, v4  }
0x211: {  	v53 =	vld [tilespmem:s13+$0xC280];
	[tilespmem:s13+$0xC000] =	vst v2;
	v2 =	vadd.f32 v7, v6  }
0x212: {  	v54 =	vld [tilespmem:s13+$0x1C280];
	[tilespmem:s13+$0xC010] =	vst v0;
	v0 =	vadd.f32 v9, v8  }
0x213: {  	v55 =	vld [tilespmem:s13+$0xC290];
	[tilespmem:s13+$0xC020] =	vst v2;
	v2 =	vadd.f32 v11, v10  }
0x214: {  	v56 =	vld [tilespmem:s13+$0x1C290];
	[tilespmem:s13+$0xC030] =	vst v0;
	v0 =	vadd.f32 v13, v12  }
0x215: {  	v57 =	vld [tilespmem:s13+$0xC2A0];
	[tilespmem:s13+$0xC080] =	vst v2;
	v2 =	vadd.f32 v15, v14  }
0x216: {  	v58 =	vld [tilespmem:s13+$0x1C2A0];
	[tilespmem:s13+$0xC090] =	vst v0;
	v0 =	vadd.f32 v17, v16  }
0x217: {  	v1 =	vld [tilespmem:s13+$0x1C1B0];
	[tilespmem:s13+$0xC0A0] =	vst v2;
	v2 =	vadd.f32 v19, v18  }
0x218: {  	v3 =	vld [tilespmem:s13+$0xC200];
	[tilespmem:s13+$0xC0B0] =	vst v0;
	v0 =	vadd.f32 v21, v20  }
0x219: {  	v4 =	vld [tilespmem:s13+$0x1C200];
	[tilespmem:s13+$0xC100] =	vst v2;
	v2 =	vadd.f32 v23, v22  }
0x21a: {  	v5 =	vld [tilespmem:s13+$0xC210];
	[tilespmem:s13+$0xC110] =	vst v0;
	v0 =	vadd.f32 v25, v24  }
0x21b: {  	v6 =	vld [tilespmem:s13+$0x1C210];
	[tilespmem:s13+$0xC120] =	vst v2;
	v2 =	vadd.f32 v27, v26  }
0x21c: {  	v7 =	vld [tilespmem:s13+$0xC220];
	[tilespmem:s13+$0xC130] =	vst v0;
	v0 =	vadd.f32 v29, v28  }
0x21d: {  	v59 =	vld [tilespmem:s13+$0xC2B0];
	[tilespmem:s13+$0xC180] =	vst v2;
	v2 =	vadd.f32 v31, v30  }
0x21e: {  	v60 =	vld [tilespmem:s13+$0x1C320];
	[tilespmem:s13+$0xC190] =	vst v0;
	v0 =	vadd.f32 v1, v32  }
0x21f: {  	v1 =	vld [tilespmem:s13+$0x1C2B0];
	[tilespmem:s13+$0xC1A0] =	vst v2;
	v2 =	vadd.f32 v4, v3  }
0x220: {  	v3 =	vld [tilespmem:s13+$0xC300];
	[tilespmem:s13+$0xC1B0] =	vst v0;
	v0 =	vadd.f32 v6, v5  }
0x221: {  	v4 =	vld [tilespmem:s13+$0x1C300];
	[tilespmem:s13+$0xC200] =	vst v2;
	v2 =	vadd.f32 v50, v7  }
0x222: {  	v5 =	vld [tilespmem:s13+$0xC310];
	[tilespmem:s13+$0xC210] =	vst v0;
	v0 =	vadd.f32 v52, v51  }
0x223: {  	v6 =	vld [tilespmem:s13+$0x1C310];
	[tilespmem:s13+$0xC220] =	vst v2;
	v2 =	vadd.f32 v54, v53  }
0x224: {  	v7 =	vld [tilespmem:s13+$0xC320];
	v1 =	vadd.f32 v1, v59;
	[tilespmem:s13+$0xC230] =	vst v0  }
0x225: {  	v61 =	vld [tilespmem:s13+$0xC330];
	v0 =	vadd.f32 v56, v55;
	[tilespmem:s13+$0xC280] =	vst v2  }
0x226: {  	v62 =	vld [tilespmem:s13+$0x1C330];
	v2 =	vadd.f32 v58, v57;
	[tilespmem:s13+$0xC2B0] =	vst v1  }
0x227: {  	v3 =	vadd.f32 v4, v3;
	[tilespmem:s13+$0xC290] =	vst v0;
	v0 =	vld [tilespmem:s13+$0xC380]  }
0x228: {  	v4 =	vadd.f32 v6, v5;
	[tilespmem:s13+$0xC2A0] =	vst v2;
	v2 =	vld [tilespmem:s13+$0x1C380]  }
0x229: {  	[tilespmem:s13+$0xC300] =	vst v3;
	v5 =	vadd.f32 v60, v7;
	v1 =	vld [tilespmem:s13+$0xC390]  }
0x22a: {  	v3 =	vld [tilespmem:s13+$0x1C390];
	[tilespmem:s13+$0xC310] =	vst v4  }
0x22b: {  	s14 =	simm.s32 $0x0;
	s15 =	simm.s32 $0x1000;
	[tilespmem:s13+$0xC320] =	vst v5;
	v5 =	vadd.f32 v62, v61;
	v4 =	vld [tilespmem:s13+$0xC3A0]  }
.LBB2_8:
0x22c: {  	s16 =	sshra.s32 s15, $0x2;
	v6 =	vld [tilespmem:s13+$0x1C3A0]  }
0x22d: {  	s14 =	sadd.s32 $0x8, s14;
	v7 =	vld [tilespmem:s16+$0xC3B0];
	[tilespmem:s13+$0xC330] =	vst v5;
	v0 =	vadd.f32 v2, v0  }
0x22e: {  	p0 =	slt.u32 s14, $0x78;
	v2 =	vld [tilespmem:s16+$0x1C3B0]  }
0x22f: {  	v5 =	vld [tilespmem:s16+$0xC000];
	[tilespmem:s13+$0xC380] =	vst v0;
	v0 =	vadd.f32 v3, v1  }
0x230: {  	v1 =	vld [tilespmem:s16+$0x1C000]  }
0x231: {  	v3 =	vld [tilespmem:s16+$0xC010];
	[tilespmem:s13+$0xC390] =	vst v0;
	v0 =	vadd.f32 v6, v4  }
0x232: {  	v4 =	vld [tilespmem:s16+$0x1C010]  }
0x233: {  	v6 =	vld [tilespmem:s16+$0xC020];
	v2 =	vadd.f32 v2, v7;
	[tilespmem:s13+$0xC3A0] =	vst v0;
	s13 =	smov.u32 s16  }
0x234: {  	v0 =	vld [tilespmem:s13+$0x1C020]  }
0x235: {  	v1 =	vadd.f32 v1, v5;
	v5 =	vld [tilespmem:s13+$0xC030];
	[tilespmem:s13+$0xC3B0] =	vst v2  }
0x236: {  	v2 =	vld [tilespmem:s13+$0x1C030]  }
0x237: {  	[tilespmem:s13+$0xC000] =	vst v1;
	v1 =	vadd.f32 v4, v3;
	v3 =	vld [tilespmem:s13+$0xC080]  }
0x238: {  	v4 =	vld [tilespmem:s13+$0x1C080]  }
0x239: {  	[tilespmem:s13+$0xC010] =	vst v1;
	v0 =	vadd.f32 v0, v6;
	v1 =	vld [tilespmem:s13+$0xC090]  }
0x23a: {  	v6 =	vld [tilespmem:s13+$0x1C090]  }
0x23b: {  	[tilespmem:s13+$0xC020] =	vst v0;
	v0 =	vadd.f32 v2, v5;
	v2 =	vld [tilespmem:s13+$0xC0A0]  }
0x23c: {  	v5 =	vld [tilespmem:s13+$0x1C0A0]  }
0x23d: {  	[tilespmem:s13+$0xC030] =	vst v0;
	v0 =	vadd.f32 v4, v3;
	v3 =	vld [tilespmem:s13+$0xC0B0]  }
0x23e: {  	v4 =	vld [tilespmem:s13+$0x1C0B0]  }
0x23f: {  	[tilespmem:s13+$0xC080] =	vst v0;
	v0 =	vadd.f32 v6, v1;
	v1 =	vld [tilespmem:s13+$0xC100]  }
0x240: {  	v6 =	vld [tilespmem:s13+$0x1C100]  }
0x241: {  	[tilespmem:s13+$0xC090] =	vst v0;
	v0 =	vadd.f32 v5, v2;
	v2 =	vld [tilespmem:s13+$0xC110]  }
0x242: {  	v5 =	vld [tilespmem:s13+$0x1C110]  }
0x243: {  	[tilespmem:s13+$0xC0A0] =	vst v0;
	v0 =	vadd.f32 v4, v3;
	v3 =	vld [tilespmem:s13+$0xC120]  }
0x244: {  	v4 =	vld [tilespmem:s13+$0x1C120]  }
0x245: {  	[tilespmem:s13+$0xC0B0] =	vst v0;
	v0 =	vadd.f32 v6, v1;
	v1 =	vld [tilespmem:s13+$0xC130]  }
0x246: {  	v6 =	vld [tilespmem:s13+$0x1C130]  }
0x247: {  	[tilespmem:s13+$0xC100] =	vst v0;
	v0 =	vadd.f32 v5, v2;
	v2 =	vld [tilespmem:s13+$0xC180]  }
0x248: {  	v5 =	vld [tilespmem:s13+$0x1C180]  }
0x249: {  	[tilespmem:s13+$0xC110] =	vst v0;
	v0 =	vadd.f32 v4, v3;
	v3 =	vld [tilespmem:s13+$0xC190]  }
0x24a: {  	v4 =	vld [tilespmem:s13+$0x1C190]  }
0x24b: {  	[tilespmem:s13+$0xC120] =	vst v0;
	v0 =	vadd.f32 v6, v1;
	v1 =	vld [tilespmem:s13+$0xC1A0]  }
0x24c: {  	v6 =	vld [tilespmem:s13+$0x1C1A0]  }
0x24d: {  	[tilespmem:s13+$0xC130] =	vst v0;
	v0 =	vadd.f32 v5, v2;
	v2 =	vld [tilespmem:s13+$0xC1B0]  }
0x24e: {  	v5 =	vld [tilespmem:s13+$0x1C1B0]  }
0x24f: {  	[tilespmem:s13+$0xC180] =	vst v0;
	v0 =	vadd.f32 v4, v3;
	v3 =	vld [tilespmem:s13+$0xC200]  }
0x250: {  	v4 =	vld [tilespmem:s13+$0x1C200]  }
0x251: {  	[tilespmem:s13+$0xC190] =	vst v0;
	v0 =	vadd.f32 v6, v1;
	v1 =	vld [tilespmem:s13+$0xC210]  }
0x252: {  	v6 =	vld [tilespmem:s13+$0x1C210]  }
0x253: {  	[tilespmem:s13+$0xC1A0] =	vst v0;
	v0 =	vadd.f32 v5, v2;
	v2 =	vld [tilespmem:s13+$0xC220]  }
0x254: {  	v5 =	vld [tilespmem:s13+$0x1C220]  }
0x255: {  	[tilespmem:s13+$0xC1B0] =	vst v0;
	v0 =	vadd.f32 v4, v3;
	v3 =	vld [tilespmem:s13+$0xC230]  }
0x256: {  	v4 =	vld [tilespmem:s13+$0x1C230]  }
0x257: {  	[tilespmem:s13+$0xC200] =	vst v0;
	v0 =	vadd.f32 v6, v1;
	v1 =	vld [tilespmem:s13+$0xC280]  }
0x258: {  	v6 =	vld [tilespmem:s13+$0x1C280]  }
0x259: {  	[tilespmem:s13+$0xC210] =	vst v0;
	v0 =	vadd.f32 v5, v2;
	v2 =	vld [tilespmem:s13+$0xC290]  }
0x25a: {  	v5 =	vld [tilespmem:s13+$0x1C290]  }
0x25b: {  	[tilespmem:s13+$0xC220] =	vst v0;
	v0 =	vadd.f32 v4, v3;
	v3 =	vld [tilespmem:s13+$0xC2A0]  }
0x25c: {  	v4 =	vld [tilespmem:s13+$0x1C2A0]  }
0x25d: {  	[tilespmem:s13+$0xC230] =	vst v0;
	v0 =	vadd.f32 v6, v1;
	v1 =	vld [tilespmem:s13+$0xC2B0]  }
0x25e: {  	v6 =	vld [tilespmem:s13+$0x1C2B0]  }
0x25f: {  	[tilespmem:s13+$0xC280] =	vst v0;
	v0 =	vadd.f32 v5, v2;
	v2 =	vld [tilespmem:s13+$0xC300]  }
0x260: {  	v5 =	vld [tilespmem:s13+$0x1C300]  }
0x261: {  	[tilespmem:s13+$0xC290] =	vst v0;
	v0 =	vadd.f32 v4, v3;
	v3 =	vld [tilespmem:s13+$0xC310]  }
0x262: {  	v4 =	vld [tilespmem:s13+$0x1C310]  }
0x263: {  	[tilespmem:s13+$0xC2A0] =	vst v0;
	v0 =	vadd.f32 v6, v1;
	v1 =	vld [tilespmem:s13+$0xC320]  }
0x264: {  	v6 =	vld [tilespmem:s13+$0x1C320]  }
0x265: {  	[tilespmem:s13+$0xC2B0] =	vst v0;
	v0 =	vadd.f32 v5, v2;
	v5 =	vld [tilespmem:s13+$0xC330]  }
0x266: {  	v7 =	vld [tilespmem:s13+$0x1C330]  }
.Ltmp3:
0x267: {  	[tilespmem:s13+$0xC300] =	vst v0;
	v3 =	vadd.f32 v4, v3;
	v0 =	vld [tilespmem:s13+$0xC380];
	(pc) =	sbr.rel @p0 .LBB2_8-.Ltmp3, $4  }
0x268: {  	v2 =	vld [tilespmem:s13+$0x1C380]  }
0x269: {  	[tilespmem:s13+$0xC310] =	vst v3;
	v4 =	vadd.f32 v6, v1;
	v1 =	vld [tilespmem:s13+$0xC390]  }
0x26a: {  	v3 =	vld [tilespmem:s13+$0x1C390]  }
0x26b: {  	s15 =	sadd.s32 $0x1000, s15;
	[tilespmem:s13+$0xC320] =	vst v4;
	v5 =	vadd.f32 v7, v5;
	v4 =	vld [tilespmem:s13+$0xC3A0]  }
0x26c: {  	v6 =	vld [tilespmem:s13+$0x1C3A0];
	_ =	sdelay $0x2  }
0x26d: {  	v0 =	vadd.f32 v2, v0  }
0x26e: {  	[tilespmem:s13+$0xC330] =	vst v5;
	v1 =	vadd.f32 v3, v1  }
0x26f: {  	[tilespmem:s13+$0xC380] =	vst v0;
	v0 =	vadd.f32 v6, v4  }
0x270: {  	[tilespmem:s13+$0xC390] =	vst v1  }
0x271: {  	[tilespmem:s13+$0xC3A0] =	vst v0  }
0x272: {  	[hbm4b:s17+s0] =	stream.linear.scatter [tilespmem:s29], [sflag:$0xC], $0x4000, $0x38;
	v63 =	vld [tilespmem:$0x0]  }
0x273: {  	_ =	swait.ge [sflag:s11], $0x4000  }
0x274: {  	[sflag:s11] =	ssyncset.done $0x0  }
0x275: {  	[sflag:s11] =	ssyncadd.s32 $0xFFFFC000  }
0x276: {  	[tilespmem:s29], [sflag:$0x4] =	stream.linear.gather [hbm4b:s19+s0], $0x4000, $0x38;
	v63 =	vld [tilespmem:$0x0]  }
0x277: {  	s16 =	simm.s32 $0x1C000  }
0x278: {  	[tilespmem:s16], [sflag:$0x8] =	stream.linear.gather [hbm4b:s22+s0], $0x4000, $0x38;
	v63 =	vld [tilespmem:$0x0]  }
0x279: {  	_ =	swait.ge [sflag:s1], $0x4000  }
0x27a: {  	[sflag:s1] =	ssyncset.done $0x0  }
0x27b: {  	[sflag:s1] =	ssyncadd.s32 $0xFFFFC000  }
0x27c: {  	_ =	swait.ge [sflag:s31], $0x4000  }
0x27d: {  	[sflag:s31] =	ssyncset.done $0x0  }
0x27e: {  	s13 =	simm.s32 $0x200;
	[sflag:s31] =	ssyncadd.s32 $0xFFFFC000  }
0x27f: {  	s14 =	simm.s32 $0x10200;
	v0 =	vld [tilespmem:s13+$0x180]  }
0x280: {  	v1 =	vld [tilespmem:s14+$0x180]  }
0x281: {  	v2 =	vld [tilespmem:s14+$0xFFFFFE00]  }
0x282: {  	v3 =	vld [tilespmem:s13+$0xFFFFFE80]  }
0x283: {  	v4 =	vld [tilespmem:s13+$0xFFFFFF00]  }
0x284: {  	v6 =	vld [tilespmem:s14+$0xFFFFFF00]  }
0x285: {  	v7 =	vld [tilespmem:s13+$0xFFFFFF80]  }
0x286: {  	v8 =	vld [tilespmem:s14+$0xFFFFFF80]  }
0x287: {  	v9 =	vld [tilespmem:s13+$0x0]  }
0x288: {  	v10 =	vld [tilespmem:s14+$0x0]  }
0x289: {  	v11 =	vld [tilespmem:s14+$0x80]  }
0x28a: {  	v59 =	vld [tilespmem:s13+$0xFFFFFF90]  }
0x28b: {  	v13 =	vld [tilespmem:s13+$0x10]  }
0x28c: {  	v60 =	vld [tilespmem:s13+$0xFFFFFFA0]  }
0x28d: {  	v61 =	vld [tilespmem:s13+$0xA0];
	v0 =	vadd.f32 v1, v0  }
0x28e: {  	v1 =	vld [tilespmem:s14+$0xFFFFFE80]  }
0x28f: {  	[tilespmem:s13+$0x180] =	vst v0;
	v0 =	vld [tilespmem:s13+$0x190]  }
0x290: {  	v5 =	vld [tilespmem:s14+$0x190]  }
0x291: {  	v62 =	vld [tilespmem:s13+$0xFFFFFE30];
	v4 =	vadd.f32 v6, v4  }
0x292: {  	v6 =	vld [tilespmem:s14+$0x100]  }
0x293: {  	[tilespmem:s13+$0xFFFFFF00] =	vst v4;
	v4 =	vadd.f32 v10, v9;
	v10 =	vld [tilespmem:s13+$0xFFFFFE90];
	v1 =	vadd.f32 v1, v3  }
0x294: {  	v3 =	vld [tilespmem:s13+$0x100]  }
0x295: {  	[tilespmem:s13+$0xFFFFFE80] =	vst v1;
	v0 =	vadd.f32 v5, v0;
	v5 =	vld [tilespmem:s13+$0x80]  }
0x296: {  	v1 =	vadd.f32 v8, v7;
	v8 =	vld [tilespmem:s14+$0xFFFFFE90]  }
0x297: {  	[tilespmem:s13+$0x190] =	vst v0;
	v0 =	vld [tilespmem:s13+$0x1A0]  }
0x298: {  	[tilespmem:s13+$0x0] =	vst v4;
	v12 =	vld [tilespmem:s14+$0x1A0]  }
0x299: {  	v9 =	vld [tilespmem:s14+$0x10]  }
0x29a: {  	v7 =	vld [tilespmem:s13+$0xFFFFFE00]  }
0x29b: {  	[tilespmem:s13+$0xFFFFFF80] =	vst v1;
	v1 =	vld [tilespmem:s14+$0xFFFFFF10]  }
0x29c: {  	v4 =	vld [tilespmem:s14+$0xFFFFFF90];
	v8 =	vadd.f32 v8, v10  }
0x29d: {  	v5 =	vadd.f32 v11, v5;
	v11 =	vld [tilespmem:s13+$0xFFFFFF10];
	v0 =	vadd.f32 v12, v0  }
0x29e: {  	v10 =	vld [tilespmem:s13+$0x110];
	[tilespmem:s13+$0xFFFFFE90] =	vst v8  }
0x29f: {  	v8 =	vld [tilespmem:s14+$0xFFFFFEA0];
	[tilespmem:s13+$0x1A0] =	vst v0;
	v0 =	vadd.f32 v2, v7  }
0x2a0: {  	[tilespmem:s13+$0x80] =	vst v5;
	v7 =	vld [tilespmem:s13+$0x1B0];
	v2 =	vadd.f32 v6, v3  }
0x2a1: {  	v5 =	vld [tilespmem:s14+$0x1B0];
	[tilespmem:s13+$0xFFFFFE00] =	vst v0  }
0x2a2: {  	v1 =	vadd.f32 v1, v11;
	[tilespmem:s13+$0x100] =	vst v2;
	v2 =	vld [tilespmem:s13+$0xFFFFFE10]  }
0x2a3: {  	v3 =	vld [tilespmem:s14+$0xFFFFFE10]  }
0x2a4: {  	[tilespmem:s13+$0xFFFFFF10] =	vst v1;
	v1 =	vadd.f32 v9, v13;
	v6 =	vld [tilespmem:s14+$0x110]  }
0x2a5: {  	v4 =	vadd.f32 v4, v59;
	v0 =	vld [tilespmem:s14+$0x90]  }
0x2a6: {  	v9 =	vld [tilespmem:s14+$0xFFFFFF20];
	[tilespmem:s13+$0x10] =	vst v1  }
0x2a7: {  	[tilespmem:s13+$0xFFFFFF90] =	vst v4;
	v4 =	vld [tilespmem:s14+$0x20]  }
0x2a8: {  	v2 =	vadd.f32 v3, v2;
	v3 =	vld [tilespmem:s13+$0x90]  }
0x2a9: {  	v1 =	vadd.f32 v6, v10;
	v10 =	vld [tilespmem:s13+$0xFFFFFF20]  }
0x2aa: {  	[tilespmem:s13+$0xFFFFFE10] =	vst v2;
	v2 =	vld [tilespmem:s13+$0xFFFFFE20]  }
0x2ab: {  	v11 =	vld [tilespmem:s14+$0xFFFFFE20]  }
0x2ac: {  	v5 =	vadd.f32 v5, v7;
	[tilespmem:s13+$0x110] =	vst v1;
	v1 =	vld [tilespmem:s13+$0xFFFFFEA0]  }
0x2ad: {  	v7 =	vld [tilespmem:s13+$0x30]  }
0x2ae: {  	[tilespmem:s13+$0x1B0] =	vst v5;
	v5 =	vld [tilespmem:s13+$0xB0]  }
0x2af: {  	v6 =	vld [tilespmem:s14+$0x120]  }
0x2b0: {  	v0 =	vadd.f32 v0, v3;
	v3 =	vld [tilespmem:s14+$0xFFFFFFA0];
	v2 =	vadd.f32 v11, v2  }
0x2b1: {  	v1 =	vadd.f32 v8, v1;
	v8 =	vadd.f32 v9, v10;
	v9 =	vld [tilespmem:s13+$0xFFFFFF30]  }
0x2b2: {  	[tilespmem:s13+$0xFFFFFE20] =	vst v2;
	v2 =	vld [tilespmem:s13+$0x120]  }
0x2b3: {  	[tilespmem:s13+$0x90] =	vst v0;
	v11 =	vld [tilespmem:s13+$0x20]  }
0x2b4: {  	v0 =	vld [tilespmem:s14+$0xA0];
	[tilespmem:s13+$0xFFFFFEA0] =	vst v1  }
0x2b5: {  	[tilespmem:s13+$0xFFFFFF20] =	vst v8;
	v8 =	vld [tilespmem:s13+$0xFFFFFFB0]  }
0x2b6: {  	v1 =	vadd.f32 v3, v60;
	v14 =	vld [tilespmem:s14+$0xFFFFFEB0]  }
0x2b7: {  	v10 =	vld [tilespmem:s14+$0xFFFFFE30];
	v6 =	vadd.f32 v6, v2  }
0x2b8: {  	[tilespmem:s13+$0xFFFFFFA0] =	vst v1;
	v3 =	vadd.f32 v4, v11;
	v4 =	vld [tilespmem:s14+$0xFFFFFF30]  }
0x2b9: {  	v0 =	vadd.f32 v0, v61;
	[tilespmem:s13+$0x120] =	vst v6;
	v6 =	vld [tilespmem:s13+$0xFFFFFEB0]  }
0x2ba: {  	v1 =	vld [tilespmem:s14+$0xFFFFFFB0];
	[tilespmem:s13+$0x20] =	vst v3  }
0x2bb: {  	[tilespmem:s13+$0xA0] =	vst v0;
	v2 =	vld [tilespmem:s14+$0x30]  }
0x2bc: {  	v3 =	vld [tilespmem:s14+$0xB0];
	v10 =	vadd.f32 v10, v62  }
0x2bd: {  	v0 =	vld [tilespmem:s14+$0x130]  }
0x2be: {  	s15 =	simm.s32 $0x0;
	s16 =	simm.s32 $0x600;
	[tilespmem:s13+$0xFFFFFE30] =	vst v10;
	v10 =	vadd.f32 v14, v6;
	v6 =	vld [tilespmem:s13+$0x130]  }
.LBB2_10:
0x2bf: {  	v11 =	vld [tilespmem:s16+$0x180];
	v4 =	vadd.f32 v4, v9;
	s14 =	sadd.s32 $0x400, s14  }
0x2c0: {  	s15 =	sadd.s32 $0x8, s15;
	v9 =	vld [tilespmem:s14+$0x180];
	[tilespmem:s13+$0xFFFFFEB0] =	vst v10;
	v1 =	vadd.f32 v1, v8  }
0x2c1: {  	p0 =	slt.u32 s15, $0x78;
	v8 =	vld [tilespmem:s14+$0xFFFFFE00];
	[tilespmem:s13+$0xFFFFFF30] =	vst v4;
	v2 =	vadd.f32 v2, v7  }
0x2c2: {  	v4 =	vld [tilespmem:s16+$0xFFFFFE80];
	[tilespmem:s13+$0xFFFFFFB0] =	vst v1;
	v1 =	vadd.f32 v3, v5  }
0x2c3: {  	v3 =	vld [tilespmem:s14+$0xFFFFFE80];
	[tilespmem:s13+$0x30] =	vst v2;
	v0 =	vadd.f32 v0, v6  }
0x2c4: {  	v2 =	vld [tilespmem:s16+$0xFFFFFF00];
	[tilespmem:s13+$0xB0] =	vst v1  }
0x2c5: {  	v1 =	vld [tilespmem:s14+$0xFFFFFF00];
	v5 =	vadd.f32 v9, v11;
	[tilespmem:s13+$0x130] =	vst v0;
	s13 =	smov.u32 s16  }
0x2c6: {  	v0 =	vld [tilespmem:s16+$0xFFFFFF80]  }
0x2c7: {  	[tilespmem:s16+$0x180] =	vst v5;
	v5 =	vld [tilespmem:s16+$0x190]  }
0x2c8: {  	v3 =	vadd.f32 v3, v4;
	v4 =	vld [tilespmem:s14+$0x190]  }
0x2c9: {  	v6 =	vld [tilespmem:s14+$0xFFFFFF80]  }
0x2ca: {  	[tilespmem:s16+$0xFFFFFE80] =	vst v3;
	v1 =	vadd.f32 v1, v2;
	v2 =	vld [tilespmem:s16+$0x0]  }
0x2cb: {  	v3 =	vld [tilespmem:s14+$0x0]  }
0x2cc: {  	[tilespmem:s16+$0xFFFFFF00] =	vst v1;
	v1 =	vld [tilespmem:s16+$0x80]  }
0x2cd: {  	v7 =	vld [tilespmem:s14+$0x80];
	v4 =	vadd.f32 v4, v5  }
0x2ce: {  	v0 =	vadd.f32 v6, v0;
	v5 =	vld [tilespmem:s16+$0x100]  }
0x2cf: {  	[tilespmem:s16+$0x190] =	vst v4;
	v4 =	vld [tilespmem:s16+$0x1A0]  }
0x2d0: {  	[tilespmem:s16+$0xFFFFFF80] =	vst v0;
	v0 =	vadd.f32 v3, v2;
	v2 =	vld [tilespmem:s14+$0x1A0]  }
0x2d1: {  	v3 =	vld [tilespmem:s14+$0x100]  }
0x2d2: {  	v6 =	vld [tilespmem:s16+$0xFFFFFE00];
	[tilespmem:s16+$0x0] =	vst v0;
	v0 =	vadd.f32 v7, v1  }
0x2d3: {  	v1 =	vld [tilespmem:s14+$0xFFFFFE90]  }
0x2d4: {  	v7 =	vld [tilespmem:s14+$0xFFFFFF10];
	[tilespmem:s16+$0x80] =	vst v0  }
0x2d5: {  	v0 =	vld [tilespmem:s14+$0xFFFFFF90];
	v2 =	vadd.f32 v2, v4  }
0x2d6: {  	v4 =	vld [tilespmem:s14+$0x10];
	v3 =	vadd.f32 v3, v5  }
0x2d7: {  	v5 =	vadd.f32 v8, v6;
	[tilespmem:s16+$0x1A0] =	vst v2;
	v2 =	vld [tilespmem:s16+$0x1B0]  }
0x2d8: {  	[tilespmem:s16+$0x100] =	vst v3;
	v3 =	vld [tilespmem:s14+$0x1B0]  }
0x2d9: {  	[tilespmem:s16+$0xFFFFFE00] =	vst v5;
	v5 =	vld [tilespmem:s14+$0x90]  }
0x2da: {  	v6 =	vld [tilespmem:s14+$0xFFFFFE10]  }
0x2db: {  	v8 =	vld [tilespmem:s14+$0x110]  }
0x2dc: {  	v9 =	vld [tilespmem:s16+$0xFFFFFE10]  }
0x2dd: {  	v10 =	vld [tilespmem:s16+$0xFFFFFE90];
	v2 =	vadd.f32 v3, v2  }
0x2de: {  	v3 =	vld [tilespmem:s16+$0xFFFFFF10]  }
0x2df: {  	v11 =	vld [tilespmem:s16+$0xFFFFFF90];
	[tilespmem:s16+$0x1B0] =	vst v2  }
0x2e0: {  	v2 =	vld [tilespmem:s16+$0x10]  }
0x2e1: {  	v6 =	vadd.f32 v6, v9;
	v9 =	vld [tilespmem:s16+$0x90]  }
0x2e2: {  	v1 =	vadd.f32 v1, v10;
	v10 =	vld [tilespmem:s16+$0x110]  }
0x2e3: {  	[tilespmem:s16+$0xFFFFFE10] =	vst v6;
	v6 =	vld [tilespmem:s16+$0xFFFFFE20];
	v3 =	vadd.f32 v7, v3  }
0x2e4: {  	v7 =	vld [tilespmem:s14+$0xFFFFFE20];
	[tilespmem:s16+$0xFFFFFE90] =	vst v1;
	v0 =	vadd.f32 v0, v11  }
0x2e5: {  	v1 =	vld [tilespmem:s14+$0xFFFFFEA0];
	[tilespmem:s16+$0xFFFFFF10] =	vst v3;
	v2 =	vadd.f32 v4, v2  }
0x2e6: {  	v3 =	vld [tilespmem:s14+$0xFFFFFF20];
	[tilespmem:s16+$0xFFFFFF90] =	vst v0;
	v0 =	vadd.f32 v5, v9  }
0x2e7: {  	v4 =	vld [tilespmem:s14+$0xFFFFFFA0];
	[tilespmem:s16+$0x10] =	vst v2;
	v2 =	vadd.f32 v8, v10  }
0x2e8: {  	v5 =	vld [tilespmem:s14+$0x20];
	[tilespmem:s16+$0x90] =	vst v0  }
0x2e9: {  	v0 =	vadd.f32 v7, v6;
	v6 =	vld [tilespmem:s14+$0xA0];
	[tilespmem:s16+$0x110] =	vst v2  }
0x2ea: {  	v2 =	vld [tilespmem:s14+$0x120]  }
0x2eb: {  	[tilespmem:s16+$0xFFFFFE20] =	vst v0;
	v0 =	vld [tilespmem:s16+$0xFFFFFEA0]  }
0x2ec: {  	v7 =	vld [tilespmem:s16+$0xFFFFFF20]  }
0x2ed: {  	v8 =	vld [tilespmem:s16+$0xFFFFFFA0]  }
0x2ee: {  	v9 =	vld [tilespmem:s16+$0x20]  }
0x2ef: {  	v10 =	vld [tilespmem:s16+$0xA0]  }
0x2f0: {  	v0 =	vadd.f32 v1, v0;
	v11 =	vld [tilespmem:s16+$0x120]  }
0x2f1: {  	v12 =	vld [tilespmem:s14+$0xFFFFFE30];
	v1 =	vadd.f32 v3, v7  }
0x2f2: {  	v3 =	vld [tilespmem:s16+$0xFFFFFE30];
	[tilespmem:s16+$0xFFFFFEA0] =	vst v0;
	v0 =	vadd.f32 v4, v8  }
0x2f3: {  	v13 =	vld [tilespmem:s14+$0xFFFFFEB0];
	[tilespmem:s16+$0xFFFFFF20] =	vst v1;
	v5 =	vadd.f32 v5, v9  }
0x2f4: {  	v4 =	vld [tilespmem:s14+$0xFFFFFF30];
	[tilespmem:s16+$0xFFFFFFA0] =	vst v0;
	v0 =	vadd.f32 v6, v10  }
0x2f5: {  	v1 =	vld [tilespmem:s14+$0xFFFFFFB0];
	[tilespmem:s16+$0x20] =	vst v5;
	v5 =	vadd.f32 v2, v11  }
0x2f6: {  	v2 =	vld [tilespmem:s14+$0x30];
	[tilespmem:s16+$0xA0] =	vst v0  }
0x2f7: {  	v6 =	vadd.f32 v12, v3;
	v3 =	vld [tilespmem:s14+$0xB0];
	[tilespmem:s16+$0x120] =	vst v5  }
0x2f8: {  	v0 =	vld [tilespmem:s14+$0x130]  }
0x2f9: {  	[tilespmem:s16+$0xFFFFFE30] =	vst v6;
	v6 =	vld [tilespmem:s16+$0xFFFFFEB0]  }
.Ltmp4:
0x2fa: {  	v9 =	vld [tilespmem:s16+$0xFFFFFF30];
	(pc) =	sbr.rel @p0 .LBB2_10-.Ltmp4, $4  }
0x2fb: {  	v8 =	vld [tilespmem:s16+$0xFFFFFFB0]  }
0x2fc: {  	v7 =	vld [tilespmem:s16+$0x30]  }
0x2fd: {  	v5 =	vld [tilespmem:s16+$0xB0]  }
0x2fe: {  	s16 =	sadd.s32 $0x400, s16;
	v10 =	vadd.f32 v13, v6;
	v6 =	vld [tilespmem:s13+$0x130]  }
0x2ff: {  	v4 =	vadd.f32 v4, v9  }
0x300: {  	[tilespmem:s13+$0xFFFFFEB0] =	vst v10;
	v1 =	vadd.f32 v1, v8  }
0x301: {  	[tilespmem:s13+$0xFFFFFF30] =	vst v4;
	v2 =	vadd.f32 v2, v7  }
0x302: {  	[tilespmem:s13+$0xFFFFFFB0] =	vst v1;
	v1 =	vadd.f32 v3, v5  }
0x303: {  	[tilespmem:s13+$0x30] =	vst v2;
	v0 =	vadd.f32 v0, v6  }
0x304: {  	[tilespmem:s13+$0xB0] =	vst v1  }
0x305: {  	s16 =	simm.s32 $0x0;
	[tilespmem:s13+$0x130] =	vst v0  }
0x306: {  	[hbm4b:s23+s16] =	stream.linear.scatter [tilespmem:s16], [sflag:$0x9], $0x4000, $0x38;
	v63 =	vld [tilespmem:$0x0]  }
0x307: {  	_ =	swait.ge [sflag:s3], $0x4000  }
0x308: {  	[sflag:s3] =	ssyncset.done $0x0  }
0x309: {  	[sflag:s3] =	ssyncadd.s32 $0xFFFFC000  }
0x30a: {  	_ =	swait.ge [sflag:s4], $0x4000  }
0x30b: {  	[sflag:s4] =	ssyncset.done $0x0  }
0x30c: {  	s13 =	simm.s32 $0x0;
	[sflag:s4] =	ssyncadd.s32 $0xFFFFC000  }
0x30d: {  	v0 =	vld [tilespmem:s13+$0x43B0]  }
0x30e: {  	v1 =	vld [tilespmem:s13+$0x143B0]  }
0x30f: {  	v2 =	vld [tilespmem:s13+$0x4000]  }
0x310: {  	v3 =	vld [tilespmem:s13+$0x14000]  }
0x311: {  	v4 =	vld [tilespmem:s13+$0x4010]  }
0x312: {  	v5 =	vld [tilespmem:s13+$0x14010]  }
0x313: {  	v6 =	vld [tilespmem:s13+$0x4020]  }
0x314: {  	v7 =	vld [tilespmem:s13+$0x14020]  }
0x315: {  	v47 =	vld [tilespmem:s13+$0x4030]  }
0x316: {  	v48 =	vld [tilespmem:s13+$0x14030]  }
0x317: {  	v49 =	vld [tilespmem:s13+$0x4080]  }
0x318: {  	v11 =	vld [tilespmem:s13+$0x14080]  }
0x319: {  	v12 =	vld [tilespmem:s13+$0x4090]  }
0x31a: {  	v13 =	vld [tilespmem:s13+$0x14090]  }
0x31b: {  	v14 =	vld [tilespmem:s13+$0x40A0]  }
0x31c: {  	v15 =	vld [tilespmem:s13+$0x140A0]  }
0x31d: {  	v16 =	vld [tilespmem:s13+$0x40B0]  }
0x31e: {  	v17 =	vld [tilespmem:s13+$0x140B0]  }
0x31f: {  	v18 =	vld [tilespmem:s13+$0x4100]  }
0x320: {  	v19 =	vld [tilespmem:s13+$0x14100]  }
0x321: {  	v20 =	vld [tilespmem:s13+$0x4110]  }
0x322: {  	v21 =	vld [tilespmem:s13+$0x14110]  }
0x323: {  	v22 =	vld [tilespmem:s13+$0x4120]  }
0x324: {  	v23 =	vld [tilespmem:s13+$0x14120]  }
0x325: {  	v24 =	vld [tilespmem:s13+$0x4130]  }
0x326: {  	v25 =	vld [tilespmem:s13+$0x14130]  }
0x327: {  	v26 =	vld [tilespmem:s13+$0x4180]  }
0x328: {  	v27 =	vld [tilespmem:s13+$0x14180]  }
0x329: {  	v28 =	vld [tilespmem:s13+$0x4190]  }
0x32a: {  	v29 =	vld [tilespmem:s13+$0x14190]  }
0x32b: {  	v30 =	vld [tilespmem:s13+$0x41A0]  }
0x32c: {  	v31 =	vld [tilespmem:s13+$0x141A0]  }
0x32d: {  	v32 =	vld [tilespmem:s13+$0x41B0]  }
0x32e: {  	v50 =	vld [tilespmem:s13+$0x14220];
	v0 =	vadd.f32 v1, v0  }
0x32f: {  	v51 =	vld [tilespmem:s13+$0x4230];
	v2 =	vadd.f32 v3, v2  }
0x330: {  	v52 =	vld [tilespmem:s13+$0x14230];
	[tilespmem:s13+$0x43B0] =	vst v0;
	v0 =	vadd.f32 v5, v4  }
0x331: {  	v53 =	vld [tilespmem:s13+$0x4280];
	[tilespmem:s13+$0x4000] =	vst v2;
	v2 =	vadd.f32 v7, v6  }
0x332: {  	v54 =	vld [tilespmem:s13+$0x14280];
	[tilespmem:s13+$0x4010] =	vst v0;
	v0 =	vadd.f32 v48, v47  }
0x333: {  	v55 =	vld [tilespmem:s13+$0x4290];
	[tilespmem:s13+$0x4020] =	vst v2;
	v2 =	vadd.f32 v11, v49  }
0x334: {  	v56 =	vld [tilespmem:s13+$0x14290];
	[tilespmem:s13+$0x4030] =	vst v0;
	v0 =	vadd.f32 v13, v12  }
0x335: {  	v57 =	vld [tilespmem:s13+$0x42A0];
	[tilespmem:s13+$0x4080] =	vst v2;
	v2 =	vadd.f32 v15, v14  }
0x336: {  	v58 =	vld [tilespmem:s13+$0x142A0];
	[tilespmem:s13+$0x4090] =	vst v0;
	v0 =	vadd.f32 v17, v16  }
0x337: {  	v1 =	vld [tilespmem:s13+$0x141B0];
	[tilespmem:s13+$0x40A0] =	vst v2;
	v2 =	vadd.f32 v19, v18  }
0x338: {  	v3 =	vld [tilespmem:s13+$0x4200];
	[tilespmem:s13+$0x40B0] =	vst v0;
	v0 =	vadd.f32 v21, v20  }
0x339: {  	v4 =	vld [tilespmem:s13+$0x14200];
	[tilespmem:s13+$0x4100] =	vst v2;
	v2 =	vadd.f32 v23, v22  }
0x33a: {  	v5 =	vld [tilespmem:s13+$0x4210];
	[tilespmem:s13+$0x4110] =	vst v0;
	v0 =	vadd.f32 v25, v24  }
0x33b: {  	v6 =	vld [tilespmem:s13+$0x14210];
	[tilespmem:s13+$0x4120] =	vst v2;
	v2 =	vadd.f32 v27, v26  }
0x33c: {  	v7 =	vld [tilespmem:s13+$0x4220];
	[tilespmem:s13+$0x4130] =	vst v0;
	v0 =	vadd.f32 v29, v28  }
0x33d: {  	v59 =	vld [tilespmem:s13+$0x42B0];
	[tilespmem:s13+$0x4180] =	vst v2;
	v2 =	vadd.f32 v31, v30  }
0x33e: {  	v60 =	vld [tilespmem:s13+$0x14320];
	[tilespmem:s13+$0x4190] =	vst v0;
	v0 =	vadd.f32 v1, v32  }
0x33f: {  	v1 =	vld [tilespmem:s13+$0x142B0];
	[tilespmem:s13+$0x41A0] =	vst v2;
	v2 =	vadd.f32 v4, v3  }
0x340: {  	v3 =	vld [tilespmem:s13+$0x4300];
	[tilespmem:s13+$0x41B0] =	vst v0;
	v0 =	vadd.f32 v6, v5  }
0x341: {  	v4 =	vld [tilespmem:s13+$0x14300];
	[tilespmem:s13+$0x4200] =	vst v2;
	v2 =	vadd.f32 v50, v7  }
0x342: {  	v5 =	vld [tilespmem:s13+$0x4310];
	[tilespmem:s13+$0x4210] =	vst v0;
	v0 =	vadd.f32 v52, v51  }
0x343: {  	v6 =	vld [tilespmem:s13+$0x14310];
	[tilespmem:s13+$0x4220] =	vst v2;
	v2 =	vadd.f32 v54, v53  }
0x344: {  	v7 =	vld [tilespmem:s13+$0x4320];
	v1 =	vadd.f32 v1, v59;
	[tilespmem:s13+$0x4230] =	vst v0  }
0x345: {  	v61 =	vld [tilespmem:s13+$0x4330];
	v0 =	vadd.f32 v56, v55;
	[tilespmem:s13+$0x4280] =	vst v2  }
0x346: {  	v62 =	vld [tilespmem:s13+$0x14330];
	v2 =	vadd.f32 v58, v57;
	[tilespmem:s13+$0x42B0] =	vst v1  }
0x347: {  	v3 =	vadd.f32 v4, v3;
	[tilespmem:s13+$0x4290] =	vst v0;
	v0 =	vld [tilespmem:s13+$0x4380]  }
0x348: {  	v4 =	vadd.f32 v6, v5;
	[tilespmem:s13+$0x42A0] =	vst v2;
	v2 =	vld [tilespmem:s13+$0x14380]  }
0x349: {  	[tilespmem:s13+$0x4300] =	vst v3;
	v5 =	vadd.f32 v60, v7;
	v1 =	vld [tilespmem:s13+$0x4390]  }
0x34a: {  	v3 =	vld [tilespmem:s13+$0x14390];
	[tilespmem:s13+$0x4310] =	vst v4  }
0x34b: {  	s14 =	simm.s32 $0x0;
	s15 =	simm.s32 $0x1000;
	[tilespmem:s13+$0x4320] =	vst v5;
	v5 =	vadd.f32 v62, v61;
	v4 =	vld [tilespmem:s13+$0x43A0]  }
.LBB2_12:
0x34c: {  	s16 =	sshra.s32 s15, $0x2;
	v6 =	vld [tilespmem:s13+$0x143A0]  }
0x34d: {  	s14 =	sadd.s32 $0x8, s14;
	v7 =	vld [tilespmem:s16+$0x43B0];
	[tilespmem:s13+$0x4330] =	vst v5;
	v0 =	vadd.f32 v2, v0  }
0x34e: {  	p0 =	slt.u32 s14, $0x78;
	v2 =	vld [tilespmem:s16+$0x143B0]  }
0x34f: {  	v5 =	vld [tilespmem:s16+$0x4000];
	[tilespmem:s13+$0x4380] =	vst v0;
	v0 =	vadd.f32 v3, v1  }
0x350: {  	v1 =	vld [tilespmem:s16+$0x14000]  }
0x351: {  	v3 =	vld [tilespmem:s16+$0x4010];
	[tilespmem:s13+$0x4390] =	vst v0;
	v0 =	vadd.f32 v6, v4  }
0x352: {  	v4 =	vld [tilespmem:s16+$0x14010]  }
0x353: {  	v6 =	vld [tilespmem:s16+$0x4020];
	v2 =	vadd.f32 v2, v7;
	[tilespmem:s13+$0x43A0] =	vst v0;
	s13 =	smov.u32 s16  }
0x354: {  	v0 =	vld [tilespmem:s13+$0x14020]  }
0x355: {  	v1 =	vadd.f32 v1, v5;
	v5 =	vld [tilespmem:s13+$0x4030];
	[tilespmem:s13+$0x43B0] =	vst v2  }
0x356: {  	v2 =	vld [tilespmem:s13+$0x14030]  }
0x357: {  	[tilespmem:s13+$0x4000] =	vst v1;
	v1 =	vadd.f32 v4, v3;
	v3 =	vld [tilespmem:s13+$0x4080]  }
0x358: {  	v4 =	vld [tilespmem:s13+$0x14080]  }
0x359: {  	[tilespmem:s13+$0x4010] =	vst v1;
	v0 =	vadd.f32 v0, v6;
	v1 =	vld [tilespmem:s13+$0x4090]  }
0x35a: {  	v6 =	vld [tilespmem:s13+$0x14090]  }
0x35b: {  	[tilespmem:s13+$0x4020] =	vst v0;
	v0 =	vadd.f32 v2, v5;
	v2 =	vld [tilespmem:s13+$0x40A0]  }
0x35c: {  	v5 =	vld [tilespmem:s13+$0x140A0]  }
0x35d: {  	[tilespmem:s13+$0x4030] =	vst v0;
	v0 =	vadd.f32 v4, v3;
	v3 =	vld [tilespmem:s13+$0x40B0]  }
0x35e: {  	v4 =	vld [tilespmem:s13+$0x140B0]  }
0x35f: {  	[tilespmem:s13+$0x4080] =	vst v0;
	v0 =	vadd.f32 v6, v1;
	v1 =	vld [tilespmem:s13+$0x4100]  }
0x360: {  	v6 =	vld [tilespmem:s13+$0x14100]  }
0x361: {  	[tilespmem:s13+$0x4090] =	vst v0;
	v0 =	vadd.f32 v5, v2;
	v2 =	vld [tilespmem:s13+$0x4110]  }
0x362: {  	v5 =	vld [tilespmem:s13+$0x14110]  }
0x363: {  	[tilespmem:s13+$0x40A0] =	vst v0;
	v0 =	vadd.f32 v4, v3;
	v3 =	vld [tilespmem:s13+$0x4120]  }
0x364: {  	v4 =	vld [tilespmem:s13+$0x14120]  }
0x365: {  	[tilespmem:s13+$0x40B0] =	vst v0;
	v0 =	vadd.f32 v6, v1;
	v1 =	vld [tilespmem:s13+$0x4130]  }
0x366: {  	v6 =	vld [tilespmem:s13+$0x14130]  }
0x367: {  	[tilespmem:s13+$0x4100] =	vst v0;
	v0 =	vadd.f32 v5, v2;
	v2 =	vld [tilespmem:s13+$0x4180]  }
0x368: {  	v5 =	vld [tilespmem:s13+$0x14180]  }
0x369: {  	[tilespmem:s13+$0x4110] =	vst v0;
	v0 =	vadd.f32 v4, v3;
	v3 =	vld [tilespmem:s13+$0x4190]  }
0x36a: {  	v4 =	vld [tilespmem:s13+$0x14190]  }
0x36b: {  	[tilespmem:s13+$0x4120] =	vst v0;
	v0 =	vadd.f32 v6, v1;
	v1 =	vld [tilespmem:s13+$0x41A0]  }
0x36c: {  	v6 =	vld [tilespmem:s13+$0x141A0]  }
0x36d: {  	[tilespmem:s13+$0x4130] =	vst v0;
	v0 =	vadd.f32 v5, v2;
	v2 =	vld [tilespmem:s13+$0x41B0]  }
0x36e: {  	v5 =	vld [tilespmem:s13+$0x141B0]  }
0x36f: {  	[tilespmem:s13+$0x4180] =	vst v0;
	v0 =	vadd.f32 v4, v3;
	v3 =	vld [tilespmem:s13+$0x4200]  }
0x370: {  	v4 =	vld [tilespmem:s13+$0x14200]  }
0x371: {  	[tilespmem:s13+$0x4190] =	vst v0;
	v0 =	vadd.f32 v6, v1;
	v1 =	vld [tilespmem:s13+$0x4210]  }
0x372: {  	v6 =	vld [tilespmem:s13+$0x14210]  }
0x373: {  	[tilespmem:s13+$0x41A0] =	vst v0;
	v0 =	vadd.f32 v5, v2;
	v2 =	vld [tilespmem:s13+$0x4220]  }
0x374: {  	v5 =	vld [tilespmem:s13+$0x14220]  }
0x375: {  	[tilespmem:s13+$0x41B0] =	vst v0;
	v0 =	vadd.f32 v4, v3;
	v3 =	vld [tilespmem:s13+$0x4230]  }
0x376: {  	v4 =	vld [tilespmem:s13+$0x14230]  }
0x377: {  	[tilespmem:s13+$0x4200] =	vst v0;
	v0 =	vadd.f32 v6, v1;
	v1 =	vld [tilespmem:s13+$0x4280]  }
0x378: {  	v6 =	vld [tilespmem:s13+$0x14280]  }
0x379: {  	[tilespmem:s13+$0x4210] =	vst v0;
	v0 =	vadd.f32 v5, v2;
	v2 =	vld [tilespmem:s13+$0x4290]  }
0x37a: {  	v5 =	vld [tilespmem:s13+$0x14290]  }
0x37b: {  	[tilespmem:s13+$0x4220] =	vst v0;
	v0 =	vadd.f32 v4, v3;
	v3 =	vld [tilespmem:s13+$0x42A0]  }
0x37c: {  	v4 =	vld [tilespmem:s13+$0x142A0]  }
0x37d: {  	[tilespmem:s13+$0x4230] =	vst v0;
	v0 =	vadd.f32 v6, v1;
	v1 =	vld [tilespmem:s13+$0x42B0]  }
0x37e: {  	v6 =	vld [tilespmem:s13+$0x142B0]  }
0x37f: {  	[tilespmem:s13+$0x4280] =	vst v0;
	v0 =	vadd.f32 v5, v2;
	v2 =	vld [tilespmem:s13+$0x4300]  }
0x380: {  	v5 =	vld [tilespmem:s13+$0x14300]  }
0x381: {  	[tilespmem:s13+$0x4290] =	vst v0;
	v0 =	vadd.f32 v4, v3;
	v3 =	vld [tilespmem:s13+$0x4310]  }
0x382: {  	v4 =	vld [tilespmem:s13+$0x14310]  }
0x383: {  	[tilespmem:s13+$0x42A0] =	vst v0;
	v0 =	vadd.f32 v6, v1;
	v1 =	vld [tilespmem:s13+$0x4320]  }
0x384: {  	v6 =	vld [tilespmem:s13+$0x14320]  }
0x385: {  	[tilespmem:s13+$0x42B0] =	vst v0;
	v0 =	vadd.f32 v5, v2;
	v5 =	vld [tilespmem:s13+$0x4330]  }
0x386: {  	v7 =	vld [tilespmem:s13+$0x14330]  }
.Ltmp5:
0x387: {  	[tilespmem:s13+$0x4300] =	vst v0;
	v3 =	vadd.f32 v4, v3;
	v0 =	vld [tilespmem:s13+$0x4380];
	(pc) =	sbr.rel @p0 .LBB2_12-.Ltmp5, $4  }
0x388: {  	v2 =	vld [tilespmem:s13+$0x14380]  }
0x389: {  	[tilespmem:s13+$0x4310] =	vst v3;
	v4 =	vadd.f32 v6, v1;
	v1 =	vld [tilespmem:s13+$0x4390]  }
0x38a: {  	v3 =	vld [tilespmem:s13+$0x14390]  }
0x38b: {  	s15 =	sadd.s32 $0x1000, s15;
	[tilespmem:s13+$0x4320] =	vst v4;
	v5 =	vadd.f32 v7, v5;
	v4 =	vld [tilespmem:s13+$0x43A0]  }
0x38c: {  	v6 =	vld [tilespmem:s13+$0x143A0];
	_ =	sdelay $0x2  }
0x38d: {  	v0 =	vadd.f32 v2, v0  }
0x38e: {  	[tilespmem:s13+$0x4330] =	vst v5;
	v1 =	vadd.f32 v3, v1  }
0x38f: {  	[tilespmem:s13+$0x4380] =	vst v0;
	v0 =	vadd.f32 v6, v4  }
0x390: {  	[tilespmem:s13+$0x4390] =	vst v1  }
0x391: {  	s16 =	simm.s32 $0x0;
	[tilespmem:s13+$0x43A0] =	vst v0  }
0x392: {  	[hbm4b:s24+s16] =	stream.linear.scatter [tilespmem:s30], [sflag:$0xA], $0x4000, $0x38;
	v63 =	vld [tilespmem:$0x0]  }
0x393: {  	_ =	swait.ge [sflag:s6], $0x4000  }
0x394: {  	[sflag:s6] =	ssyncset.done $0x0  }
0x395: {  	[sflag:s6] =	ssyncadd.s32 $0xFFFFC000  }
0x396: {  	_ =	swait.ge [sflag:s7], $0x4000  }
0x397: {  	[sflag:s7] =	ssyncset.done $0x0  }
0x398: {  	s13 =	simm.s32 $0x0;
	[sflag:s7] =	ssyncadd.s32 $0xFFFFC000  }
0x399: {  	v0 =	vld [tilespmem:s13+$0x83B0]  }
0x39a: {  	v1 =	vld [tilespmem:s13+$0x183B0]  }
0x39b: {  	v2 =	vld [tilespmem:s13+$0x8000]  }
0x39c: {  	v3 =	vld [tilespmem:s13+$0x18000]  }
0x39d: {  	v4 =	vld [tilespmem:s13+$0x8010]  }
0x39e: {  	v5 =	vld [tilespmem:s13+$0x18010]  }
0x39f: {  	v6 =	vld [tilespmem:s13+$0x8020]  }
0x3a0: {  	v7 =	vld [tilespmem:s13+$0x18020]  }
0x3a1: {  	v8 =	vld [tilespmem:s13+$0x8030]  }
0x3a2: {  	v9 =	vld [tilespmem:s13+$0x18030]  }
0x3a3: {  	v10 =	vld [tilespmem:s13+$0x8080]  }
0x3a4: {  	v11 =	vld [tilespmem:s13+$0x18080]  }
0x3a5: {  	v12 =	vld [tilespmem:s13+$0x8090]  }
0x3a6: {  	v13 =	vld [tilespmem:s13+$0x18090]  }
0x3a7: {  	v14 =	vld [tilespmem:s13+$0x80A0]  }
0x3a8: {  	v15 =	vld [tilespmem:s13+$0x180A0]  }
0x3a9: {  	v16 =	vld [tilespmem:s13+$0x80B0]  }
0x3aa: {  	v17 =	vld [tilespmem:s13+$0x180B0]  }
0x3ab: {  	v18 =	vld [tilespmem:s13+$0x8100]  }
0x3ac: {  	v19 =	vld [tilespmem:s13+$0x18100]  }
0x3ad: {  	v20 =	vld [tilespmem:s13+$0x8110]  }
0x3ae: {  	v21 =	vld [tilespmem:s13+$0x18110]  }
0x3af: {  	v22 =	vld [tilespmem:s13+$0x8120]  }
0x3b0: {  	v23 =	vld [tilespmem:s13+$0x18120]  }
0x3b1: {  	v24 =	vld [tilespmem:s13+$0x8130]  }
0x3b2: {  	v25 =	vld [tilespmem:s13+$0x18130]  }
0x3b3: {  	v26 =	vld [tilespmem:s13+$0x8180]  }
0x3b4: {  	v27 =	vld [tilespmem:s13+$0x18180]  }
0x3b5: {  	v28 =	vld [tilespmem:s13+$0x8190]  }
0x3b6: {  	v29 =	vld [tilespmem:s13+$0x18190]  }
0x3b7: {  	v30 =	vld [tilespmem:s13+$0x81A0]  }
0x3b8: {  	v31 =	vld [tilespmem:s13+$0x181A0]  }
0x3b9: {  	v32 =	vld [tilespmem:s13+$0x81B0]  }
0x3ba: {  	v50 =	vld [tilespmem:s13+$0x18220];
	v0 =	vadd.f32 v1, v0  }
0x3bb: {  	v51 =	vld [tilespmem:s13+$0x8230];
	v2 =	vadd.f32 v3, v2  }
0x3bc: {  	v52 =	vld [tilespmem:s13+$0x18230];
	[tilespmem:s13+$0x83B0] =	vst v0;
	v0 =	vadd.f32 v5, v4  }
0x3bd: {  	v53 =	vld [tilespmem:s13+$0x8280];
	[tilespmem:s13+$0x8000] =	vst v2;
	v2 =	vadd.f32 v7, v6  }
0x3be: {  	v54 =	vld [tilespmem:s13+$0x18280];
	[tilespmem:s13+$0x8010] =	vst v0;
	v0 =	vadd.f32 v9, v8  }
0x3bf: {  	v55 =	vld [tilespmem:s13+$0x8290];
	[tilespmem:s13+$0x8020] =	vst v2;
	v2 =	vadd.f32 v11, v10  }
0x3c0: {  	v56 =	vld [tilespmem:s13+$0x18290];
	[tilespmem:s13+$0x8030] =	vst v0;
	v0 =	vadd.f32 v13, v12  }
0x3c1: {  	v57 =	vld [tilespmem:s13+$0x82A0];
	[tilespmem:s13+$0x8080] =	vst v2;
	v2 =	vadd.f32 v15, v14  }
0x3c2: {  	v58 =	vld [tilespmem:s13+$0x182A0];
	[tilespmem:s13+$0x8090] =	vst v0;
	v0 =	vadd.f32 v17, v16  }
0x3c3: {  	v1 =	vld [tilespmem:s13+$0x181B0];
	[tilespmem:s13+$0x80A0] =	vst v2;
	v2 =	vadd.f32 v19, v18  }
0x3c4: {  	v3 =	vld [tilespmem:s13+$0x8200];
	[tilespmem:s13+$0x80B0] =	vst v0;
	v0 =	vadd.f32 v21, v20  }
0x3c5: {  	v4 =	vld [tilespmem:s13+$0x18200];
	[tilespmem:s13+$0x8100] =	vst v2;
	v2 =	vadd.f32 v23, v22  }
0x3c6: {  	v5 =	vld [tilespmem:s13+$0x8210];
	[tilespmem:s13+$0x8110] =	vst v0;
	v0 =	vadd.f32 v25, v24  }
0x3c7: {  	v6 =	vld [tilespmem:s13+$0x18210];
	[tilespmem:s13+$0x8120] =	vst v2;
	v2 =	vadd.f32 v27, v26  }
0x3c8: {  	v7 =	vld [tilespmem:s13+$0x8220];
	[tilespmem:s13+$0x8130] =	vst v0;
	v0 =	vadd.f32 v29, v28  }
0x3c9: {  	v59 =	vld [tilespmem:s13+$0x82B0];
	[tilespmem:s13+$0x8180] =	vst v2;
	v2 =	vadd.f32 v31, v30  }
0x3ca: {  	v60 =	vld [tilespmem:s13+$0x18320];
	[tilespmem:s13+$0x8190] =	vst v0;
	v0 =	vadd.f32 v1, v32  }
0x3cb: {  	v1 =	vld [tilespmem:s13+$0x182B0];
	[tilespmem:s13+$0x81A0] =	vst v2;
	v2 =	vadd.f32 v4, v3  }
0x3cc: {  	v3 =	vld [tilespmem:s13+$0x8300];
	[tilespmem:s13+$0x81B0] =	vst v0;
	v0 =	vadd.f32 v6, v5  }
0x3cd: {  	v4 =	vld [tilespmem:s13+$0x18300];
	[tilespmem:s13+$0x8200] =	vst v2;
	v2 =	vadd.f32 v50, v7  }
0x3ce: {  	v5 =	vld [tilespmem:s13+$0x8310];
	[tilespmem:s13+$0x8210] =	vst v0;
	v0 =	vadd.f32 v52, v51  }
0x3cf: {  	v6 =	vld [tilespmem:s13+$0x18310];
	[tilespmem:s13+$0x8220] =	vst v2;
	v2 =	vadd.f32 v54, v53  }
0x3d0: {  	v7 =	vld [tilespmem:s13+$0x8320];
	v1 =	vadd.f32 v1, v59;
	[tilespmem:s13+$0x8230] =	vst v0  }
0x3d1: {  	v61 =	vld [tilespmem:s13+$0x8330];
	v0 =	vadd.f32 v56, v55;
	[tilespmem:s13+$0x8280] =	vst v2  }
0x3d2: {  	v62 =	vld [tilespmem:s13+$0x18330];
	v2 =	vadd.f32 v58, v57;
	[tilespmem:s13+$0x82B0] =	vst v1  }
0x3d3: {  	v3 =	vadd.f32 v4, v3;
	[tilespmem:s13+$0x8290] =	vst v0;
	v0 =	vld [tilespmem:s13+$0x8380]  }
0x3d4: {  	v4 =	vadd.f32 v6, v5;
	[tilespmem:s13+$0x82A0] =	vst v2;
	v2 =	vld [tilespmem:s13+$0x18380]  }
0x3d5: {  	[tilespmem:s13+$0x8300] =	vst v3;
	v5 =	vadd.f32 v60, v7;
	v1 =	vld [tilespmem:s13+$0x8390]  }
0x3d6: {  	v3 =	vld [tilespmem:s13+$0x18390];
	[tilespmem:s13+$0x8310] =	vst v4  }
0x3d7: {  	s14 =	simm.s32 $0x0;
	s15 =	simm.s32 $0x1000;
	[tilespmem:s13+$0x8320] =	vst v5;
	v5 =	vadd.f32 v62, v61;
	v4 =	vld [tilespmem:s13+$0x83A0]  }
.LBB2_14:
0x3d8: {  	s16 =	sshra.s32 s15, $0x2;
	v6 =	vld [tilespmem:s13+$0x183A0]  }
0x3d9: {  	s14 =	sadd.s32 $0x8, s14;
	v7 =	vld [tilespmem:s16+$0x83B0];
	[tilespmem:s13+$0x8330] =	vst v5;
	v0 =	vadd.f32 v2, v0  }
0x3da: {  	p0 =	slt.u32 s14, $0x78;
	v2 =	vld [tilespmem:s16+$0x183B0]  }
0x3db: {  	v5 =	vld [tilespmem:s16+$0x8000];
	[tilespmem:s13+$0x8380] =	vst v0;
	v0 =	vadd.f32 v3, v1  }
0x3dc: {  	v1 =	vld [tilespmem:s16+$0x18000]  }
0x3dd: {  	v3 =	vld [tilespmem:s16+$0x8010];
	[tilespmem:s13+$0x8390] =	vst v0;
	v0 =	vadd.f32 v6, v4  }
0x3de: {  	v4 =	vld [tilespmem:s16+$0x18010]  }
0x3df: {  	v6 =	vld [tilespmem:s16+$0x8020];
	v2 =	vadd.f32 v2, v7;
	[tilespmem:s13+$0x83A0] =	vst v0;
	s13 =	smov.u32 s16  }
0x3e0: {  	v0 =	vld [tilespmem:s13+$0x18020]  }
0x3e1: {  	v1 =	vadd.f32 v1, v5;
	v5 =	vld [tilespmem:s13+$0x8030];
	[tilespmem:s13+$0x83B0] =	vst v2  }
0x3e2: {  	v2 =	vld [tilespmem:s13+$0x18030]  }
0x3e3: {  	[tilespmem:s13+$0x8000] =	vst v1;
	v1 =	vadd.f32 v4, v3;
	v3 =	vld [tilespmem:s13+$0x8080]  }
0x3e4: {  	v4 =	vld [tilespmem:s13+$0x18080]  }
0x3e5: {  	[tilespmem:s13+$0x8010] =	vst v1;
	v0 =	vadd.f32 v0, v6;
	v1 =	vld [tilespmem:s13+$0x8090]  }
0x3e6: {  	v6 =	vld [tilespmem:s13+$0x18090]  }
0x3e7: {  	[tilespmem:s13+$0x8020] =	vst v0;
	v0 =	vadd.f32 v2, v5;
	v2 =	vld [tilespmem:s13+$0x80A0]  }
0x3e8: {  	v5 =	vld [tilespmem:s13+$0x180A0]  }
0x3e9: {  	[tilespmem:s13+$0x8030] =	vst v0;
	v0 =	vadd.f32 v4, v3;
	v3 =	vld [tilespmem:s13+$0x80B0]  }
0x3ea: {  	v4 =	vld [tilespmem:s13+$0x180B0]  }
0x3eb: {  	[tilespmem:s13+$0x8080] =	vst v0;
	v0 =	vadd.f32 v6, v1;
	v1 =	vld [tilespmem:s13+$0x8100]  }
0x3ec: {  	v6 =	vld [tilespmem:s13+$0x18100]  }
0x3ed: {  	[tilespmem:s13+$0x8090] =	vst v0;
	v0 =	vadd.f32 v5, v2;
	v2 =	vld [tilespmem:s13+$0x8110]  }
0x3ee: {  	v5 =	vld [tilespmem:s13+$0x18110]  }
0x3ef: {  	[tilespmem:s13+$0x80A0] =	vst v0;
	v0 =	vadd.f32 v4, v3;
	v3 =	vld [tilespmem:s13+$0x8120]  }
0x3f0: {  	v4 =	vld [tilespmem:s13+$0x18120]  }
0x3f1: {  	[tilespmem:s13+$0x80B0] =	vst v0;
	v0 =	vadd.f32 v6, v1;
	v1 =	vld [tilespmem:s13+$0x8130]  }
0x3f2: {  	v6 =	vld [tilespmem:s13+$0x18130]  }
0x3f3: {  	[tilespmem:s13+$0x8100] =	vst v0;
	v0 =	vadd.f32 v5, v2;
	v2 =	vld [tilespmem:s13+$0x8180]  }
0x3f4: {  	v5 =	vld [tilespmem:s13+$0x18180]  }
0x3f5: {  	[tilespmem:s13+$0x8110] =	vst v0;
	v0 =	vadd.f32 v4, v3;
	v3 =	vld [tilespmem:s13+$0x8190]  }
0x3f6: {  	v4 =	vld [tilespmem:s13+$0x18190]  }
0x3f7: {  	[tilespmem:s13+$0x8120] =	vst v0;
	v0 =	vadd.f32 v6, v1;
	v1 =	vld [tilespmem:s13+$0x81A0]  }
0x3f8: {  	v6 =	vld [tilespmem:s13+$0x181A0]  }
0x3f9: {  	[tilespmem:s13+$0x8130] =	vst v0;
	v0 =	vadd.f32 v5, v2;
	v2 =	vld [tilespmem:s13+$0x81B0]  }
0x3fa: {  	v5 =	vld [tilespmem:s13+$0x181B0]  }
0x3fb: {  	[tilespmem:s13+$0x8180] =	vst v0;
	v0 =	vadd.f32 v4, v3;
	v3 =	vld [tilespmem:s13+$0x8200]  }
0x3fc: {  	v4 =	vld [tilespmem:s13+$0x18200]  }
0x3fd: {  	[tilespmem:s13+$0x8190] =	vst v0;
	v0 =	vadd.f32 v6, v1;
	v1 =	vld [tilespmem:s13+$0x8210]  }
0x3fe: {  	v6 =	vld [tilespmem:s13+$0x18210]  }
0x3ff: {  	[tilespmem:s13+$0x81A0] =	vst v0;
	v0 =	vadd.f32 v5, v2;
	v2 =	vld [tilespmem:s13+$0x8220]  }
0x400: {  	v5 =	vld [tilespmem:s13+$0x18220]  }
0x401: {  	[tilespmem:s13+$0x81B0] =	vst v0;
	v0 =	vadd.f32 v4, v3;
	v3 =	vld [tilespmem:s13+$0x8230]  }
0x402: {  	v4 =	vld [tilespmem:s13+$0x18230]  }
0x403: {  	[tilespmem:s13+$0x8200] =	vst v0;
	v0 =	vadd.f32 v6, v1;
	v1 =	vld [tilespmem:s13+$0x8280]  }
0x404: {  	v6 =	vld [tilespmem:s13+$0x18280]  }
0x405: {  	[tilespmem:s13+$0x8210] =	vst v0;
	v0 =	vadd.f32 v5, v2;
	v2 =	vld [tilespmem:s13+$0x8290]  }
0x406: {  	v5 =	vld [tilespmem:s13+$0x18290]  }
0x407: {  	[tilespmem:s13+$0x8220] =	vst v0;
	v0 =	vadd.f32 v4, v3;
	v3 =	vld [tilespmem:s13+$0x82A0]  }
0x408: {  	v4 =	vld [tilespmem:s13+$0x182A0]  }
0x409: {  	[tilespmem:s13+$0x8230] =	vst v0;
	v0 =	vadd.f32 v6, v1;
	v1 =	vld [tilespmem:s13+$0x82B0]  }
0x40a: {  	v6 =	vld [tilespmem:s13+$0x182B0]  }
0x40b: {  	[tilespmem:s13+$0x8280] =	vst v0;
	v0 =	vadd.f32 v5, v2;
	v2 =	vld [tilespmem:s13+$0x8300]  }
0x40c: {  	v5 =	vld [tilespmem:s13+$0x18300]  }
0x40d: {  	[tilespmem:s13+$0x8290] =	vst v0;
	v0 =	vadd.f32 v4, v3;
	v3 =	vld [tilespmem:s13+$0x8310]  }
0x40e: {  	v4 =	vld [tilespmem:s13+$0x18310]  }
0x40f: {  	[tilespmem:s13+$0x82A0] =	vst v0;
	v0 =	vadd.f32 v6, v1;
	v1 =	vld [tilespmem:s13+$0x8320]  }
0x410: {  	v6 =	vld [tilespmem:s13+$0x18320]  }
0x411: {  	[tilespmem:s13+$0x82B0] =	vst v0;
	v0 =	vadd.f32 v5, v2;
	v5 =	vld [tilespmem:s13+$0x8330]  }
0x412: {  	v7 =	vld [tilespmem:s13+$0x18330]  }
.Ltmp6:
0x413: {  	[tilespmem:s13+$0x8300] =	vst v0;
	v3 =	vadd.f32 v4, v3;
	v0 =	vld [tilespmem:s13+$0x8380];
	(pc) =	sbr.rel @p0 .LBB2_14-.Ltmp6, $4  }
0x414: {  	v2 =	vld [tilespmem:s13+$0x18380]  }
0x415: {  	[tilespmem:s13+$0x8310] =	vst v3;
	v4 =	vadd.f32 v6, v1;
	v1 =	vld [tilespmem:s13+$0x8390]  }
0x416: {  	v3 =	vld [tilespmem:s13+$0x18390]  }
0x417: {  	s15 =	sadd.s32 $0x1000, s15;
	[tilespmem:s13+$0x8320] =	vst v4;
	v5 =	vadd.f32 v7, v5;
	v4 =	vld [tilespmem:s13+$0x83A0]  }
0x418: {  	v6 =	vld [tilespmem:s13+$0x183A0];
	_ =	sdelay $0x2  }
0x419: {  	v0 =	vadd.f32 v2, v0  }
0x41a: {  	[tilespmem:s13+$0x8330] =	vst v5;
	v1 =	vadd.f32 v3, v1  }
0x41b: {  	[tilespmem:s13+$0x8380] =	vst v0;
	v0 =	vadd.f32 v6, v4  }
0x41c: {  	[tilespmem:s13+$0x8390] =	vst v1  }
0x41d: {  	s16 =	simm.s32 $0x0;
	[tilespmem:s13+$0x83A0] =	vst v0  }
0x41e: {  	[hbm4b:s25+s16] =	stream.linear.scatter [tilespmem:s18], [sflag:$0xB], $0x4000, $0x38;
	v63 =	vld [tilespmem:$0x0]  }
0x41f: {  	_ =	swait.ge [sflag:s9], $0x4000  }
0x420: {  	[sflag:s9] =	ssyncset.done $0x0  }
0x421: {  	[sflag:s9] =	ssyncadd.s32 $0xFFFFC000  }
0x422: {  	_ =	swait.ge [sflag:s10], $0x4000  }
0x423: {  	[sflag:s10] =	ssyncset.done $0x0  }
0x424: {  	s13 =	simm.s32 $0x0;
	[sflag:s10] =	ssyncadd.s32 $0xFFFFC000  }
0x425: {  	v0 =	vld [tilespmem:s13+$0xC3B0]  }
0x426: {  	v1 =	vld [tilespmem:s13+$0x1C3B0]  }
0x427: {  	v2 =	vld [tilespmem:s13+$0xC000]  }
0x428: {  	v3 =	vld [tilespmem:s13+$0x1C000]  }
0x429: {  	v4 =	vld [tilespmem:s13+$0xC010]  }
0x42a: {  	v5 =	vld [tilespmem:s13+$0x1C010]  }
0x42b: {  	v6 =	vld [tilespmem:s13+$0xC020]  }
0x42c: {  	v7 =	vld [tilespmem:s13+$0x1C020]  }
0x42d: {  	v8 =	vld [tilespmem:s13+$0xC030]  }
0x42e: {  	v9 =	vld [tilespmem:s13+$0x1C030]  }
0x42f: {  	v10 =	vld [tilespmem:s13+$0xC080]  }
0x430: {  	v11 =	vld [tilespmem:s13+$0x1C080]  }
0x431: {  	v12 =	vld [tilespmem:s13+$0xC090]  }
0x432: {  	v13 =	vld [tilespmem:s13+$0x1C090]  }
0x433: {  	v14 =	vld [tilespmem:s13+$0xC0A0]  }
0x434: {  	v15 =	vld [tilespmem:s13+$0x1C0A0]  }
0x435: {  	v16 =	vld [tilespmem:s13+$0xC0B0]  }
0x436: {  	v17 =	vld [tilespmem:s13+$0x1C0B0]  }
0x437: {  	v18 =	vld [tilespmem:s13+$0xC100]  }
0x438: {  	v19 =	vld [tilespmem:s13+$0x1C100]  }
0x439: {  	v20 =	vld [tilespmem:s13+$0xC110]  }
0x43a: {  	v21 =	vld [tilespmem:s13+$0x1C110]  }
0x43b: {  	v22 =	vld [tilespmem:s13+$0xC120]  }
0x43c: {  	v23 =	vld [tilespmem:s13+$0x1C120]  }
0x43d: {  	v24 =	vld [tilespmem:s13+$0xC130]  }
0x43e: {  	v25 =	vld [tilespmem:s13+$0x1C130]  }
0x43f: {  	v26 =	vld [tilespmem:s13+$0xC180]  }
0x440: {  	v27 =	vld [tilespmem:s13+$0x1C180]  }
0x441: {  	v28 =	vld [tilespmem:s13+$0xC190]  }
0x442: {  	v29 =	vld [tilespmem:s13+$0x1C190]  }
0x443: {  	v30 =	vld [tilespmem:s13+$0xC1A0]  }
0x444: {  	v31 =	vld [tilespmem:s13+$0x1C1A0]  }
0x445: {  	v32 =	vld [tilespmem:s13+$0xC1B0]  }
0x446: {  	v50 =	vld [tilespmem:s13+$0x1C220];
	v0 =	vadd.f32 v1, v0  }
0x447: {  	v51 =	vld [tilespmem:s13+$0xC230];
	v2 =	vadd.f32 v3, v2  }
0x448: {  	v52 =	vld [tilespmem:s13+$0x1C230];
	[tilespmem:s13+$0xC3B0] =	vst v0;
	v0 =	vadd.f32 v5, v4  }
0x449: {  	v53 =	vld [tilespmem:s13+$0xC280];
	[tilespmem:s13+$0xC000] =	vst v2;
	v2 =	vadd.f32 v7, v6  }
0x44a: {  	v54 =	vld [tilespmem:s13+$0x1C280];
	[tilespmem:s13+$0xC010] =	vst v0;
	v0 =	vadd.f32 v9, v8  }
0x44b: {  	v55 =	vld [tilespmem:s13+$0xC290];
	[tilespmem:s13+$0xC020] =	vst v2;
	v2 =	vadd.f32 v11, v10  }
0x44c: {  	v56 =	vld [tilespmem:s13+$0x1C290];
	[tilespmem:s13+$0xC030] =	vst v0;
	v0 =	vadd.f32 v13, v12  }
0x44d: {  	v57 =	vld [tilespmem:s13+$0xC2A0];
	[tilespmem:s13+$0xC080] =	vst v2;
	v2 =	vadd.f32 v15, v14  }
0x44e: {  	v58 =	vld [tilespmem:s13+$0x1C2A0];
	[tilespmem:s13+$0xC090] =	vst v0;
	v0 =	vadd.f32 v17, v16  }
0x44f: {  	v1 =	vld [tilespmem:s13+$0x1C1B0];
	[tilespmem:s13+$0xC0A0] =	vst v2;
	v2 =	vadd.f32 v19, v18  }
0x450: {  	v3 =	vld [tilespmem:s13+$0xC200];
	[tilespmem:s13+$0xC0B0] =	vst v0;
	v0 =	vadd.f32 v21, v20  }
0x451: {  	v4 =	vld [tilespmem:s13+$0x1C200];
	[tilespmem:s13+$0xC100] =	vst v2;
	v2 =	vadd.f32 v23, v22  }
0x452: {  	v5 =	vld [tilespmem:s13+$0xC210];
	[tilespmem:s13+$0xC110] =	vst v0;
	v0 =	vadd.f32 v25, v24  }
0x453: {  	v6 =	vld [tilespmem:s13+$0x1C210];
	[tilespmem:s13+$0xC120] =	vst v2;
	v2 =	vadd.f32 v27, v26  }
0x454: {  	v7 =	vld [tilespmem:s13+$0xC220];
	[tilespmem:s13+$0xC130] =	vst v0;
	v0 =	vadd.f32 v29, v28  }
0x455: {  	v59 =	vld [tilespmem:s13+$0xC2B0];
	[tilespmem:s13+$0xC180] =	vst v2;
	v2 =	vadd.f32 v31, v30  }
0x456: {  	v60 =	vld [tilespmem:s13+$0x1C320];
	[tilespmem:s13+$0xC190] =	vst v0;
	v0 =	vadd.f32 v1, v32  }
0x457: {  	v1 =	vld [tilespmem:s13+$0x1C2B0];
	[tilespmem:s13+$0xC1A0] =	vst v2;
	v2 =	vadd.f32 v4, v3  }
0x458: {  	v3 =	vld [tilespmem:s13+$0xC300];
	[tilespmem:s13+$0xC1B0] =	vst v0;
	v0 =	vadd.f32 v6, v5  }
0x459: {  	v4 =	vld [tilespmem:s13+$0x1C300];
	[tilespmem:s13+$0xC200] =	vst v2;
	v2 =	vadd.f32 v50, v7  }
0x45a: {  	v5 =	vld [tilespmem:s13+$0xC310];
	[tilespmem:s13+$0xC210] =	vst v0;
	v0 =	vadd.f32 v52, v51  }
0x45b: {  	v6 =	vld [tilespmem:s13+$0x1C310];
	[tilespmem:s13+$0xC220] =	vst v2;
	v2 =	vadd.f32 v54, v53  }
0x45c: {  	v7 =	vld [tilespmem:s13+$0xC320];
	v1 =	vadd.f32 v1, v59;
	[tilespmem:s13+$0xC230] =	vst v0  }
0x45d: {  	v61 =	vld [tilespmem:s13+$0xC330];
	v0 =	vadd.f32 v56, v55;
	[tilespmem:s13+$0xC280] =	vst v2  }
0x45e: {  	v62 =	vld [tilespmem:s13+$0x1C330];
	v2 =	vadd.f32 v58, v57;
	[tilespmem:s13+$0xC2B0] =	vst v1  }
0x45f: {  	v3 =	vadd.f32 v4, v3;
	[tilespmem:s13+$0xC290] =	vst v0;
	v0 =	vld [tilespmem:s13+$0xC380]  }
0x460: {  	v4 =	vadd.f32 v6, v5;
	[tilespmem:s13+$0xC2A0] =	vst v2;
	v2 =	vld [tilespmem:s13+$0x1C380]  }
0x461: {  	[tilespmem:s13+$0xC300] =	vst v3;
	v5 =	vadd.f32 v60, v7;
	v1 =	vld [tilespmem:s13+$0xC390]  }
0x462: {  	v3 =	vld [tilespmem:s13+$0x1C390];
	[tilespmem:s13+$0xC310] =	vst v4  }
0x463: {  	s14 =	simm.s32 $0x0;
	s15 =	simm.s32 $0x1000;
	[tilespmem:s13+$0xC320] =	vst v5;
	v5 =	vadd.f32 v62, v61;
	v4 =	vld [tilespmem:s13+$0xC3A0]  }
.LBB2_16:
0x464: {  	s16 =	sshra.s32 s15, $0x2;
	v6 =	vld [tilespmem:s13+$0x1C3A0]  }
0x465: {  	s14 =	sadd.s32 $0x8, s14;
	v7 =	vld [tilespmem:s16+$0xC3B0];
	[tilespmem:s13+$0xC330] =	vst v5;
	v0 =	vadd.f32 v2, v0  }
0x466: {  	p0 =	slt.u32 s14, $0x78;
	v2 =	vld [tilespmem:s16+$0x1C3B0]  }
0x467: {  	v5 =	vld [tilespmem:s16+$0xC000];
	[tilespmem:s13+$0xC380] =	vst v0;
	v0 =	vadd.f32 v3, v1  }
0x468: {  	v1 =	vld [tilespmem:s16+$0x1C000]  }
0x469: {  	v3 =	vld [tilespmem:s16+$0xC010];
	[tilespmem:s13+$0xC390] =	vst v0;
	v0 =	vadd.f32 v6, v4  }
0x46a: {  	v4 =	vld [tilespmem:s16+$0x1C010]  }
0x46b: {  	v6 =	vld [tilespmem:s16+$0xC020];
	v2 =	vadd.f32 v2, v7;
	[tilespmem:s13+$0xC3A0] =	vst v0;
	s13 =	smov.u32 s16  }
0x46c: {  	v0 =	vld [tilespmem:s13+$0x1C020]  }
0x46d: {  	v1 =	vadd.f32 v1, v5;
	v5 =	vld [tilespmem:s13+$0xC030];
	[tilespmem:s13+$0xC3B0] =	vst v2  }
0x46e: {  	v2 =	vld [tilespmem:s13+$0x1C030]  }
0x46f: {  	[tilespmem:s13+$0xC000] =	vst v1;
	v1 =	vadd.f32 v4, v3;
	v3 =	vld [tilespmem:s13+$0xC080]  }
0x470: {  	v4 =	vld [tilespmem:s13+$0x1C080]  }
0x471: {  	[tilespmem:s13+$0xC010] =	vst v1;
	v0 =	vadd.f32 v0, v6;
	v1 =	vld [tilespmem:s13+$0xC090]  }
0x472: {  	v6 =	vld [tilespmem:s13+$0x1C090]  }
0x473: {  	[tilespmem:s13+$0xC020] =	vst v0;
	v0 =	vadd.f32 v2, v5;
	v2 =	vld [tilespmem:s13+$0xC0A0]  }
0x474: {  	v5 =	vld [tilespmem:s13+$0x1C0A0]  }
0x475: {  	[tilespmem:s13+$0xC030] =	vst v0;
	v0 =	vadd.f32 v4, v3;
	v3 =	vld [tilespmem:s13+$0xC0B0]  }
0x476: {  	v4 =	vld [tilespmem:s13+$0x1C0B0]  }
0x477: {  	[tilespmem:s13+$0xC080] =	vst v0;
	v0 =	vadd.f32 v6, v1;
	v1 =	vld [tilespmem:s13+$0xC100]  }
0x478: {  	v6 =	vld [tilespmem:s13+$0x1C100]  }
0x479: {  	[tilespmem:s13+$0xC090] =	vst v0;
	v0 =	vadd.f32 v5, v2;
	v2 =	vld [tilespmem:s13+$0xC110]  }
0x47a: {  	v5 =	vld [tilespmem:s13+$0x1C110]  }
0x47b: {  	[tilespmem:s13+$0xC0A0] =	vst v0;
	v0 =	vadd.f32 v4, v3;
	v3 =	vld [tilespmem:s13+$0xC120]  }
0x47c: {  	v4 =	vld [tilespmem:s13+$0x1C120]  }
0x47d: {  	[tilespmem:s13+$0xC0B0] =	vst v0;
	v0 =	vadd.f32 v6, v1;
	v1 =	vld [tilespmem:s13+$0xC130]  }
0x47e: {  	v6 =	vld [tilespmem:s13+$0x1C130]  }
0x47f: {  	[tilespmem:s13+$0xC100] =	vst v0;
	v0 =	vadd.f32 v5, v2;
	v2 =	vld [tilespmem:s13+$0xC180]  }
0x480: {  	v5 =	vld [tilespmem:s13+$0x1C180]  }
0x481: {  	[tilespmem:s13+$0xC110] =	vst v0;
	v0 =	vadd.f32 v4, v3;
	v3 =	vld [tilespmem:s13+$0xC190]  }
0x482: {  	v4 =	vld [tilespmem:s13+$0x1C190]  }
0x483: {  	[tilespmem:s13+$0xC120] =	vst v0;
	v0 =	vadd.f32 v6, v1;
	v1 =	vld [tilespmem:s13+$0xC1A0]  }
0x484: {  	v6 =	vld [tilespmem:s13+$0x1C1A0]  }
0x485: {  	[tilespmem:s13+$0xC130] =	vst v0;
	v0 =	vadd.f32 v5, v2;
	v2 =	vld [tilespmem:s13+$0xC1B0]  }
0x486: {  	v5 =	vld [tilespmem:s13+$0x1C1B0]  }
0x487: {  	[tilespmem:s13+$0xC180] =	vst v0;
	v0 =	vadd.f32 v4, v3;
	v3 =	vld [tilespmem:s13+$0xC200]  }
0x488: {  	v4 =	vld [tilespmem:s13+$0x1C200]  }
0x489: {  	[tilespmem:s13+$0xC190] =	vst v0;
	v0 =	vadd.f32 v6, v1;
	v1 =	vld [tilespmem:s13+$0xC210]  }
0x48a: {  	v6 =	vld [tilespmem:s13+$0x1C210]  }
0x48b: {  	[tilespmem:s13+$0xC1A0] =	vst v0;
	v0 =	vadd.f32 v5, v2;
	v2 =	vld [tilespmem:s13+$0xC220]  }
0x48c: {  	v5 =	vld [tilespmem:s13+$0x1C220]  }
0x48d: {  	[tilespmem:s13+$0xC1B0] =	vst v0;
	v0 =	vadd.f32 v4, v3;
	v3 =	vld [tilespmem:s13+$0xC230]  }
0x48e: {  	v4 =	vld [tilespmem:s13+$0x1C230]  }
0x48f: {  	[tilespmem:s13+$0xC200] =	vst v0;
	v0 =	vadd.f32 v6, v1;
	v1 =	vld [tilespmem:s13+$0xC280]  }
0x490: {  	v6 =	vld [tilespmem:s13+$0x1C280]  }
0x491: {  	[tilespmem:s13+$0xC210] =	vst v0;
	v0 =	vadd.f32 v5, v2;
	v2 =	vld [tilespmem:s13+$0xC290]  }
0x492: {  	v5 =	vld [tilespmem:s13+$0x1C290]  }
0x493: {  	[tilespmem:s13+$0xC220] =	vst v0;
	v0 =	vadd.f32 v4, v3;
	v3 =	vld [tilespmem:s13+$0xC2A0]  }
0x494: {  	v4 =	vld [tilespmem:s13+$0x1C2A0]  }
0x495: {  	[tilespmem:s13+$0xC230] =	vst v0;
	v0 =	vadd.f32 v6, v1;
	v1 =	vld [tilespmem:s13+$0xC2B0]  }
0x496: {  	v6 =	vld [tilespmem:s13+$0x1C2B0]  }
0x497: {  	[tilespmem:s13+$0xC280] =	vst v0;
	v0 =	vadd.f32 v5, v2;
	v2 =	vld [tilespmem:s13+$0xC300]  }
0x498: {  	v5 =	vld [tilespmem:s13+$0x1C300]  }
0x499: {  	[tilespmem:s13+$0xC290] =	vst v0;
	v0 =	vadd.f32 v4, v3;
	v3 =	vld [tilespmem:s13+$0xC310]  }
0x49a: {  	v4 =	vld [tilespmem:s13+$0x1C310]  }
0x49b: {  	[tilespmem:s13+$0xC2A0] =	vst v0;
	v0 =	vadd.f32 v6, v1;
	v1 =	vld [tilespmem:s13+$0xC320]  }
0x49c: {  	v6 =	vld [tilespmem:s13+$0x1C320]  }
0x49d: {  	[tilespmem:s13+$0xC2B0] =	vst v0;
	v0 =	vadd.f32 v5, v2;
	v5 =	vld [tilespmem:s13+$0xC330]  }
0x49e: {  	v7 =	vld [tilespmem:s13+$0x1C330]  }
.Ltmp7:
0x49f: {  	[tilespmem:s13+$0xC300] =	vst v0;
	v3 =	vadd.f32 v4, v3;
	v0 =	vld [tilespmem:s13+$0xC380];
	(pc) =	sbr.rel @p0 .LBB2_16-.Ltmp7, $4  }
0x4a0: {  	v2 =	vld [tilespmem:s13+$0x1C380]  }
0x4a1: {  	[tilespmem:s13+$0xC310] =	vst v3;
	v4 =	vadd.f32 v6, v1;
	v1 =	vld [tilespmem:s13+$0xC390]  }
0x4a2: {  	v3 =	vld [tilespmem:s13+$0x1C390]  }
0x4a3: {  	s15 =	sadd.s32 $0x1000, s15;
	[tilespmem:s13+$0xC320] =	vst v4;
	v5 =	vadd.f32 v7, v5;
	v4 =	vld [tilespmem:s13+$0xC3A0]  }
0x4a4: {  	v6 =	vld [tilespmem:s13+$0x1C3A0];
	_ =	sdelay $0x2  }
0x4a5: {  	v0 =	vadd.f32 v2, v0  }
0x4a6: {  	[tilespmem:s13+$0xC330] =	vst v5;
	v1 =	vadd.f32 v3, v1  }
0x4a7: {  	[tilespmem:s13+$0xC380] =	vst v0;
	v62 =	vadd.f32 v6, v4  }
0x4a8: {  	[tilespmem:s13+$0xC390] =	vst v1  }
0x4a9: {  	[tilespmem:s13+$0xC3A0] =	vst v62  }
0x4aa: {  	[hbm4b:s26+s0] =	stream.linear.scatter [tilespmem:s29], [sflag:$0xC], $0x4000, $0x38;
	v63 =	vld [tilespmem:$0x0]  }
0x4ab: {  	_ =	swait.ge [sflag:s2], $0x4000  }
0x4ac: {  	[sflag:s2] =	ssyncset.done $0x0  }
0x4ad: {  	[sflag:s2] =	ssyncadd.s32 $0xFFFFC000  }
0x4ae: {  	_ =	swait.ge [sflag:s5], $0x4000  }
0x4af: {  	[sflag:s5] =	ssyncset.done $0x0  }
0x4b0: {  	s12 =	sadd.s32 $0x1, s12;
	[sflag:s5] =	ssyncadd.s32 $0xFFFFC000  }
0x4b1: {  	p0 =	sne.s32 s12, s28;
	_ =	swait.ge [sflag:s8], $0x4000  }
.Ltmp8:
0x4b2: {  	[sflag:s8] =	ssyncset.done $0x0;
	(pc) =	sbr.rel @p0 .LBB2_1-.Ltmp8, $4  }
0x4b3: {  	[sflag:s8] =	ssyncadd.s32 $0xFFFFC000  }
0x4b4: {  	_ =	swait.ge [sflag:s11], $0x4000  }
0x4b5: {  	[sflag:s11] =	ssyncset.done $0x0  }
0x4b6: {  	[sflag:s11] =	ssyncadd.s32 $0xFFFFC000  }
0x4b7: {  	_ =	sfence.sel $0x180000  }
0x4b8: {  	[bflag:$0x0] =	sbarrier.arrive $0xFFFF  }
0x4b9: {  	_ =	strace $0x90000047  }
0x4ba: {  	s0 =	stileid.u32;
	[bflag:$0x2] =	sbarrier.arrive $0xFFFF  }
0x4bb: {  	p0 =	sne.s32 s0, $0x0;
	s0 =	rddreg [dreg:$0x1]  }
0x4bc: {  	s0 =	sadd.s32 @!p0 $0x100000, s0  }
0x4bd: {  	[sflag:s0] =	ssyncadd.tile.s32 @!p0 $0x1;
	_ =	shalt  }
.Lfunc_end2:
_tile_overlayer_lowered:
.L_overlay_start_2:
0x4be: {  	(tag) =	ssettag $0x2  }
0x4bf: {  	s0 =	rddreg [dreg:$0x0];
	s2 =	stileid.u32  }
0x4c0: {  	s1 =	rddreg [dreg:$0x1];
	p0 =	sne.s32 s2, $0x0  }
0x4c1: {  	s3 =	rddreg [dreg:$0x2];
	[bflag:$0x3] =	sbarrier.arrive $0xFFFF;
	s2 =	simm.s32 @!p0 $0x1C0D  }
0x4c2: {  	[timem:s3], [sflag:s2] =	dma.local @!p0 [hbm:s0], s1  }
0x4c3: {  	s0 =	simm.s32 @!p0 $0xD  }
0x4c4: {  	_ =	swait.ge @!p0 [sflag:s0], s1  }
0x4c5: {  	s1 =	ssub.s32 @!p0 $0x0, s1;
	[sflag:s0] =	ssyncset.done @!p0 $0x0  }
0x4c6: {  	[sflag:s0] =	ssyncadd.s32 @!p0 s1  }
0x4c7: {  	[bflag:$0x3] =	sbarrier.arrive $0xFFFF  }
0x4c8: {  	_ =	shalt  }

</sc_bundles>
